<compile_context>
chip_gen: v7x
topology: tpu7x:2x2x1
jax: 0.10.2.dev20260603
libtpu: 0.0.44.dev20260713+nightly
codegen_flags: <defaults>
</compile_context>

<pallas_src>
import functools

import jax
import jax.numpy as jnp
from jax import lax
from jax.experimental import pallas as pl
from jax.experimental.pallas import tpu as pltpu
from jax.experimental.pallas import tpu_sc as plsc

B = 4096
T = 50
TP = 64
D = 16
PR = TP * D // 128
NW = 32
CH = 128

SLOTS = B * TP
SPW = SLOTS // NW
NCH = SPW // CH
HALF = SPW // 2

BPW = B // NW
WPT = 26 * BPW // CH
WSPW = 26 * BPW

_mesh = plsc.VectorSubcoreMesh(core_axis_name="c", subcore_axis_name="s")
_sc_params = pltpu.CompilerParams(use_tc_tiling_on_sc=False)


def _wid():
    return lax.axis_index("s") * 2 + lax.axis_index("c")


@functools.partial(
    pl.kernel,
    out_type=(
        jax.ShapeDtypeStruct((SLOTS, D), jnp.float32),
        jax.ShapeDtypeStruct((SLOTS, D), jnp.float32),
        jax.ShapeDtypeStruct((B * 2, D), jnp.float32),
        jax.ShapeDtypeStruct((B, D), jnp.float32),
    ),
    mesh=_mesh,
    compiler_params=_sc_params,
    scratch_types=[
        pltpu.VMEM((NCH, CH), jnp.int32),
        pltpu.VMEM((NCH, CH), jnp.int32),
        pltpu.VMEM((NCH, CH), jnp.int32),
        pltpu.VMEM((HALF, D), jnp.float32),
        pltpu.VMEM((2 * BPW // CH, CH), jnp.int32),
        pltpu.VMEM((BPW // CH, CH), jnp.int32),
        pltpu.VMEM((3 * BPW, D), jnp.float32),
        pltpu.SemaphoreType.DMA,
        pltpu.SemaphoreType.DMA,
    ],
)
def _sc_seq_gather(din_hbm, ids1_hbm, ids3_hbm, pos_hbm,
                   tid_hbm, oid_hbm,
                   s1_hbm, s3_hbm, tgtf_hbm, othf_hbm,
                   pos_v, ids1_v, ids3_v, rows_v,
                   tid_v, oid_v, to_v,
                   sem, sem2):
    w = _wid()
    pltpu.sync_copy(pos_hbm.at[w], pos_v)
    pltpu.sync_copy(tid_hbm.at[w], tid_v)
    pltpu.sync_copy(oid_hbm.at[w], oid_v)

    for c in range(2):
        pltpu.async_copy(din_hbm.at[tid_v.at[c]],
                         to_v.at[pl.ds(c * CH, CH)], sem)
    pltpu.async_copy(din_hbm.at[oid_v.at[0]], to_v.at[pl.ds(2 * CH, CH)], sem)

    def fire_ids(c, carry):
        pltpu.async_copy(ids1_hbm.at[pos_v.at[c]], ids1_v.at[c], sem2)
        pltpu.async_copy(ids3_hbm.at[pos_v.at[c]], ids3_v.at[c], sem2)
        return carry
    lax.fori_loop(0, NCH, fire_ids, 0)
    pltpu.make_async_copy(pos_hbm.at[w], ids1_v, sem2).wait()
    pltpu.make_async_copy(pos_hbm.at[w], ids3_v, sem2).wait()

    for i1, out_hbm in ((0, s1_hbm), (1, s3_hbm)):
        ids_v = ids1_v if i1 == 0 else ids3_v
        for h in range(2):
            def fire_rows(c, carry, ids_v=ids_v, h=h):
                pltpu.async_copy(din_hbm.at[ids_v.at[c]],
                                 rows_v.at[pl.ds((c - h * (NCH // 2)) * CH, CH)],
                                 sem2)
                return carry
            lax.fori_loop(h * (NCH // 2), (h + 1) * (NCH // 2), fire_rows, 0)
            pltpu.make_async_copy(s1_hbm.at[pl.ds(0, HALF)], rows_v, sem2).wait()
            pltpu.sync_copy(rows_v, out_hbm.at[pl.ds(w * SPW + h * HALF, HALF)])

    pltpu.make_async_copy(tgtf_hbm.at[pl.ds(0, 3 * CH)], to_v, sem).wait()
    pltpu.sync_copy(to_v.at[pl.ds(0, 2 * BPW)],
                    tgtf_hbm.at[pl.ds(w * 2 * BPW, 2 * BPW)])
    pltpu.sync_copy(to_v.at[pl.ds(2 * BPW, BPW)],
                    othf_hbm.at[pl.ds(w * BPW, BPW)])


@functools.partial(
    pl.kernel,
    out_type=(
        jax.ShapeDtypeStruct((B * 26, D), jnp.float32),
        jax.ShapeDtypeStruct((B * 26, D), jnp.float32),
    ),
    mesh=_mesh,
    compiler_params=_sc_params,
    scratch_types=[
        pltpu.VMEM((WPT, CH), jnp.int32),
        pltpu.VMEM((WPT, CH), jnp.int32),
        pltpu.VMEM((WSPW, D), jnp.float32),
        pltpu.SemaphoreType.DMA,
    ],
)
def _sc_table_gather(wide_t_hbm, deep_t_hbm, wid_hbm, did_hbm,
                     widef_hbm, deepf_hbm,
                     wid_v, did_v, rows_v, sem):
    w = _wid()
    pltpu.sync_copy(wid_hbm.at[w], wid_v)
    pltpu.sync_copy(did_hbm.at[w], did_v)

    for j in range(2):
        ids_v = wid_v if j == 0 else did_v
        table = wide_t_hbm if j == 0 else deep_t_hbm
        out_hbm = widef_hbm if j == 0 else deepf_hbm

        def fire(c, carry, ids_v=ids_v, table=table):
            pltpu.async_copy(table.at[ids_v.at[c]],
                             rows_v.at[pl.ds(c * CH, CH)], sem)
            return carry
        lax.fori_loop(0, WPT, fire, 0)
        pltpu.make_async_copy(out_hbm.at[pl.ds(0, WSPW)], rows_v, sem).wait()
        pltpu.sync_copy(rows_v, out_hbm.at[pl.ds(w * WSPW, WSPW)])


BB = 256
GRID = B // BB
BB2 = 1024
GRID2 = B // BB2


def _dice_k(x, alpha):
    p = jax.nn.sigmoid(x)
    return p * x + (1.0 - p) * alpha * x


def _rep_rows(x, n):
    return jnp.broadcast_to(x[:, None, :], (x.shape[0], n, x.shape[1])
                            ).reshape(x.shape[0] * n, x.shape[1])


def _tc_att_body(s1p_ref, s3p_ref, q1t_ref, q2t_ref, oth_ref, len_ref,
                 k1_ref, k2_ref, k3_ref, k4_ref, kaq1_ref, kaq2_ref,
                 ab1t_ref, aa1t_ref, kw2_ref, ab2t_ref, aa2t_ref, kw3_ref,
                 rmat_ref, smat_ref,
                 mb0_ref, mb1_ref, mb2_ref, mb3_ref, mb4_ref,
                 mpb1_ref, mpa1_ref, mw2_ref, mpb2_ref, mpa2_ref, mw3_ref,
                 scal_ref, out_ref):
    f32 = jnp.float32
    dot = functools.partial(jnp.dot, preferred_element_type=f32)
    s1p = s1p_ref[...]
    s3p = s3p_ref[...]
    q1t = q1t_ref[...]
    q2t = q2t_ref[...]

    q1p = _rep_rows(q1t, PR)
    q2p = _rep_rows(q2t, PR)
    qs1p = q1p * s1p
    qs3p = q2p * s3p

    h = (dot(s1p, k1_ref[...]) + dot(s3p, k2_ref[...])
         + dot(qs1p, k3_ref[...]) + dot(qs3p, k4_ref[...]))
    cqt = dot(q1t, kaq1_ref[...]) + dot(q2t, kaq2_ref[...])
    h = h + _rep_rows(cqt, PR) + ab1t_ref[...]
    h = _dice_k(h, aa1t_ref[...])
    h2 = _dice_k(dot(h, kw2_ref[...]) + ab2t_ref[...], aa2t_ref[...])
    scores = dot(h2, kw3_ref[...]) + scal_ref[0, 0]

    row8 = lax.broadcasted_iota(jnp.int32, (BB * PR, 8), 0) % PR
    colj = lax.broadcasted_iota(jnp.int32, (BB * PR, 8), 1)
    lenp = _rep_rows(len_ref[...], PR)
    mask = (row8 * 8 + colj) < lenp
    scores = jnp.where(mask, scores, -1e9)

    mglob = jnp.max(scores)
    e = jnp.exp(scores - mglob)
    rs = jnp.sum(e, axis=1, keepdims=True)
    denom = jnp.sum(rs.reshape(BB, PR, 1), axis=1)
    wp = e / _rep_rows(denom, PR)

    wE = dot(wp, rmat_ref[...])
    pe1 = jnp.sum((wE * s1p).reshape(BB, PR, 128), axis=1)
    pe3 = jnp.sum((wE * s3p).reshape(BB, PR, 128), axis=1)
    pooled1 = dot(pe1, smat_ref[...])
    pooled3 = dot(pe3, smat_ref[...])

    q1 = q1t[:, :D]
    q2 = q2t[:, :D]
    z = (dot(oth_ref[...], mb0_ref[...]) + dot(pooled1, mb1_ref[...])
         + dot(pooled3, mb2_ref[...]) + dot(q1, mb3_ref[...])
         + dot(q2, mb4_ref[...]) + mpb1_ref[...])
    z = _dice_k(z, mpa1_ref[...])
    z = _dice_k(dot(z, mw2_ref[...]) + mpb2_ref[...], mpa2_ref[...])
    out_ref[...] = jnp.sum(z * mw3_ref[...], axis=-1)[:, None]


def _tc_fin_body(dino_ref, widef_ref, deepf_ref,
                 lrw_ref, dw1_ref, db1_ref, dw2_ref, db2_ref, dw3_ref,
                 scal_ref, out_ref):
    f32 = jnp.float32
    dot = functools.partial(jnp.dot, preferred_element_type=f32)
    lr_o = jnp.sum(widef_ref[...] * lrw_ref[...], axis=-1, keepdims=True)

    hd = jnp.maximum(dot(deepf_ref[...], dw1_ref[...]) + db1_ref[...], 0.0)
    hd = jnp.maximum(dot(hd, dw2_ref[...]) + db2_ref[...], 0.0)
    deep_o = jnp.sum(hd * dw3_ref[...], axis=-1, keepdims=True)

    bias = scal_ref[0, 1] + scal_ref[0, 2] + scal_ref[0, 3]
    out_ref[...] = jax.nn.sigmoid(dino_ref[...] + lr_o + deep_o + bias)


def _full(shape):
    n = len(shape)
    return pl.BlockSpec(shape, lambda i, n=n: (0,) * n)


def kernel(params, seq_ids_1, seq_ids_3, cu_seqlens, target_ids, other_ids,
           wide_ids, deep_ids):
    f32 = jnp.float32
    cu = cu_seqlens.astype(jnp.int32)
    lengths = (cu[1:] - cu[:-1]).reshape(B, 1)
    total = seq_ids_1.shape[0]
    pos = jnp.clip(cu[:-1, None] + jnp.arange(TP, dtype=jnp.int32),
                   0, total - 1)
    pos3d = pos.reshape(NW, NCH, CH)

    s1f, s3f, tgtf, othf = _sc_seq_gather(
        params['din_table'], seq_ids_1, seq_ids_3, pos3d,
        target_ids.reshape(NW, 2 * BPW // CH, CH),
        other_ids.reshape(NW, BPW // CH, CH))

    widef, deepf = _sc_table_gather(
        params['wide_table'], params['deep_table'],
        wide_ids.reshape(NW, WPT, CH), deep_ids.reshape(NW, WPT, CH))

    s1p = s1f.reshape(B * PR, 128)
    s3p = s3f.reshape(B * PR, 128)
    tgt = tgtf.reshape(B, 2, D)
    q1t = jnp.tile(tgt[:, 0, :], (1, 128 // D))
    q2t = jnp.tile(tgt[:, 1, :], (1, 128 // D))
    oth = othf
    widef2 = widef.reshape(B, 26 * D)
    deepf2 = deepf.reshape(B, 26 * D)

    W1 = params['att_W1']
    W1q, W1s, W1d, W1m = W1[0:32], W1[32:64], W1[64:96], W1[96:128]
    As = W1s - W1d
    Aq = W1q + W1d
    eye8 = jnp.eye(128 // D, dtype=f32)
    krn = lambda wgt: jnp.kron(eye8, wgt)
    tl = lambda v: jnp.tile(v.reshape(1, -1), (1, 128 // D))

    mlpW1 = params['mlp_W1']
    mb = [mlpW1[i * D:(i + 1) * D] for i in range(5)]

    r1 = lambda v: v.reshape(1, -1)
    scal = jnp.stack([params['att_b3'][0], params['mlp_b3'][0],
                      params['lr_b'][0], params['deep_b3'][0]]).reshape(1, 4)

    att_ins = [
        krn(As[:D]), krn(As[D:]), krn(W1m[:D]), krn(W1m[D:]),
        krn(Aq[:D]), krn(Aq[D:]),
        tl(params['att_b1']), tl(params['att_a1']), krn(params['att_W2']),
        tl(params['att_b2']), tl(params['att_a2']), krn(params['att_W3']),
        jnp.kron(eye8, jnp.ones((1, D), f32)),
        jnp.tile(jnp.eye(D, dtype=f32), (128 // D, 1)),
        mb[0], mb[1], mb[2], mb[3], mb[4],
        r1(params['mlp_b1']), r1(params['mlp_a1']), params['mlp_W2'],
        r1(params['mlp_b2']), r1(params['mlp_a2']), r1(params['mlp_W3'][:, 0]),
        scal,
    ]

    att_specs = [
        pl.BlockSpec((BB * PR, 128), lambda i: (i, 0)),
        pl.BlockSpec((BB * PR, 128), lambda i: (i, 0)),
        pl.BlockSpec((BB, 128), lambda i: (i, 0)),
        pl.BlockSpec((BB, 128), lambda i: (i, 0)),
        pl.BlockSpec((BB, D), lambda i: (i, 0)),
        pl.BlockSpec((BB, 1), lambda i: (i, 0)),
    ] + [_full(w.shape) for w in att_ins]

    din_o = pl.pallas_call(
        _tc_att_body,
        grid=(GRID,),
        in_specs=att_specs,
        out_specs=pl.BlockSpec((BB, 1), lambda i: (i, 0)),
        out_shape=jax.ShapeDtypeStruct((B, 1), jnp.float32),
    )(s1p, s3p, q1t, q2t, oth, lengths, *att_ins)

    fin_ins = [
        r1(params['lr_w'][:, 0]),
        params['deep_W1'], r1(params['deep_b1']), params['deep_W2'],
        r1(params['deep_b2']), r1(params['deep_W3'][:, 0]),
        scal,
    ]
    fin_specs = [
        pl.BlockSpec((BB2, 1), lambda i: (i, 0)),
        pl.BlockSpec((BB2, 26 * D), lambda i: (i, 0)),
        pl.BlockSpec((BB2, 26 * D), lambda i: (i, 0)),
    ] + [_full(w.shape) for w in fin_ins]

    out = pl.pallas_call(
        _tc_fin_body,
        grid=(GRID2,),
        in_specs=fin_specs,
        out_specs=pl.BlockSpec((BB2, 1), lambda i: (i, 0)),
        out_shape=jax.ShapeDtypeStruct((B, 1), jnp.float32),
    )(din_o, widef2, deepf2, *fin_ins)
    return out

# --- scband reference (transcript-rebuilt; emitter-appended) ---
"""Pipeline reference for scband-din-17566416241312 (READ-ONLY COPY).

The authoritative reference and input builder live on the scoring server;
editing this copy changes nothing except your own understanding.
"""

import jax, jax.numpy as jnp
import numpy as np

B = 4096
MAX_LEN = 50
D = 16
VOCAB = 100000
N_WIDE = 26
N_DEEP = 26


def _dice(x, alpha):
    # Dice activation with BatchNorm in eval mode (running_mean=0, running_var=1 -> identity)
    p = jax.nn.sigmoid(x)
    return p * x + (1.0 - p) * alpha * x


def setup_inputs(seed: int = 0) -> dict:
    rng = np.random.default_rng(0)
    lengths = rng.integers(1, MAX_LEN + 1, size=B)
    cu = np.concatenate([[0], np.cumsum(lengths)]).astype(np.int32)
    total = int(cu[-1])
    seq_ids_1 = jnp.asarray(rng.integers(0, VOCAB, size=total), dtype=jnp.int32)
    seq_ids_3 = jnp.asarray(rng.integers(0, VOCAB, size=total), dtype=jnp.int32)
    target_ids = jnp.asarray(rng.integers(0, VOCAB, size=(B, 2)), dtype=jnp.int32)
    other_ids = jnp.asarray(rng.integers(0, VOCAB, size=(B, 1)), dtype=jnp.int32)
    wide_ids = jnp.asarray(rng.integers(0, VOCAB, size=(B, N_WIDE)), dtype=jnp.int32)
    deep_ids = jnp.asarray(rng.integers(0, VOCAB, size=(B, N_DEEP)), dtype=jnp.int32)

    key = jax.random.key(seed)
    ks = jax.random.split(key, 16)
    n = jax.random.normal
    params = {
        'din_table': 0.01 * n(ks[0], (VOCAB, D), dtype=jnp.float32),
        'wide_table': 0.01 * n(ks[1], (VOCAB, D), dtype=jnp.float32),
        'deep_table': 0.01 * n(ks[2], (VOCAB, D), dtype=jnp.float32),
        'att_W1': 0.1 * n(ks[3], (4 * 2 * D, 16), dtype=jnp.float32),
        'att_b1': jnp.zeros((16,), jnp.float32),
        'att_a1': jnp.zeros((16,), jnp.float32),
        'att_W2': 0.1 * n(ks[4], (16, 8), dtype=jnp.float32),
        'att_b2': jnp.zeros((8,), jnp.float32),
        'att_a2': jnp.zeros((8,), jnp.float32),
        'att_W3': 0.1 * n(ks[5], (8, 1), dtype=jnp.float32),
        'att_b3': jnp.zeros((1,), jnp.float32),
        'mlp_W1': 0.1 * n(ks[6], (5 * D, 32), dtype=jnp.float32),
        'mlp_b1': jnp.zeros((32,), jnp.float32),
        'mlp_a1': jnp.zeros((32,), jnp.float32),
        'mlp_W2': 0.1 * n(ks[7], (32, 16), dtype=jnp.float32),
        'mlp_b2': jnp.zeros((16,), jnp.float32),
        'mlp_a2': jnp.zeros((16,), jnp.float32),
        'mlp_W3': 0.1 * n(ks[8], (16, 1), dtype=jnp.float32),
        'mlp_b3': jnp.zeros((1,), jnp.float32),
        'lr_w': 0.1 * n(ks[9], (N_WIDE * D, 1), dtype=jnp.float32),
        'lr_b': jnp.zeros((1,), jnp.float32),
        'deep_W1': 0.1 * n(ks[10], (N_DEEP * D, 32), dtype=jnp.float32),
        'deep_b1': jnp.zeros((32,), jnp.float32),
        'deep_W2': 0.1 * n(ks[11], (32, 16), dtype=jnp.float32),
        'deep_b2': jnp.zeros((16,), jnp.float32),
        'deep_W3': 0.1 * n(ks[12], (16, 1), dtype=jnp.float32),
        'deep_b3': jnp.zeros((1,), jnp.float32),
    }
    return {
        'params': params,
        'seq_ids_1': seq_ids_1,
        'seq_ids_3': seq_ids_3,
        'cu_seqlens': jnp.asarray(cu),
        'target_ids': target_ids,
        'other_ids': other_ids,
        'wide_ids': wide_ids,
        'deep_ids': deep_ids,
    }


def reference(params, seq_ids_1, seq_ids_3, cu_seqlens, target_ids, other_ids, wide_ids, deep_ids):
    din = params['din_table']
    # ragged -> padded (pad_sequence + get_seq_length equivalent)
    lengths = cu_seqlens[1:] - cu_seqlens[:-1]
    t_idx = jnp.arange(MAX_LEN)
    pos = cu_seqlens[:-1, None] + t_idx[None, :]
    mask = t_idx[None, :] < lengths[:, None]
    pos = jnp.clip(pos, 0, seq_ids_1.shape[0] - 1)
    s1 = din[seq_ids_1[pos]]
    s3 = din[seq_ids_3[pos]]
    seq_emb = jnp.concatenate([s1, s3], axis=-1) * mask[..., None]  # [B, T, 2D]
    tgt = din[target_ids].reshape(B, 2 * D)
    oth = din[other_ids].reshape(B, D)
    # DIN attention layer
    q = jnp.broadcast_to(tgt[:, None, :], seq_emb.shape)
    att_in = jnp.concatenate([q, seq_emb, q - seq_emb, q * seq_emb], axis=-1)
    h = _dice(att_in @ params['att_W1'] + params['att_b1'], params['att_a1'])
    h = _dice(h @ params['att_W2'] + params['att_b2'], params['att_a2'])
    scores = (h @ params['att_W3'] + params['att_b3'])[..., 0]
    scores = jnp.where(mask, scores, -1e9)
    w = jax.nn.softmax(scores, axis=1)
    pooled = jnp.einsum('bt,btd->bd', w, seq_emb)  # [B, 2D]
    # DIN MLP on (other, pooled, target)
    emb_concat = jnp.concatenate([oth, pooled, tgt], axis=1)  # [B, 5D]
    h = _dice(emb_concat @ params['mlp_W1'] + params['mlp_b1'], params['mlp_a1'])
    h = _dice(h @ params['mlp_W2'] + params['mlp_b2'], params['mlp_a2'])
    din_out = h @ params['mlp_W3'] + params['mlp_b3']
    # wide (LR over summed sparse embeddings)
    lr_feat = params['wide_table'][wide_ids].reshape(B, -1)
    lr_out = lr_feat @ params['lr_w'] + params['lr_b']
    din_out = din_out + lr_out
    # deep tower
    deep_feat = params['deep_table'][deep_ids].reshape(B, -1)
    hd = jax.nn.relu(deep_feat @ params['deep_W1'] + params['deep_b1'])
    hd = jax.nn.relu(hd @ params['deep_W2'] + params['deep_b2'])
    deep_out = hd @ params['deep_W3'] + params['deep_b3']
    din_out = din_out + deep_out
    return jax.nn.sigmoid(din_out)

if __name__ == "__main__":
    import jax
    _d = setup_inputs()
    print(jax.jit(kernel)(*tuple(_d.values())))

</pallas_src>

<mosaic_0001>
#map = affine_map<(d0, d1) -> (0, 0)>
#map1 = affine_map<(d0, d1) -> (0)>
#map2 = affine_map<(d0, d1) -> (0, 0, 0)>
module attributes {stable_mosaic.version = 14 : i64} {
  func.func @_sc_seq_gather(%arg0: i32, %arg1: i32, %arg2: memref<100000x16xf32, #tpu.memory_space<hbm>>, %arg3: memref<105228xi32, #tpu.memory_space<hbm>>, %arg4: memref<105228xi32, #tpu.memory_space<hbm>>, %arg5: memref<32x64x128xi32, #tpu.memory_space<hbm>>, %arg6: memref<32x2x128xi32, #tpu.memory_space<hbm>>, %arg7: memref<32x1x128xi32, #tpu.memory_space<hbm>>, %arg8: memref<262144x16xf32, #tpu.memory_space<hbm>>, %arg9: memref<262144x16xf32, #tpu.memory_space<hbm>>, %arg10: memref<8192x16xf32, #tpu.memory_space<hbm>>, %arg11: memref<4096x16xf32, #tpu.memory_space<hbm>>, %arg12: memref<64x128xi32, #tpu.memory_space<vmem>>, %arg13: memref<64x128xi32, #tpu.memory_space<vmem>>, %arg14: memref<64x128xi32, #tpu.memory_space<vmem>>, %arg15: memref<4096x16xf32, #tpu.memory_space<vmem>>, %arg16: memref<2x128xi32, #tpu.memory_space<vmem>>, %arg17: memref<1x128xi32, #tpu.memory_space<vmem>>, %arg18: memref<384x16xf32, #tpu.memory_space<vmem>>, %arg19: memref<!tpu.dma_semaphore, #tpu.memory_space<semaphore_mem>>, %arg20: memref<!tpu.dma_semaphore, #tpu.memory_space<semaphore_mem>>) attributes {dimension_semantics = [#tpu.dimension_semantics<core_parallel>, #tpu.dimension_semantics<subcore_parallel>], iteration_bounds = array<i64: 2, 16>, scalar_prefetch = 0 : i64, scratch_operands = 9 : i64, tpu.core_type = #tpu.core_type<sc_vector_subcore>, window_params = [{transform_indices = #map}, {transform_indices = #map1}, {transform_indices = #map1}, {transform_indices = #map2}, {transform_indices = #map2}, {transform_indices = #map2}, {transform_indices = #map}, {transform_indices = #map}, {transform_indices = #map}, {transform_indices = #map}]} {
    %mul3A = arith.constant 2 : i32
    %mul3A_0 = arith.muli %arg1, %mul3A : i32
    %add3A = arith.addi %mul3A_0, %arg0 : i32
    "tpu.region"() ({
      %run_scoped3A = tpu.sem_alloc : memref<!tpu.dma_semaphore, #tpu.memory_space<semaphore_mem>>
      %dma_start3A_126 = arith.constant 0 : i32
      %dma_start3A_127 = arith.constant 0 : i32
      %dma_start3A_128 = tpu.memref_slice %arg5[%add3A, %dma_start3A_126, %dma_start3A_127] : memref<32x64x128xi32, #tpu.memory_space<hbm>> -> memref<1x64x128xi32, #tpu.memory_space<hbm>>
      %dma_start3A_129 = tpu.memref_squeeze %dma_start3A_128 : memref<1x64x128xi32, #tpu.memory_space<hbm>> -> memref<64x128xi32, #tpu.memory_space<hbm>>
      %dma_start3A_130 = arith.constant 0 : i32
      %dma_start3A_131 = arith.constant 0 : i32
      %dma_start3A_132 = tpu.memref_slice %arg5[%add3A, %dma_start3A_130, %dma_start3A_131] : memref<32x64x128xi32, #tpu.memory_space<hbm>> -> memref<1x64x128xi32, #tpu.memory_space<hbm>>
      %dma_start3A_133 = tpu.memref_squeeze %dma_start3A_132 : memref<1x64x128xi32, #tpu.memory_space<hbm>> -> memref<64x128xi32, #tpu.memory_space<hbm>>
      tpu.enqueue_dma source(%dma_start3A_133 : memref<64x128xi32, #tpu.memory_space<hbm>>) target(%arg12 : memref<64x128xi32, #tpu.memory_space<vmem>>) target_semaphore(%run_scoped3A : memref<!tpu.dma_semaphore, #tpu.memory_space<semaphore_mem>>)
      %dma_wait3A_134 = arith.constant 0 : i32
      %dma_wait3A_135 = arith.constant 0 : i32
      %dma_wait3A_136 = tpu.memref_slice %arg5[%add3A, %dma_wait3A_134, %dma_wait3A_135] : memref<32x64x128xi32, #tpu.memory_space<hbm>> -> memref<1x64x128xi32, #tpu.memory_space<hbm>>
      %dma_wait3A_137 = tpu.memref_squeeze %dma_wait3A_136 : memref<1x64x128xi32, #tpu.memory_space<hbm>> -> memref<64x128xi32, #tpu.memory_space<hbm>>
      %dma_wait3A_138 = arith.constant 0 : i32
      %dma_wait3A_139 = arith.constant 0 : i32
      %dma_wait3A_140 = tpu.memref_slice %arg5[%add3A, %dma_wait3A_138, %dma_wait3A_139] : memref<32x64x128xi32, #tpu.memory_space<hbm>> -> memref<1x64x128xi32, #tpu.memory_space<hbm>>
      %dma_wait3A_141 = tpu.memref_squeeze %dma_wait3A_140 : memref<1x64x128xi32, #tpu.memory_space<hbm>> -> memref<64x128xi32, #tpu.memory_space<hbm>>
      tpu.wait_dma2 semaphore(%run_scoped3A : memref<!tpu.dma_semaphore, #tpu.memory_space<semaphore_mem>>) src(%dma_wait3A_141 : memref<64x128xi32, #tpu.memory_space<hbm>>) dst(%arg12 : memref<64x128xi32, #tpu.memory_space<vmem>>)
      tpu.yield
    }) : () -> ()
    "tpu.region"() ({
      %run_scoped3A = tpu.sem_alloc : memref<!tpu.dma_semaphore, #tpu.memory_space<semaphore_mem>>
      %dma_start3A_126 = arith.constant 0 : i32
      %dma_start3A_127 = arith.constant 0 : i32
      %dma_start3A_128 = tpu.memref_slice %arg6[%add3A, %dma_start3A_126, %dma_start3A_127] : memref<32x2x128xi32, #tpu.memory_space<hbm>> -> memref<1x2x128xi32, #tpu.memory_space<hbm>>
      %dma_start3A_129 = tpu.memref_squeeze %dma_start3A_128 : memref<1x2x128xi32, #tpu.memory_space<hbm>> -> memref<2x128xi32, #tpu.memory_space<hbm>>
      %dma_start3A_130 = arith.constant 0 : i32
      %dma_start3A_131 = arith.constant 0 : i32
      %dma_start3A_132 = tpu.memref_slice %arg6[%add3A, %dma_start3A_130, %dma_start3A_131] : memref<32x2x128xi32, #tpu.memory_space<hbm>> -> memref<1x2x128xi32, #tpu.memory_space<hbm>>
      %dma_start3A_133 = tpu.memref_squeeze %dma_start3A_132 : memref<1x2x128xi32, #tpu.memory_space<hbm>> -> memref<2x128xi32, #tpu.memory_space<hbm>>
      tpu.enqueue_dma source(%dma_start3A_133 : memref<2x128xi32, #tpu.memory_space<hbm>>) target(%arg16 : memref<2x128xi32, #tpu.memory_space<vmem>>) target_semaphore(%run_scoped3A : memref<!tpu.dma_semaphore, #tpu.memory_space<semaphore_mem>>)
      %dma_wait3A_134 = arith.constant 0 : i32
      %dma_wait3A_135 = arith.constant 0 : i32
      %dma_wait3A_136 = tpu.memref_slice %arg6[%add3A, %dma_wait3A_134, %dma_wait3A_135] : memref<32x2x128xi32, #tpu.memory_space<hbm>> -> memref<1x2x128xi32, #tpu.memory_space<hbm>>
      %dma_wait3A_137 = tpu.memref_squeeze %dma_wait3A_136 : memref<1x2x128xi32, #tpu.memory_space<hbm>> -> memref<2x128xi32, #tpu.memory_space<hbm>>
      %dma_wait3A_138 = arith.constant 0 : i32
      %dma_wait3A_139 = arith.constant 0 : i32
      %dma_wait3A_140 = tpu.memref_slice %arg6[%add3A, %dma_wait3A_138, %dma_wait3A_139] : memref<32x2x128xi32, #tpu.memory_space<hbm>> -> memref<1x2x128xi32, #tpu.memory_space<hbm>>
      %dma_wait3A_141 = tpu.memref_squeeze %dma_wait3A_140 : memref<1x2x128xi32, #tpu.memory_space<hbm>> -> memref<2x128xi32, #tpu.memory_space<hbm>>
      tpu.wait_dma2 semaphore(%run_scoped3A : memref<!tpu.dma_semaphore, #tpu.memory_space<semaphore_mem>>) src(%dma_wait3A_141 : memref<2x128xi32, #tpu.memory_space<hbm>>) dst(%arg16 : memref<2x128xi32, #tpu.memory_space<vmem>>)
      tpu.yield
    }) : () -> ()
    "tpu.region"() ({
      %run_scoped3A = tpu.sem_alloc : memref<!tpu.dma_semaphore, #tpu.memory_space<semaphore_mem>>
      %dma_start3A_126 = arith.constant 0 : i32
      %dma_start3A_127 = arith.constant 0 : i32
      %dma_start3A_128 = tpu.memref_slice %arg7[%add3A, %dma_start3A_126, %dma_start3A_127] : memref<32x1x128xi32, #tpu.memory_space<hbm>> -> memref<1x1x128xi32, #tpu.memory_space<hbm>>
      %dma_start3A_129 = tpu.memref_squeeze %dma_start3A_128 : memref<1x1x128xi32, #tpu.memory_space<hbm>> -> memref<1x128xi32, #tpu.memory_space<hbm>>
      %dma_start3A_130 = arith.constant 0 : i32
      %dma_start3A_131 = arith.constant 0 : i32
      %dma_start3A_132 = tpu.memref_slice %arg7[%add3A, %dma_start3A_130, %dma_start3A_131] : memref<32x1x128xi32, #tpu.memory_space<hbm>> -> memref<1x1x128xi32, #tpu.memory_space<hbm>>
      %dma_start3A_133 = tpu.memref_squeeze %dma_start3A_132 : memref<1x1x128xi32, #tpu.memory_space<hbm>> -> memref<1x128xi32, #tpu.memory_space<hbm>>
      tpu.enqueue_dma source(%dma_start3A_133 : memref<1x128xi32, #tpu.memory_space<hbm>>) target(%arg17 : memref<1x128xi32, #tpu.memory_space<vmem>>) target_semaphore(%run_scoped3A : memref<!tpu.dma_semaphore, #tpu.memory_space<semaphore_mem>>)
      %dma_wait3A_134 = arith.constant 0 : i32
      %dma_wait3A_135 = arith.constant 0 : i32
      %dma_wait3A_136 = tpu.memref_slice %arg7[%add3A, %dma_wait3A_134, %dma_wait3A_135] : memref<32x1x128xi32, #tpu.memory_space<hbm>> -> memref<1x1x128xi32, #tpu.memory_space<hbm>>
      %dma_wait3A_137 = tpu.memref_squeeze %dma_wait3A_136 : memref<1x1x128xi32, #tpu.memory_space<hbm>> -> memref<1x128xi32, #tpu.memory_space<hbm>>
      %dma_wait3A_138 = arith.constant 0 : i32
      %dma_wait3A_139 = arith.constant 0 : i32
      %dma_wait3A_140 = tpu.memref_slice %arg7[%add3A, %dma_wait3A_138, %dma_wait3A_139] : memref<32x1x128xi32, #tpu.memory_space<hbm>> -> memref<1x1x128xi32, #tpu.memory_space<hbm>>
      %dma_wait3A_141 = tpu.memref_squeeze %dma_wait3A_140 : memref<1x1x128xi32, #tpu.memory_space<hbm>> -> memref<1x128xi32, #tpu.memory_space<hbm>>
      tpu.wait_dma2 semaphore(%run_scoped3A : memref<!tpu.dma_semaphore, #tpu.memory_space<semaphore_mem>>) src(%dma_wait3A_141 : memref<1x128xi32, #tpu.memory_space<hbm>>) dst(%arg17 : memref<1x128xi32, #tpu.memory_space<vmem>>)
      tpu.yield
    }) : () -> ()
    %dma_start3A = arith.constant 0 : i32
    %dma_start3A_1 = arith.constant 0 : i32
    %dma_start3A_2 = arith.constant 0 : i32
    %dma_start3A_3 = tpu.memref_slice %arg18[%dma_start3A_1, %dma_start3A_2] : memref<384x16xf32, #tpu.memory_space<vmem>> -> memref<128x16xf32, #tpu.memory_space<vmem>>
    %dma_start3A_4 = arith.constant 0 : i32
    %dma_start3A_5 = tpu.memref_slice %arg16[%dma_start3A, %dma_start3A_4] : memref<2x128xi32, #tpu.memory_space<vmem>> -> memref<1x128xi32, #tpu.memory_space<vmem>>
    %dma_start3A_6 = tpu.memref_squeeze %dma_start3A_5 : memref<1x128xi32, #tpu.memory_space<vmem>> -> memref<128xi32, #tpu.memory_space<vmem>>
    %dma_start3A_7 = arith.constant 0 : i32
    %dma_start3A_8 = arith.constant 0 : i32
    %dma_start3A_9 = tpu.memref_slice %arg2[%dma_start3A_7, %dma_start3A_8] : memref<100000x16xf32, #tpu.memory_space<hbm>> -> memref<100000x16xf32, #tpu.memory_space<hbm>>
    tpu.enqueue_indirect_dma source(%dma_start3A_9 : memref<100000x16xf32, #tpu.memory_space<hbm>>) target(%dma_start3A_3 : memref<128x16xf32, #tpu.memory_space<vmem>>) offsets(%dma_start3A_6 : memref<128xi32, #tpu.memory_space<vmem>>) semaphore(%arg19 : memref<!tpu.dma_semaphore, #tpu.memory_space<semaphore_mem>>)
    %dma_start3A_10 = arith.constant 1 : i32
    %dma_start3A_11 = arith.constant 128 : i32
    %dma_start3A_12 = arith.constant 0 : i32
    %dma_start3A_13 = tpu.memref_slice %arg18[%dma_start3A_11, %dma_start3A_12] : memref<384x16xf32, #tpu.memory_space<vmem>> -> memref<128x16xf32, #tpu.memory_space<vmem>>
    %dma_start3A_14 = arith.constant 0 : i32
    %dma_start3A_15 = tpu.memref_slice %arg16[%dma_start3A_10, %dma_start3A_14] : memref<2x128xi32, #tpu.memory_space<vmem>> -> memref<1x128xi32, #tpu.memory_space<vmem>>
    %dma_start3A_16 = tpu.memref_squeeze %dma_start3A_15 : memref<1x128xi32, #tpu.memory_space<vmem>> -> memref<128xi32, #tpu.memory_space<vmem>>
    %dma_start3A_17 = arith.constant 0 : i32
    %dma_start3A_18 = arith.constant 0 : i32
    %dma_start3A_19 = tpu.memref_slice %arg2[%dma_start3A_17, %dma_start3A_18] : memref<100000x16xf32, #tpu.memory_space<hbm>> -> memref<100000x16xf32, #tpu.memory_space<hbm>>
    tpu.enqueue_indirect_dma source(%dma_start3A_19 : memref<100000x16xf32, #tpu.memory_space<hbm>>) target(%dma_start3A_13 : memref<128x16xf32, #tpu.memory_space<vmem>>) offsets(%dma_start3A_16 : memref<128xi32, #tpu.memory_space<vmem>>) semaphore(%arg19 : memref<!tpu.dma_semaphore, #tpu.memory_space<semaphore_mem>>)
    %dma_start3A_20 = arith.constant 0 : i32
    %dma_start3A_21 = arith.constant 256 : i32
    %dma_start3A_22 = arith.constant 0 : i32
    %dma_start3A_23 = tpu.memref_slice %arg18[%dma_start3A_21, %dma_start3A_22] : memref<384x16xf32, #tpu.memory_space<vmem>> -> memref<128x16xf32, #tpu.memory_space<vmem>>
    %dma_start3A_24 = arith.constant 0 : i32
    %dma_start3A_25 = tpu.memref_slice %arg17[%dma_start3A_20, %dma_start3A_24] : memref<1x128xi32, #tpu.memory_space<vmem>> -> memref<1x128xi32, #tpu.memory_space<vmem>>
    %dma_start3A_26 = tpu.memref_squeeze %dma_start3A_25 : memref<1x128xi32, #tpu.memory_space<vmem>> -> memref<128xi32, #tpu.memory_space<vmem>>
    %dma_start3A_27 = arith.constant 0 : i32
    %dma_start3A_28 = arith.constant 0 : i32
    %dma_start3A_29 = tpu.memref_slice %arg2[%dma_start3A_27, %dma_start3A_28] : memref<100000x16xf32, #tpu.memory_space<hbm>> -> memref<100000x16xf32, #tpu.memory_space<hbm>>
    tpu.enqueue_indirect_dma source(%dma_start3A_29 : memref<100000x16xf32, #tpu.memory_space<hbm>>) target(%dma_start3A_23 : memref<128x16xf32, #tpu.memory_space<vmem>>) offsets(%dma_start3A_26 : memref<128xi32, #tpu.memory_space<vmem>>) semaphore(%arg19 : memref<!tpu.dma_semaphore, #tpu.memory_space<semaphore_mem>>)
    %scan3A = arith.constant 0 : i32
    %scan3A_30 = arith.constant 0 : i32
    %scan3A_31 = arith.constant 64 : i32
    %scan3A_32 = arith.addi %scan3A_30, %scan3A_31 : i32
    %scan3A_33 = arith.constant 1 : i32
    scf.for %scan3A_126 = %scan3A_30 to %scan3A_32 step %scan3A_33  : i32 {
      %dma_start3A_127 = arith.constant 0 : i32
      %dma_start3A_128 = tpu.memref_slice %arg13[%scan3A_126, %dma_start3A_127] : memref<64x128xi32, #tpu.memory_space<vmem>> -> memref<1x128xi32, #tpu.memory_space<vmem>>
      %dma_start3A_129 = tpu.memref_squeeze %dma_start3A_128 : memref<1x128xi32, #tpu.memory_space<vmem>> -> memref<128xi32, #tpu.memory_space<vmem>>
      %dma_start3A_130 = arith.constant 0 : i32
      %dma_start3A_131 = tpu.memref_slice %arg12[%scan3A_126, %dma_start3A_130] : memref<64x128xi32, #tpu.memory_space<vmem>> -> memref<1x128xi32, #tpu.memory_space<vmem>>
      %dma_start3A_132 = tpu.memref_squeeze %dma_start3A_131 : memref<1x128xi32, #tpu.memory_space<vmem>> -> memref<128xi32, #tpu.memory_space<vmem>>
      %dma_start3A_133 = arith.constant 0 : i32
      %dma_start3A_134 = tpu.memref_slice %arg3[%dma_start3A_133] : memref<105228xi32, #tpu.memory_space<hbm>> -> memref<105228xi32, #tpu.memory_space<hbm>>
      tpu.enqueue_indirect_dma source(%dma_start3A_134 : memref<105228xi32, #tpu.memory_space<hbm>>) target(%dma_start3A_129 : memref<128xi32, #tpu.memory_space<vmem>>) offsets(%dma_start3A_132 : memref<128xi32, #tpu.memory_space<vmem>>) semaphore(%arg20 : memref<!tpu.dma_semaphore, #tpu.memory_space<semaphore_mem>>)
      %dma_start3A_135 = arith.constant 0 : i32
      %dma_start3A_136 = tpu.memref_slice %arg14[%scan3A_126, %dma_start3A_135] : memref<64x128xi32, #tpu.memory_space<vmem>> -> memref<1x128xi32, #tpu.memory_space<vmem>>
      %dma_start3A_137 = tpu.memref_squeeze %dma_start3A_136 : memref<1x128xi32, #tpu.memory_space<vmem>> -> memref<128xi32, #tpu.memory_space<vmem>>
      %dma_start3A_138 = arith.constant 0 : i32
      %dma_start3A_139 = tpu.memref_slice %arg12[%scan3A_126, %dma_start3A_138] : memref<64x128xi32, #tpu.memory_space<vmem>> -> memref<1x128xi32, #tpu.memory_space<vmem>>
      %dma_start3A_140 = tpu.memref_squeeze %dma_start3A_139 : memref<1x128xi32, #tpu.memory_space<vmem>> -> memref<128xi32, #tpu.memory_space<vmem>>
      %dma_start3A_141 = arith.constant 0 : i32
      %dma_start3A_142 = tpu.memref_slice %arg4[%dma_start3A_141] : memref<105228xi32, #tpu.memory_space<hbm>> -> memref<105228xi32, #tpu.memory_space<hbm>>
      tpu.enqueue_indirect_dma source(%dma_start3A_142 : memref<105228xi32, #tpu.memory_space<hbm>>) target(%dma_start3A_137 : memref<128xi32, #tpu.memory_space<vmem>>) offsets(%dma_start3A_140 : memref<128xi32, #tpu.memory_space<vmem>>) semaphore(%arg20 : memref<!tpu.dma_semaphore, #tpu.memory_space<semaphore_mem>>)
    }
    %scan3A_34 = arith.constant 64 : i32
    %dma_wait3A = arith.constant 0 : i32
    %dma_wait3A_35 = arith.constant 0 : i32
    %dma_wait3A_36 = tpu.memref_slice %arg5[%add3A, %dma_wait3A, %dma_wait3A_35] : memref<32x64x128xi32, #tpu.memory_space<hbm>> -> memref<1x64x128xi32, #tpu.memory_space<hbm>>
    %dma_wait3A_37 = tpu.memref_squeeze %dma_wait3A_36 : memref<1x64x128xi32, #tpu.memory_space<hbm>> -> memref<64x128xi32, #tpu.memory_space<hbm>>
    %dma_wait3A_38 = arith.constant 0 : i32
    %dma_wait3A_39 = arith.constant 0 : i32
    %dma_wait3A_40 = tpu.memref_slice %arg5[%add3A, %dma_wait3A_38, %dma_wait3A_39] : memref<32x64x128xi32, #tpu.memory_space<hbm>> -> memref<1x64x128xi32, #tpu.memory_space<hbm>>
    %dma_wait3A_41 = tpu.memref_squeeze %dma_wait3A_40 : memref<1x64x128xi32, #tpu.memory_space<hbm>> -> memref<64x128xi32, #tpu.memory_space<hbm>>
    tpu.wait_dma2 semaphore(%arg20 : memref<!tpu.dma_semaphore, #tpu.memory_space<semaphore_mem>>) src(%dma_wait3A_41 : memref<64x128xi32, #tpu.memory_space<hbm>>) dst(%arg13 : memref<64x128xi32, #tpu.memory_space<vmem>>)
    %dma_wait3A_42 = arith.constant 0 : i32
    %dma_wait3A_43 = arith.constant 0 : i32
    %dma_wait3A_44 = tpu.memref_slice %arg5[%add3A, %dma_wait3A_42, %dma_wait3A_43] : memref<32x64x128xi32, #tpu.memory_space<hbm>> -> memref<1x64x128xi32, #tpu.memory_space<hbm>>
    %dma_wait3A_45 = tpu.memref_squeeze %dma_wait3A_44 : memref<1x64x128xi32, #tpu.memory_space<hbm>> -> memref<64x128xi32, #tpu.memory_space<hbm>>
    %dma_wait3A_46 = arith.constant 0 : i32
    %dma_wait3A_47 = arith.constant 0 : i32
    %dma_wait3A_48 = tpu.memref_slice %arg5[%add3A, %dma_wait3A_46, %dma_wait3A_47] : memref<32x64x128xi32, #tpu.memory_space<hbm>> -> memref<1x64x128xi32, #tpu.memory_space<hbm>>
    %dma_wait3A_49 = tpu.memref_squeeze %dma_wait3A_48 : memref<1x64x128xi32, #tpu.memory_space<hbm>> -> memref<64x128xi32, #tpu.memory_space<hbm>>
    tpu.wait_dma2 semaphore(%arg20 : memref<!tpu.dma_semaphore, #tpu.memory_space<semaphore_mem>>) src(%dma_wait3A_49 : memref<64x128xi32, #tpu.memory_space<hbm>>) dst(%arg14 : memref<64x128xi32, #tpu.memory_space<vmem>>)
    %scan3A_50 = arith.constant 0 : i32
    %scan3A_51 = arith.constant 0 : i32
    %scan3A_52 = arith.constant 32 : i32
    %scan3A_53 = arith.addi %scan3A_51, %scan3A_52 : i32
    %scan3A_54 = arith.constant 1 : i32
    scf.for %scan3A_126 = %scan3A_51 to %scan3A_53 step %scan3A_54  : i32 {
      %sub3A = arith.constant 0 : i32
      %sub3A_127 = arith.subi %scan3A_126, %sub3A : i32
      %mul3A_128 = arith.constant 128 : i32
      %mul3A_129 = arith.muli %sub3A_127, %mul3A_128 : i32
      %dma_start3A_130 = arith.constant 0 : i32
      %dma_start3A_131 = tpu.memref_slice %arg15[%mul3A_129, %dma_start3A_130] : memref<4096x16xf32, #tpu.memory_space<vmem>> -> memref<128x16xf32, #tpu.memory_space<vmem>>
      %dma_start3A_132 = arith.constant 0 : i32
      %dma_start3A_133 = tpu.memref_slice %arg13[%scan3A_126, %dma_start3A_132] : memref<64x128xi32, #tpu.memory_space<vmem>> -> memref<1x128xi32, #tpu.memory_space<vmem>>
      %dma_start3A_134 = tpu.memref_squeeze %dma_start3A_133 : memref<1x128xi32, #tpu.memory_space<vmem>> -> memref<128xi32, #tpu.memory_space<vmem>>
      %dma_start3A_135 = arith.constant 0 : i32
      %dma_start3A_136 = arith.constant 0 : i32
      %dma_start3A_137 = tpu.memref_slice %arg2[%dma_start3A_135, %dma_start3A_136] : memref<100000x16xf32, #tpu.memory_space<hbm>> -> memref<100000x16xf32, #tpu.memory_space<hbm>>
      tpu.enqueue_indirect_dma source(%dma_start3A_137 : memref<100000x16xf32, #tpu.memory_space<hbm>>) target(%dma_start3A_131 : memref<128x16xf32, #tpu.memory_space<vmem>>) offsets(%dma_start3A_134 : memref<128xi32, #tpu.memory_space<vmem>>) semaphore(%arg20 : memref<!tpu.dma_semaphore, #tpu.memory_space<semaphore_mem>>)
    }
    %scan3A_55 = arith.constant 32 : i32
    %dma_wait3A_56 = arith.constant 0 : i32
    %dma_wait3A_57 = arith.constant 0 : i32
    %dma_wait3A_58 = tpu.memref_slice %arg8[%dma_wait3A_56, %dma_wait3A_57] : memref<262144x16xf32, #tpu.memory_space<hbm>> -> memref<4096x16xf32, #tpu.memory_space<hbm>>
    %dma_wait3A_59 = arith.constant 0 : i32
    %dma_wait3A_60 = arith.constant 0 : i32
    %dma_wait3A_61 = tpu.memref_slice %arg8[%dma_wait3A_59, %dma_wait3A_60] : memref<262144x16xf32, #tpu.memory_space<hbm>> -> memref<4096x16xf32, #tpu.memory_space<hbm>>
    tpu.wait_dma2 semaphore(%arg20 : memref<!tpu.dma_semaphore, #tpu.memory_space<semaphore_mem>>) src(%dma_wait3A_61 : memref<4096x16xf32, #tpu.memory_space<hbm>>) dst(%arg15 : memref<4096x16xf32, #tpu.memory_space<vmem>>)
    %mul3A_62 = arith.constant 8192 : i32
    %mul3A_63 = arith.muli %add3A, %mul3A_62 : i32
    %add3A_64 = arith.constant 0 : i32
    %add3A_65 = arith.addi %mul3A_63, %add3A_64 : i32
    "tpu.region"() ({
      %run_scoped3A = tpu.sem_alloc : memref<!tpu.dma_semaphore, #tpu.memory_space<semaphore_mem>>
      %dma_start3A_126 = arith.constant 0 : i32
      %dma_start3A_127 = tpu.memref_slice %arg8[%add3A_65, %dma_start3A_126] : memref<262144x16xf32, #tpu.memory_space<hbm>> -> memref<4096x16xf32, #tpu.memory_space<hbm>>
      %dma_start3A_128 = arith.constant 0 : i32
      %dma_start3A_129 = tpu.memref_slice %arg8[%add3A_65, %dma_start3A_128] : memref<262144x16xf32, #tpu.memory_space<hbm>> -> memref<4096x16xf32, #tpu.memory_space<hbm>>
      tpu.enqueue_dma source(%arg15 : memref<4096x16xf32, #tpu.memory_space<vmem>>) target(%dma_start3A_129 : memref<4096x16xf32, #tpu.memory_space<hbm>>) target_semaphore(%run_scoped3A : memref<!tpu.dma_semaphore, #tpu.memory_space<semaphore_mem>>)
      %dma_wait3A_130 = arith.constant 0 : i32
      %dma_wait3A_131 = tpu.memref_slice %arg8[%add3A_65, %dma_wait3A_130] : memref<262144x16xf32, #tpu.memory_space<hbm>> -> memref<4096x16xf32, #tpu.memory_space<hbm>>
      %dma_wait3A_132 = arith.constant 0 : i32
      %dma_wait3A_133 = tpu.memref_slice %arg8[%add3A_65, %dma_wait3A_132] : memref<262144x16xf32, #tpu.memory_space<hbm>> -> memref<4096x16xf32, #tpu.memory_space<hbm>>
      tpu.wait_dma2 semaphore(%run_scoped3A : memref<!tpu.dma_semaphore, #tpu.memory_space<semaphore_mem>>) src(%arg15 : memref<4096x16xf32, #tpu.memory_space<vmem>>) dst(%dma_wait3A_133 : memref<4096x16xf32, #tpu.memory_space<hbm>>)
      tpu.yield
    }) : () -> ()
    %scan3A_66 = arith.constant 0 : i32
    %scan3A_67 = arith.constant 32 : i32
    %scan3A_68 = arith.constant 32 : i32
    %scan3A_69 = arith.addi %scan3A_67, %scan3A_68 : i32
    %scan3A_70 = arith.constant 1 : i32
    scf.for %scan3A_126 = %scan3A_67 to %scan3A_69 step %scan3A_70  : i32 {
      %sub3A = arith.constant 32 : i32
      %sub3A_127 = arith.subi %scan3A_126, %sub3A : i32
      %mul3A_128 = arith.constant 128 : i32
      %mul3A_129 = arith.muli %sub3A_127, %mul3A_128 : i32
      %dma_start3A_130 = arith.constant 0 : i32
      %dma_start3A_131 = tpu.memref_slice %arg15[%mul3A_129, %dma_start3A_130] : memref<4096x16xf32, #tpu.memory_space<vmem>> -> memref<128x16xf32, #tpu.memory_space<vmem>>
      %dma_start3A_132 = arith.constant 0 : i32
      %dma_start3A_133 = tpu.memref_slice %arg13[%scan3A_126, %dma_start3A_132] : memref<64x128xi32, #tpu.memory_space<vmem>> -> memref<1x128xi32, #tpu.memory_space<vmem>>
      %dma_start3A_134 = tpu.memref_squeeze %dma_start3A_133 : memref<1x128xi32, #tpu.memory_space<vmem>> -> memref<128xi32, #tpu.memory_space<vmem>>
      %dma_start3A_135 = arith.constant 0 : i32
      %dma_start3A_136 = arith.constant 0 : i32
      %dma_start3A_137 = tpu.memref_slice %arg2[%dma_start3A_135, %dma_start3A_136] : memref<100000x16xf32, #tpu.memory_space<hbm>> -> memref<100000x16xf32, #tpu.memory_space<hbm>>
      tpu.enqueue_indirect_dma source(%dma_start3A_137 : memref<100000x16xf32, #tpu.memory_space<hbm>>) target(%dma_start3A_131 : memref<128x16xf32, #tpu.memory_space<vmem>>) offsets(%dma_start3A_134 : memref<128xi32, #tpu.memory_space<vmem>>) semaphore(%arg20 : memref<!tpu.dma_semaphore, #tpu.memory_space<semaphore_mem>>)
    }
    %scan3A_71 = arith.constant 32 : i32
    %dma_wait3A_72 = arith.constant 0 : i32
    %dma_wait3A_73 = arith.constant 0 : i32
    %dma_wait3A_74 = tpu.memref_slice %arg8[%dma_wait3A_72, %dma_wait3A_73] : memref<262144x16xf32, #tpu.memory_space<hbm>> -> memref<4096x16xf32, #tpu.memory_space<hbm>>
    %dma_wait3A_75 = arith.constant 0 : i32
    %dma_wait3A_76 = arith.constant 0 : i32
    %dma_wait3A_77 = tpu.memref_slice %arg8[%dma_wait3A_75, %dma_wait3A_76] : memref<262144x16xf32, #tpu.memory_space<hbm>> -> memref<4096x16xf32, #tpu.memory_space<hbm>>
    tpu.wait_dma2 semaphore(%arg20 : memref<!tpu.dma_semaphore, #tpu.memory_space<semaphore_mem>>) src(%dma_wait3A_77 : memref<4096x16xf32, #tpu.memory_space<hbm>>) dst(%arg15 : memref<4096x16xf32, #tpu.memory_space<vmem>>)
    %mul3A_78 = arith.constant 8192 : i32
    %mul3A_79 = arith.muli %add3A, %mul3A_78 : i32
    %add3A_80 = arith.constant 4096 : i32
    %add3A_81 = arith.addi %mul3A_79, %add3A_80 : i32
    "tpu.region"() ({
      %run_scoped3A = tpu.sem_alloc : memref<!tpu.dma_semaphore, #tpu.memory_space<semaphore_mem>>
      %dma_start3A_126 = arith.constant 0 : i32
      %dma_start3A_127 = tpu.memref_slice %arg8[%add3A_81, %dma_start3A_126] : memref<262144x16xf32, #tpu.memory_space<hbm>> -> memref<4096x16xf32, #tpu.memory_space<hbm>>
      %dma_start3A_128 = arith.constant 0 : i32
      %dma_start3A_129 = tpu.memref_slice %arg8[%add3A_81, %dma_start3A_128] : memref<262144x16xf32, #tpu.memory_space<hbm>> -> memref<4096x16xf32, #tpu.memory_space<hbm>>
      tpu.enqueue_dma source(%arg15 : memref<4096x16xf32, #tpu.memory_space<vmem>>) target(%dma_start3A_129 : memref<4096x16xf32, #tpu.memory_space<hbm>>) target_semaphore(%run_scoped3A : memref<!tpu.dma_semaphore, #tpu.memory_space<semaphore_mem>>)
      %dma_wait3A_130 = arith.constant 0 : i32
      %dma_wait3A_131 = tpu.memref_slice %arg8[%add3A_81, %dma_wait3A_130] : memref<262144x16xf32, #tpu.memory_space<hbm>> -> memref<4096x16xf32, #tpu.memory_space<hbm>>
      %dma_wait3A_132 = arith.constant 0 : i32
      %dma_wait3A_133 = tpu.memref_slice %arg8[%add3A_81, %dma_wait3A_132] : memref<262144x16xf32, #tpu.memory_space<hbm>> -> memref<4096x16xf32, #tpu.memory_space<hbm>>
      tpu.wait_dma2 semaphore(%run_scoped3A : memref<!tpu.dma_semaphore, #tpu.memory_space<semaphore_mem>>) src(%arg15 : memref<4096x16xf32, #tpu.memory_space<vmem>>) dst(%dma_wait3A_133 : memref<4096x16xf32, #tpu.memory_space<hbm>>)
      tpu.yield
    }) : () -> ()
    %scan3A_82 = arith.constant 0 : i32
    %scan3A_83 = arith.constant 0 : i32
    %scan3A_84 = arith.constant 32 : i32
    %scan3A_85 = arith.addi %scan3A_83, %scan3A_84 : i32
    %scan3A_86 = arith.constant 1 : i32
    scf.for %scan3A_126 = %scan3A_83 to %scan3A_85 step %scan3A_86  : i32 {
      %sub3A = arith.constant 0 : i32
      %sub3A_127 = arith.subi %scan3A_126, %sub3A : i32
      %mul3A_128 = arith.constant 128 : i32
      %mul3A_129 = arith.muli %sub3A_127, %mul3A_128 : i32
      %dma_start3A_130 = arith.constant 0 : i32
      %dma_start3A_131 = tpu.memref_slice %arg15[%mul3A_129, %dma_start3A_130] : memref<4096x16xf32, #tpu.memory_space<vmem>> -> memref<128x16xf32, #tpu.memory_space<vmem>>
      %dma_start3A_132 = arith.constant 0 : i32
      %dma_start3A_133 = tpu.memref_slice %arg14[%scan3A_126, %dma_start3A_132] : memref<64x128xi32, #tpu.memory_space<vmem>> -> memref<1x128xi32, #tpu.memory_space<vmem>>
      %dma_start3A_134 = tpu.memref_squeeze %dma_start3A_133 : memref<1x128xi32, #tpu.memory_space<vmem>> -> memref<128xi32, #tpu.memory_space<vmem>>
      %dma_start3A_135 = arith.constant 0 : i32
      %dma_start3A_136 = arith.constant 0 : i32
      %dma_start3A_137 = tpu.memref_slice %arg2[%dma_start3A_135, %dma_start3A_136] : memref<100000x16xf32, #tpu.memory_space<hbm>> -> memref<100000x16xf32, #tpu.memory_space<hbm>>
      tpu.enqueue_indirect_dma source(%dma_start3A_137 : memref<100000x16xf32, #tpu.memory_space<hbm>>) target(%dma_start3A_131 : memref<128x16xf32, #tpu.memory_space<vmem>>) offsets(%dma_start3A_134 : memref<128xi32, #tpu.memory_space<vmem>>) semaphore(%arg20 : memref<!tpu.dma_semaphore, #tpu.memory_space<semaphore_mem>>)
    }
    %scan3A_87 = arith.constant 32 : i32
    %dma_wait3A_88 = arith.constant 0 : i32
    %dma_wait3A_89 = arith.constant 0 : i32
    %dma_wait3A_90 = tpu.memref_slice %arg8[%dma_wait3A_88, %dma_wait3A_89] : memref<262144x16xf32, #tpu.memory_space<hbm>> -> memref<4096x16xf32, #tpu.memory_space<hbm>>
    %dma_wait3A_91 = arith.constant 0 : i32
    %dma_wait3A_92 = arith.constant 0 : i32
    %dma_wait3A_93 = tpu.memref_slice %arg8[%dma_wait3A_91, %dma_wait3A_92] : memref<262144x16xf32, #tpu.memory_space<hbm>> -> memref<4096x16xf32, #tpu.memory_space<hbm>>
    tpu.wait_dma2 semaphore(%arg20 : memref<!tpu.dma_semaphore, #tpu.memory_space<semaphore_mem>>) src(%dma_wait3A_93 : memref<4096x16xf32, #tpu.memory_space<hbm>>) dst(%arg15 : memref<4096x16xf32, #tpu.memory_space<vmem>>)
    %mul3A_94 = arith.constant 8192 : i32
    %mul3A_95 = arith.muli %add3A, %mul3A_94 : i32
    %add3A_96 = arith.constant 0 : i32
    %add3A_97 = arith.addi %mul3A_95, %add3A_96 : i32
    "tpu.region"() ({
      %run_scoped3A = tpu.sem_alloc : memref<!tpu.dma_semaphore, #tpu.memory_space<semaphore_mem>>
      %dma_start3A_126 = arith.constant 0 : i32
      %dma_start3A_127 = tpu.memref_slice %arg9[%add3A_97, %dma_start3A_126] : memref<262144x16xf32, #tpu.memory_space<hbm>> -> memref<4096x16xf32, #tpu.memory_space<hbm>>
      %dma_start3A_128 = arith.constant 0 : i32
      %dma_start3A_129 = tpu.memref_slice %arg9[%add3A_97, %dma_start3A_128] : memref<262144x16xf32, #tpu.memory_space<hbm>> -> memref<4096x16xf32, #tpu.memory_space<hbm>>
      tpu.enqueue_dma source(%arg15 : memref<4096x16xf32, #tpu.memory_space<vmem>>) target(%dma_start3A_129 : memref<4096x16xf32, #tpu.memory_space<hbm>>) target_semaphore(%run_scoped3A : memref<!tpu.dma_semaphore, #tpu.memory_space<semaphore_mem>>)
      %dma_wait3A_130 = arith.constant 0 : i32
      %dma_wait3A_131 = tpu.memref_slice %arg9[%add3A_97, %dma_wait3A_130] : memref<262144x16xf32, #tpu.memory_space<hbm>> -> memref<4096x16xf32, #tpu.memory_space<hbm>>
      %dma_wait3A_132 = arith.constant 0 : i32
      %dma_wait3A_133 = tpu.memref_slice %arg9[%add3A_97, %dma_wait3A_132] : memref<262144x16xf32, #tpu.memory_space<hbm>> -> memref<4096x16xf32, #tpu.memory_space<hbm>>
      tpu.wait_dma2 semaphore(%run_scoped3A : memref<!tpu.dma_semaphore, #tpu.memory_space<semaphore_mem>>) src(%arg15 : memref<4096x16xf32, #tpu.memory_space<vmem>>) dst(%dma_wait3A_133 : memref<4096x16xf32, #tpu.memory_space<hbm>>)
      tpu.yield
    }) : () -> ()
    %scan3A_98 = arith.constant 0 : i32
    %scan3A_99 = arith.constant 32 : i32
    %scan3A_100 = arith.constant 32 : i32
    %scan3A_101 = arith.addi %scan3A_99, %scan3A_100 : i32
    %scan3A_102 = arith.constant 1 : i32
    scf.for %scan3A_126 = %scan3A_99 to %scan3A_101 step %scan3A_102  : i32 {
      %sub3A = arith.constant 32 : i32
      %sub3A_127 = arith.subi %scan3A_126, %sub3A : i32
      %mul3A_128 = arith.constant 128 : i32
      %mul3A_129 = arith.muli %sub3A_127, %mul3A_128 : i32
      %dma_start3A_130 = arith.constant 0 : i32
      %dma_start3A_131 = tpu.memref_slice %arg15[%mul3A_129, %dma_start3A_130] : memref<4096x16xf32, #tpu.memory_space<vmem>> -> memref<128x16xf32, #tpu.memory_space<vmem>>
      %dma_start3A_132 = arith.constant 0 : i32
      %dma_start3A_133 = tpu.memref_slice %arg14[%scan3A_126, %dma_start3A_132] : memref<64x128xi32, #tpu.memory_space<vmem>> -> memref<1x128xi32, #tpu.memory_space<vmem>>
      %dma_start3A_134 = tpu.memref_squeeze %dma_start3A_133 : memref<1x128xi32, #tpu.memory_space<vmem>> -> memref<128xi32, #tpu.memory_space<vmem>>
      %dma_start3A_135 = arith.constant 0 : i32
      %dma_start3A_136 = arith.constant 0 : i32
      %dma_start3A_137 = tpu.memref_slice %arg2[%dma_start3A_135, %dma_start3A_136] : memref<100000x16xf32, #tpu.memory_space<hbm>> -> memref<100000x16xf32, #tpu.memory_space<hbm>>
      tpu.enqueue_indirect_dma source(%dma_start3A_137 : memref<100000x16xf32, #tpu.memory_space<hbm>>) target(%dma_start3A_131 : memref<128x16xf32, #tpu.memory_space<vmem>>) offsets(%dma_start3A_134 : memref<128xi32, #tpu.memory_space<vmem>>) semaphore(%arg20 : memref<!tpu.dma_semaphore, #tpu.memory_space<semaphore_mem>>)
    }
    %scan3A_103 = arith.constant 32 : i32
    %dma_wait3A_104 = arith.constant 0 : i32
    %dma_wait3A_105 = arith.constant 0 : i32
    %dma_wait3A_106 = tpu.memref_slice %arg8[%dma_wait3A_104, %dma_wait3A_105] : memref<262144x16xf32, #tpu.memory_space<hbm>> -> memref<4096x16xf32, #tpu.memory_space<hbm>>
    %dma_wait3A_107 = arith.constant 0 : i32
    %dma_wait3A_108 = arith.constant 0 : i32
    %dma_wait3A_109 = tpu.memref_slice %arg8[%dma_wait3A_107, %dma_wait3A_108] : memref<262144x16xf32, #tpu.memory_space<hbm>> -> memref<4096x16xf32, #tpu.memory_space<hbm>>
    tpu.wait_dma2 semaphore(%arg20 : memref<!tpu.dma_semaphore, #tpu.memory_space<semaphore_mem>>) src(%dma_wait3A_109 : memref<4096x16xf32, #tpu.memory_space<hbm>>) dst(%arg15 : memref<4096x16xf32, #tpu.memory_space<vmem>>)
    %mul3A_110 = arith.constant 8192 : i32
    %mul3A_111 = arith.muli %add3A, %mul3A_110 : i32
    %add3A_112 = arith.constant 4096 : i32
    %add3A_113 = arith.addi %mul3A_111, %add3A_112 : i32
    "tpu.region"() ({
      %run_scoped3A = tpu.sem_alloc : memref<!tpu.dma_semaphore, #tpu.memory_space<semaphore_mem>>
      %dma_start3A_126 = arith.constant 0 : i32
      %dma_start3A_127 = tpu.memref_slice %arg9[%add3A_113, %dma_start3A_126] : memref<262144x16xf32, #tpu.memory_space<hbm>> -> memref<4096x16xf32, #tpu.memory_space<hbm>>
      %dma_start3A_128 = arith.constant 0 : i32
      %dma_start3A_129 = tpu.memref_slice %arg9[%add3A_113, %dma_start3A_128] : memref<262144x16xf32, #tpu.memory_space<hbm>> -> memref<4096x16xf32, #tpu.memory_space<hbm>>
      tpu.enqueue_dma source(%arg15 : memref<4096x16xf32, #tpu.memory_space<vmem>>) target(%dma_start3A_129 : memref<4096x16xf32, #tpu.memory_space<hbm>>) target_semaphore(%run_scoped3A : memref<!tpu.dma_semaphore, #tpu.memory_space<semaphore_mem>>)
      %dma_wait3A_130 = arith.constant 0 : i32
      %dma_wait3A_131 = tpu.memref_slice %arg9[%add3A_113, %dma_wait3A_130] : memref<262144x16xf32, #tpu.memory_space<hbm>> -> memref<4096x16xf32, #tpu.memory_space<hbm>>
      %dma_wait3A_132 = arith.constant 0 : i32
      %dma_wait3A_133 = tpu.memref_slice %arg9[%add3A_113, %dma_wait3A_132] : memref<262144x16xf32, #tpu.memory_space<hbm>> -> memref<4096x16xf32, #tpu.memory_space<hbm>>
      tpu.wait_dma2 semaphore(%run_scoped3A : memref<!tpu.dma_semaphore, #tpu.memory_space<semaphore_mem>>) src(%arg15 : memref<4096x16xf32, #tpu.memory_space<vmem>>) dst(%dma_wait3A_133 : memref<4096x16xf32, #tpu.memory_space<hbm>>)
      tpu.yield
    }) : () -> ()
    %dma_wait3A_114 = arith.constant 0 : i32
    %dma_wait3A_115 = arith.constant 0 : i32
    %dma_wait3A_116 = tpu.memref_slice %arg10[%dma_wait3A_114, %dma_wait3A_115] : memref<8192x16xf32, #tpu.memory_space<hbm>> -> memref<384x16xf32, #tpu.memory_space<hbm>>
    %dma_wait3A_117 = arith.constant 0 : i32
    %dma_wait3A_118 = arith.constant 0 : i32
    %dma_wait3A_119 = tpu.memref_slice %arg10[%dma_wait3A_117, %dma_wait3A_118] : memref<8192x16xf32, #tpu.memory_space<hbm>> -> memref<384x16xf32, #tpu.memory_space<hbm>>
    tpu.wait_dma2 semaphore(%arg19 : memref<!tpu.dma_semaphore, #tpu.memory_space<semaphore_mem>>) src(%dma_wait3A_119 : memref<384x16xf32, #tpu.memory_space<hbm>>) dst(%arg18 : memref<384x16xf32, #tpu.memory_space<vmem>>)
    %mul3A_120 = arith.constant 2 : i32
    %mul3A_121 = arith.muli %add3A, %mul3A_120 : i32
    %mul3A_122 = arith.constant 128 : i32
    %mul3A_123 = arith.muli %mul3A_121, %mul3A_122 : i32
    "tpu.region"() ({
      %run_scoped3A = tpu.sem_alloc : memref<!tpu.dma_semaphore, #tpu.memory_space<semaphore_mem>>
      %dma_start3A_126 = arith.constant 0 : i32
      %dma_start3A_127 = arith.constant 0 : i32
      %dma_start3A_128 = tpu.memref_slice %arg18[%dma_start3A_126, %dma_start3A_127] : memref<384x16xf32, #tpu.memory_space<vmem>> -> memref<256x16xf32, #tpu.memory_space<vmem>>
      %dma_start3A_129 = arith.constant 0 : i32
      %dma_start3A_130 = tpu.memref_slice %arg10[%mul3A_123, %dma_start3A_129] : memref<8192x16xf32, #tpu.memory_space<hbm>> -> memref<256x16xf32, #tpu.memory_space<hbm>>
      %dma_start3A_131 = arith.constant 0 : i32
      %dma_start3A_132 = tpu.memref_slice %arg10[%mul3A_123, %dma_start3A_131] : memref<8192x16xf32, #tpu.memory_space<hbm>> -> memref<256x16xf32, #tpu.memory_space<hbm>>
      %dma_start3A_133 = arith.constant 0 : i32
      %dma_start3A_134 = arith.constant 0 : i32
      %dma_start3A_135 = tpu.memref_slice %arg18[%dma_start3A_133, %dma_start3A_134] : memref<384x16xf32, #tpu.memory_space<vmem>> -> memref<256x16xf32, #tpu.memory_space<vmem>>
      tpu.enqueue_dma source(%dma_start3A_135 : memref<256x16xf32, #tpu.memory_space<vmem>>) target(%dma_start3A_132 : memref<256x16xf32, #tpu.memory_space<hbm>>) target_semaphore(%run_scoped3A : memref<!tpu.dma_semaphore, #tpu.memory_space<semaphore_mem>>)
      %dma_wait3A_136 = arith.constant 0 : i32
      %dma_wait3A_137 = arith.constant 0 : i32
      %dma_wait3A_138 = tpu.memref_slice %arg18[%dma_wait3A_136, %dma_wait3A_137] : memref<384x16xf32, #tpu.memory_space<vmem>> -> memref<256x16xf32, #tpu.memory_space<vmem>>
      %dma_wait3A_139 = arith.constant 0 : i32
      %dma_wait3A_140 = tpu.memref_slice %arg10[%mul3A_123, %dma_wait3A_139] : memref<8192x16xf32, #tpu.memory_space<hbm>> -> memref<256x16xf32, #tpu.memory_space<hbm>>
      %dma_wait3A_141 = arith.constant 0 : i32
      %dma_wait3A_142 = tpu.memref_slice %arg10[%mul3A_123, %dma_wait3A_141] : memref<8192x16xf32, #tpu.memory_space<hbm>> -> memref<256x16xf32, #tpu.memory_space<hbm>>
      %dma_wait3A_143 = arith.constant 0 : i32
      %dma_wait3A_144 = arith.constant 0 : i32
      %dma_wait3A_145 = tpu.memref_slice %arg18[%dma_wait3A_143, %dma_wait3A_144] : memref<384x16xf32, #tpu.memory_space<vmem>> -> memref<256x16xf32, #tpu.memory_space<vmem>>
      tpu.wait_dma2 semaphore(%run_scoped3A : memref<!tpu.dma_semaphore, #tpu.memory_space<semaphore_mem>>) src(%dma_wait3A_145 : memref<256x16xf32, #tpu.memory_space<vmem>>) dst(%dma_wait3A_142 : memref<256x16xf32, #tpu.memory_space<hbm>>)
      tpu.yield
    }) : () -> ()
    %mul3A_124 = arith.constant 128 : i32
    %mul3A_125 = arith.muli %add3A, %mul3A_124 : i32
    "tpu.region"() ({
      %run_scoped3A = tpu.sem_alloc : memref<!tpu.dma_semaphore, #tpu.memory_space<semaphore_mem>>
      %dma_start3A_126 = arith.constant 256 : i32
      %dma_start3A_127 = arith.constant 0 : i32
      %dma_start3A_128 = tpu.memref_slice %arg18[%dma_start3A_126, %dma_start3A_127] : memref<384x16xf32, #tpu.memory_space<vmem>> -> memref<128x16xf32, #tpu.memory_space<vmem>>
      %dma_start3A_129 = arith.constant 0 : i32
      %dma_start3A_130 = tpu.memref_slice %arg11[%mul3A_125, %dma_start3A_129] : memref<4096x16xf32, #tpu.memory_space<hbm>> -> memref<128x16xf32, #tpu.memory_space<hbm>>
      %dma_start3A_131 = arith.constant 0 : i32
      %dma_start3A_132 = tpu.memref_slice %arg11[%mul3A_125, %dma_start3A_131] : memref<4096x16xf32, #tpu.memory_space<hbm>> -> memref<128x16xf32, #tpu.memory_space<hbm>>
      %dma_start3A_133 = arith.constant 256 : i32
      %dma_start3A_134 = arith.constant 0 : i32
      %dma_start3A_135 = tpu.memref_slice %arg18[%dma_start3A_133, %dma_start3A_134] : memref<384x16xf32, #tpu.memory_space<vmem>> -> memref<128x16xf32, #tpu.memory_space<vmem>>
      tpu.enqueue_dma source(%dma_start3A_135 : memref<128x16xf32, #tpu.memory_space<vmem>>) target(%dma_start3A_132 : memref<128x16xf32, #tpu.memory_space<hbm>>) target_semaphore(%run_scoped3A : memref<!tpu.dma_semaphore, #tpu.memory_space<semaphore_mem>>)
      %dma_wait3A_136 = arith.constant 256 : i32
      %dma_wait3A_137 = arith.constant 0 : i32
      %dma_wait3A_138 = tpu.memref_slice %arg18[%dma_wait3A_136, %dma_wait3A_137] : memref<384x16xf32, #tpu.memory_space<vmem>> -> memref<128x16xf32, #tpu.memory_space<vmem>>
      %dma_wait3A_139 = arith.constant 0 : i32
      %dma_wait3A_140 = tpu.memref_slice %arg11[%mul3A_125, %dma_wait3A_139] : memref<4096x16xf32, #tpu.memory_space<hbm>> -> memref<128x16xf32, #tpu.memory_space<hbm>>
      %dma_wait3A_141 = arith.constant 0 : i32
      %dma_wait3A_142 = tpu.memref_slice %arg11[%mul3A_125, %dma_wait3A_141] : memref<4096x16xf32, #tpu.memory_space<hbm>> -> memref<128x16xf32, #tpu.memory_space<hbm>>
      %dma_wait3A_143 = arith.constant 256 : i32
      %dma_wait3A_144 = arith.constant 0 : i32
      %dma_wait3A_145 = tpu.memref_slice %arg18[%dma_wait3A_143, %dma_wait3A_144] : memref<384x16xf32, #tpu.memory_space<vmem>> -> memref<128x16xf32, #tpu.memory_space<vmem>>
      tpu.wait_dma2 semaphore(%run_scoped3A : memref<!tpu.dma_semaphore, #tpu.memory_space<semaphore_mem>>) src(%dma_wait3A_145 : memref<128x16xf32, #tpu.memory_space<vmem>>) dst(%dma_wait3A_142 : memref<128x16xf32, #tpu.memory_space<hbm>>)
      tpu.yield
    }) : () -> ()
    return
  }
}

#map = affine_map<(d0, d1) -> (0, 0)>
#map1 = affine_map<(d0, d1) -> (0, 0, 0)>
module attributes {stable_mosaic.version = 14 : i64} {
  func.func @_sc_table_gather(%arg0: i32, %arg1: i32, %arg2: memref<100000x16xf32, #tpu.memory_space<hbm>>, %arg3: memref<100000x16xf32, #tpu.memory_space<hbm>>, %arg4: memref<32x26x128xi32, #tpu.memory_space<hbm>>, %arg5: memref<32x26x128xi32, #tpu.memory_space<hbm>>, %arg6: memref<106496x16xf32, #tpu.memory_space<hbm>>, %arg7: memref<106496x16xf32, #tpu.memory_space<hbm>>, %arg8: memref<26x128xi32, #tpu.memory_space<vmem>>, %arg9: memref<26x128xi32, #tpu.memory_space<vmem>>, %arg10: memref<3328x16xf32, #tpu.memory_space<vmem>>, %arg11: memref<!tpu.dma_semaphore, #tpu.memory_space<semaphore_mem>>) attributes {dimension_semantics = [#tpu.dimension_semantics<core_parallel>, #tpu.dimension_semantics<subcore_parallel>], iteration_bounds = array<i64: 2, 16>, scalar_prefetch = 0 : i64, scratch_operands = 4 : i64, tpu.core_type = #tpu.core_type<sc_vector_subcore>, window_params = [{transform_indices = #map}, {transform_indices = #map}, {transform_indices = #map1}, {transform_indices = #map1}, {transform_indices = #map}, {transform_indices = #map}]} {
    %mul3A = arith.constant 2 : i32
    %mul3A_0 = arith.muli %arg1, %mul3A : i32
    %add3A = arith.addi %mul3A_0, %arg0 : i32
    "tpu.region"() ({
      %run_scoped3A = tpu.sem_alloc : memref<!tpu.dma_semaphore, #tpu.memory_space<semaphore_mem>>
      %dma_start3A = arith.constant 0 : i32
      %dma_start3A_27 = arith.constant 0 : i32
      %dma_start3A_28 = tpu.memref_slice %arg4[%add3A, %dma_start3A, %dma_start3A_27] : memref<32x26x128xi32, #tpu.memory_space<hbm>> -> memref<1x26x128xi32, #tpu.memory_space<hbm>>
      %dma_start3A_29 = tpu.memref_squeeze %dma_start3A_28 : memref<1x26x128xi32, #tpu.memory_space<hbm>> -> memref<26x128xi32, #tpu.memory_space<hbm>>
      %dma_start3A_30 = arith.constant 0 : i32
      %dma_start3A_31 = arith.constant 0 : i32
      %dma_start3A_32 = tpu.memref_slice %arg4[%add3A, %dma_start3A_30, %dma_start3A_31] : memref<32x26x128xi32, #tpu.memory_space<hbm>> -> memref<1x26x128xi32, #tpu.memory_space<hbm>>
      %dma_start3A_33 = tpu.memref_squeeze %dma_start3A_32 : memref<1x26x128xi32, #tpu.memory_space<hbm>> -> memref<26x128xi32, #tpu.memory_space<hbm>>
      tpu.enqueue_dma source(%dma_start3A_33 : memref<26x128xi32, #tpu.memory_space<hbm>>) target(%arg8 : memref<26x128xi32, #tpu.memory_space<vmem>>) target_semaphore(%run_scoped3A : memref<!tpu.dma_semaphore, #tpu.memory_space<semaphore_mem>>)
      %dma_wait3A_34 = arith.constant 0 : i32
      %dma_wait3A_35 = arith.constant 0 : i32
      %dma_wait3A_36 = tpu.memref_slice %arg4[%add3A, %dma_wait3A_34, %dma_wait3A_35] : memref<32x26x128xi32, #tpu.memory_space<hbm>> -> memref<1x26x128xi32, #tpu.memory_space<hbm>>
      %dma_wait3A_37 = tpu.memref_squeeze %dma_wait3A_36 : memref<1x26x128xi32, #tpu.memory_space<hbm>> -> memref<26x128xi32, #tpu.memory_space<hbm>>
      %dma_wait3A_38 = arith.constant 0 : i32
      %dma_wait3A_39 = arith.constant 0 : i32
      %dma_wait3A_40 = tpu.memref_slice %arg4[%add3A, %dma_wait3A_38, %dma_wait3A_39] : memref<32x26x128xi32, #tpu.memory_space<hbm>> -> memref<1x26x128xi32, #tpu.memory_space<hbm>>
      %dma_wait3A_41 = tpu.memref_squeeze %dma_wait3A_40 : memref<1x26x128xi32, #tpu.memory_space<hbm>> -> memref<26x128xi32, #tpu.memory_space<hbm>>
      tpu.wait_dma2 semaphore(%run_scoped3A : memref<!tpu.dma_semaphore, #tpu.memory_space<semaphore_mem>>) src(%dma_wait3A_41 : memref<26x128xi32, #tpu.memory_space<hbm>>) dst(%arg8 : memref<26x128xi32, #tpu.memory_space<vmem>>)
      tpu.yield
    }) : () -> ()
    "tpu.region"() ({
      %run_scoped3A = tpu.sem_alloc : memref<!tpu.dma_semaphore, #tpu.memory_space<semaphore_mem>>
      %dma_start3A = arith.constant 0 : i32
      %dma_start3A_27 = arith.constant 0 : i32
      %dma_start3A_28 = tpu.memref_slice %arg5[%add3A, %dma_start3A, %dma_start3A_27] : memref<32x26x128xi32, #tpu.memory_space<hbm>> -> memref<1x26x128xi32, #tpu.memory_space<hbm>>
      %dma_start3A_29 = tpu.memref_squeeze %dma_start3A_28 : memref<1x26x128xi32, #tpu.memory_space<hbm>> -> memref<26x128xi32, #tpu.memory_space<hbm>>
      %dma_start3A_30 = arith.constant 0 : i32
      %dma_start3A_31 = arith.constant 0 : i32
      %dma_start3A_32 = tpu.memref_slice %arg5[%add3A, %dma_start3A_30, %dma_start3A_31] : memref<32x26x128xi32, #tpu.memory_space<hbm>> -> memref<1x26x128xi32, #tpu.memory_space<hbm>>
      %dma_start3A_33 = tpu.memref_squeeze %dma_start3A_32 : memref<1x26x128xi32, #tpu.memory_space<hbm>> -> memref<26x128xi32, #tpu.memory_space<hbm>>
      tpu.enqueue_dma source(%dma_start3A_33 : memref<26x128xi32, #tpu.memory_space<hbm>>) target(%arg9 : memref<26x128xi32, #tpu.memory_space<vmem>>) target_semaphore(%run_scoped3A : memref<!tpu.dma_semaphore, #tpu.memory_space<semaphore_mem>>)
      %dma_wait3A_34 = arith.constant 0 : i32
      %dma_wait3A_35 = arith.constant 0 : i32
      %dma_wait3A_36 = tpu.memref_slice %arg5[%add3A, %dma_wait3A_34, %dma_wait3A_35] : memref<32x26x128xi32, #tpu.memory_space<hbm>> -> memref<1x26x128xi32, #tpu.memory_space<hbm>>
      %dma_wait3A_37 = tpu.memref_squeeze %dma_wait3A_36 : memref<1x26x128xi32, #tpu.memory_space<hbm>> -> memref<26x128xi32, #tpu.memory_space<hbm>>
      %dma_wait3A_38 = arith.constant 0 : i32
      %dma_wait3A_39 = arith.constant 0 : i32
      %dma_wait3A_40 = tpu.memref_slice %arg5[%add3A, %dma_wait3A_38, %dma_wait3A_39] : memref<32x26x128xi32, #tpu.memory_space<hbm>> -> memref<1x26x128xi32, #tpu.memory_space<hbm>>
      %dma_wait3A_41 = tpu.memref_squeeze %dma_wait3A_40 : memref<1x26x128xi32, #tpu.memory_space<hbm>> -> memref<26x128xi32, #tpu.memory_space<hbm>>
      tpu.wait_dma2 semaphore(%run_scoped3A : memref<!tpu.dma_semaphore, #tpu.memory_space<semaphore_mem>>) src(%dma_wait3A_41 : memref<26x128xi32, #tpu.memory_space<hbm>>) dst(%arg9 : memref<26x128xi32, #tpu.memory_space<vmem>>)
      tpu.yield
    }) : () -> ()
    %scan3A = arith.constant 0 : i32
    %scan3A_1 = arith.constant 0 : i32
    %scan3A_2 = arith.constant 26 : i32
    %scan3A_3 = arith.addi %scan3A_1, %scan3A_2 : i32
    %scan3A_4 = arith.constant 1 : i32
    scf.for %scan3A_27 = %scan3A_1 to %scan3A_3 step %scan3A_4  : i32 {
      %mul3A_28 = arith.constant 128 : i32
      %mul3A_29 = arith.muli %scan3A_27, %mul3A_28 : i32
      %dma_start3A = arith.constant 0 : i32
      %dma_start3A_30 = tpu.memref_slice %arg10[%mul3A_29, %dma_start3A] : memref<3328x16xf32, #tpu.memory_space<vmem>> -> memref<128x16xf32, #tpu.memory_space<vmem>>
      %dma_start3A_31 = arith.constant 0 : i32
      %dma_start3A_32 = tpu.memref_slice %arg8[%scan3A_27, %dma_start3A_31] : memref<26x128xi32, #tpu.memory_space<vmem>> -> memref<1x128xi32, #tpu.memory_space<vmem>>
      %dma_start3A_33 = tpu.memref_squeeze %dma_start3A_32 : memref<1x128xi32, #tpu.memory_space<vmem>> -> memref<128xi32, #tpu.memory_space<vmem>>
      %dma_start3A_34 = arith.constant 0 : i32
      %dma_start3A_35 = arith.constant 0 : i32
      %dma_start3A_36 = tpu.memref_slice %arg2[%dma_start3A_34, %dma_start3A_35] : memref<100000x16xf32, #tpu.memory_space<hbm>> -> memref<100000x16xf32, #tpu.memory_space<hbm>>
      tpu.enqueue_indirect_dma source(%dma_start3A_36 : memref<100000x16xf32, #tpu.memory_space<hbm>>) target(%dma_start3A_30 : memref<128x16xf32, #tpu.memory_space<vmem>>) offsets(%dma_start3A_33 : memref<128xi32, #tpu.memory_space<vmem>>) semaphore(%arg11 : memref<!tpu.dma_semaphore, #tpu.memory_space<semaphore_mem>>)
    }
    %scan3A_5 = arith.constant 26 : i32
    %dma_wait3A = arith.constant 0 : i32
    %dma_wait3A_6 = arith.constant 0 : i32
    %dma_wait3A_7 = tpu.memref_slice %arg6[%dma_wait3A, %dma_wait3A_6] : memref<106496x16xf32, #tpu.memory_space<hbm>> -> memref<3328x16xf32, #tpu.memory_space<hbm>>
    %dma_wait3A_8 = arith.constant 0 : i32
    %dma_wait3A_9 = arith.constant 0 : i32
    %dma_wait3A_10 = tpu.memref_slice %arg6[%dma_wait3A_8, %dma_wait3A_9] : memref<106496x16xf32, #tpu.memory_space<hbm>> -> memref<3328x16xf32, #tpu.memory_space<hbm>>
    tpu.wait_dma2 semaphore(%arg11 : memref<!tpu.dma_semaphore, #tpu.memory_space<semaphore_mem>>) src(%dma_wait3A_10 : memref<3328x16xf32, #tpu.memory_space<hbm>>) dst(%arg10 : memref<3328x16xf32, #tpu.memory_space<vmem>>)
    %mul3A_11 = arith.constant 3328 : i32
    %mul3A_12 = arith.muli %add3A, %mul3A_11 : i32
    "tpu.region"() ({
      %run_scoped3A = tpu.sem_alloc : memref<!tpu.dma_semaphore, #tpu.memory_space<semaphore_mem>>
      %dma_start3A = arith.constant 0 : i32
      %dma_start3A_27 = tpu.memref_slice %arg6[%mul3A_12, %dma_start3A] : memref<106496x16xf32, #tpu.memory_space<hbm>> -> memref<3328x16xf32, #tpu.memory_space<hbm>>
      %dma_start3A_28 = arith.constant 0 : i32
      %dma_start3A_29 = tpu.memref_slice %arg6[%mul3A_12, %dma_start3A_28] : memref<106496x16xf32, #tpu.memory_space<hbm>> -> memref<3328x16xf32, #tpu.memory_space<hbm>>
      tpu.enqueue_dma source(%arg10 : memref<3328x16xf32, #tpu.memory_space<vmem>>) target(%dma_start3A_29 : memref<3328x16xf32, #tpu.memory_space<hbm>>) target_semaphore(%run_scoped3A : memref<!tpu.dma_semaphore, #tpu.memory_space<semaphore_mem>>)
      %dma_wait3A_30 = arith.constant 0 : i32
      %dma_wait3A_31 = tpu.memref_slice %arg6[%mul3A_12, %dma_wait3A_30] : memref<106496x16xf32, #tpu.memory_space<hbm>> -> memref<3328x16xf32, #tpu.memory_space<hbm>>
      %dma_wait3A_32 = arith.constant 0 : i32
      %dma_wait3A_33 = tpu.memref_slice %arg6[%mul3A_12, %dma_wait3A_32] : memref<106496x16xf32, #tpu.memory_space<hbm>> -> memref<3328x16xf32, #tpu.memory_space<hbm>>
      tpu.wait_dma2 semaphore(%run_scoped3A : memref<!tpu.dma_semaphore, #tpu.memory_space<semaphore_mem>>) src(%arg10 : memref<3328x16xf32, #tpu.memory_space<vmem>>) dst(%dma_wait3A_33 : memref<3328x16xf32, #tpu.memory_space<hbm>>)
      tpu.yield
    }) : () -> ()
    %scan3A_13 = arith.constant 0 : i32
    %scan3A_14 = arith.constant 0 : i32
    %scan3A_15 = arith.constant 26 : i32
    %scan3A_16 = arith.addi %scan3A_14, %scan3A_15 : i32
    %scan3A_17 = arith.constant 1 : i32
    scf.for %scan3A_27 = %scan3A_14 to %scan3A_16 step %scan3A_17  : i32 {
      %mul3A_28 = arith.constant 128 : i32
      %mul3A_29 = arith.muli %scan3A_27, %mul3A_28 : i32
      %dma_start3A = arith.constant 0 : i32
      %dma_start3A_30 = tpu.memref_slice %arg10[%mul3A_29, %dma_start3A] : memref<3328x16xf32, #tpu.memory_space<vmem>> -> memref<128x16xf32, #tpu.memory_space<vmem>>
      %dma_start3A_31 = arith.constant 0 : i32
      %dma_start3A_32 = tpu.memref_slice %arg9[%scan3A_27, %dma_start3A_31] : memref<26x128xi32, #tpu.memory_space<vmem>> -> memref<1x128xi32, #tpu.memory_space<vmem>>
      %dma_start3A_33 = tpu.memref_squeeze %dma_start3A_32 : memref<1x128xi32, #tpu.memory_space<vmem>> -> memref<128xi32, #tpu.memory_space<vmem>>
      %dma_start3A_34 = arith.constant 0 : i32
      %dma_start3A_35 = arith.constant 0 : i32
      %dma_start3A_36 = tpu.memref_slice %arg3[%dma_start3A_34, %dma_start3A_35] : memref<100000x16xf32, #tpu.memory_space<hbm>> -> memref<100000x16xf32, #tpu.memory_space<hbm>>
      tpu.enqueue_indirect_dma source(%dma_start3A_36 : memref<100000x16xf32, #tpu.memory_space<hbm>>) target(%dma_start3A_30 : memref<128x16xf32, #tpu.memory_space<vmem>>) offsets(%dma_start3A_33 : memref<128xi32, #tpu.memory_space<vmem>>) semaphore(%arg11 : memref<!tpu.dma_semaphore, #tpu.memory_space<semaphore_mem>>)
    }
    %scan3A_18 = arith.constant 26 : i32
    %dma_wait3A_19 = arith.constant 0 : i32
    %dma_wait3A_20 = arith.constant 0 : i32
    %dma_wait3A_21 = tpu.memref_slice %arg7[%dma_wait3A_19, %dma_wait3A_20] : memref<106496x16xf32, #tpu.memory_space<hbm>> -> memref<3328x16xf32, #tpu.memory_space<hbm>>
    %dma_wait3A_22 = arith.constant 0 : i32
    %dma_wait3A_23 = arith.constant 0 : i32
    %dma_wait3A_24 = tpu.memref_slice %arg7[%dma_wait3A_22, %dma_wait3A_23] : memref<106496x16xf32, #tpu.memory_space<hbm>> -> memref<3328x16xf32, #tpu.memory_space<hbm>>
    tpu.wait_dma2 semaphore(%arg11 : memref<!tpu.dma_semaphore, #tpu.memory_space<semaphore_mem>>) src(%dma_wait3A_24 : memref<3328x16xf32, #tpu.memory_space<hbm>>) dst(%arg10 : memref<3328x16xf32, #tpu.memory_space<vmem>>)
    %mul3A_25 = arith.constant 3328 : i32
    %mul3A_26 = arith.muli %add3A, %mul3A_25 : i32
    "tpu.region"() ({
      %run_scoped3A = tpu.sem_alloc : memref<!tpu.dma_semaphore, #tpu.memory_space<semaphore_mem>>
      %dma_start3A = arith.constant 0 : i32
      %dma_start3A_27 = tpu.memref_slice %arg7[%mul3A_26, %dma_start3A] : memref<106496x16xf32, #tpu.memory_space<hbm>> -> memref<3328x16xf32, #tpu.memory_space<hbm>>
      %dma_start3A_28 = arith.constant 0 : i32
      %dma_start3A_29 = tpu.memref_slice %arg7[%mul3A_26, %dma_start3A_28] : memref<106496x16xf32, #tpu.memory_space<hbm>> -> memref<3328x16xf32, #tpu.memory_space<hbm>>
      tpu.enqueue_dma source(%arg10 : memref<3328x16xf32, #tpu.memory_space<vmem>>) target(%dma_start3A_29 : memref<3328x16xf32, #tpu.memory_space<hbm>>) target_semaphore(%run_scoped3A : memref<!tpu.dma_semaphore, #tpu.memory_space<semaphore_mem>>)
      %dma_wait3A_30 = arith.constant 0 : i32
      %dma_wait3A_31 = tpu.memref_slice %arg7[%mul3A_26, %dma_wait3A_30] : memref<106496x16xf32, #tpu.memory_space<hbm>> -> memref<3328x16xf32, #tpu.memory_space<hbm>>
      %dma_wait3A_32 = arith.constant 0 : i32
      %dma_wait3A_33 = tpu.memref_slice %arg7[%mul3A_26, %dma_wait3A_32] : memref<106496x16xf32, #tpu.memory_space<hbm>> -> memref<3328x16xf32, #tpu.memory_space<hbm>>
      tpu.wait_dma2 semaphore(%run_scoped3A : memref<!tpu.dma_semaphore, #tpu.memory_space<semaphore_mem>>) src(%arg10 : memref<3328x16xf32, #tpu.memory_space<vmem>>) dst(%dma_wait3A_33 : memref<3328x16xf32, #tpu.memory_space<hbm>>)
      tpu.yield
    }) : () -> ()
    return
  }
}

module attributes {stable_mosaic.version = 14 : i64} {
  func.func @_tc_att_body(%arg0: i32, %arg1: memref<2048x128xf32, #tpu.memory_space<vmem>>, %arg2: memref<2048x128xf32, #tpu.memory_space<vmem>>, %arg3: memref<256x128xf32, #tpu.memory_space<vmem>>, %arg4: memref<256x128xf32, #tpu.memory_space<vmem>>, %arg5: memref<256x16xf32, #tpu.memory_space<vmem>>, %arg6: memref<256x1xi32, #tpu.memory_space<vmem>>, %arg7: memref<128x128xf32, #tpu.memory_space<vmem>>, %arg8: memref<128x128xf32, #tpu.memory_space<vmem>>, %arg9: memref<128x128xf32, #tpu.memory_space<vmem>>, %arg10: memref<128x128xf32, #tpu.memory_space<vmem>>, %arg11: memref<128x128xf32, #tpu.memory_space<vmem>>, %arg12: memref<128x128xf32, #tpu.memory_space<vmem>>, %arg13: memref<1x128xf32, #tpu.memory_space<vmem>>, %arg14: memref<1x128xf32, #tpu.memory_space<vmem>>, %arg15: memref<128x64xf32, #tpu.memory_space<vmem>>, %arg16: memref<1x64xf32, #tpu.memory_space<vmem>>, %arg17: memref<1x64xf32, #tpu.memory_space<vmem>>, %arg18: memref<64x8xf32, #tpu.memory_space<vmem>>, %arg19: memref<8x128xf32, #tpu.memory_space<vmem>>, %arg20: memref<128x16xf32, #tpu.memory_space<vmem>>, %arg21: memref<16x32xf32, #tpu.memory_space<vmem>>, %arg22: memref<16x32xf32, #tpu.memory_space<vmem>>, %arg23: memref<16x32xf32, #tpu.memory_space<vmem>>, %arg24: memref<16x32xf32, #tpu.memory_space<vmem>>, %arg25: memref<16x32xf32, #tpu.memory_space<vmem>>, %arg26: memref<1x32xf32, #tpu.memory_space<vmem>>, %arg27: memref<1x32xf32, #tpu.memory_space<vmem>>, %arg28: memref<32x16xf32, #tpu.memory_space<vmem>>, %arg29: memref<1x16xf32, #tpu.memory_space<vmem>>, %arg30: memref<1x16xf32, #tpu.memory_space<vmem>>, %arg31: memref<1x16xf32, #tpu.memory_space<vmem>>, %arg32: memref<1x4xf32, #tpu.memory_space<vmem>>, %arg33: memref<256x1xf32, #tpu.memory_space<vmem>>) attributes {dimension_semantics = [#tpu.dimension_semantics<arbitrary>], iteration_bounds = array<i64: 16>, scalar_prefetch = 0 : i64, scratch_operands = 0 : i64, tpu.core_type = #tpu.core_type<tc>, window_params = [{transform_indices = @transform_0, window_bounds = array<i64: 2048, 128>}, {transform_indices = @transform_1, window_bounds = array<i64: 2048, 128>}, {transform_indices = @transform_2, window_bounds = array<i64: 256, 128>}, {transform_indices = @transform_3, window_bounds = array<i64: 256, 128>}, {transform_indices = @transform_4, window_bounds = array<i64: 256, 16>}, {transform_indices = @transform_5, window_bounds = array<i64: 256, 1>}, {pipeline_mode = #tpu.pipeline_mode<synchronous>, transform_indices = @transform_6, window_bounds = array<i64: 128, 128>}, {pipeline_mode = #tpu.pipeline_mode<synchronous>, transform_indices = @transform_7, window_bounds = array<i64: 128, 128>}, {pipeline_mode = #tpu.pipeline_mode<synchronous>, transform_indices = @transform_8, window_bounds = array<i64: 128, 128>}, {pipeline_mode = #tpu.pipeline_mode<synchronous>, transform_indices = @transform_9, window_bounds = array<i64: 128, 128>}, {pipeline_mode = #tpu.pipeline_mode<synchronous>, transform_indices = @transform_10, window_bounds = array<i64: 128, 128>}, {pipeline_mode = #tpu.pipeline_mode<synchronous>, transform_indices = @transform_11, window_bounds = array<i64: 128, 128>}, {pipeline_mode = #tpu.pipeline_mode<synchronous>, transform_indices = @transform_12, window_bounds = array<i64: 1, 128>}, {pipeline_mode = #tpu.pipeline_mode<synchronous>, transform_indices = @transform_13, window_bounds = array<i64: 1, 128>}, {pipeline_mode = #tpu.pipeline_mode<synchronous>, transform_indices = @transform_14, window_bounds = array<i64: 128, 64>}, {pipeline_mode = #tpu.pipeline_mode<synchronous>, transform_indices = @transform_15, window_bounds = array<i64: 1, 64>}, {pipeline_mode = #tpu.pipeline_mode<synchronous>, transform_indices = @transform_16, window_bounds = array<i64: 1, 64>}, {pipeline_mode = #tpu.pipeline_mode<synchronous>, transform_indices = @transform_17, window_bounds = array<i64: 64, 8>}, {pipeline_mode = #tpu.pipeline_mode<synchronous>, transform_indices = @transform_18, window_bounds = array<i64: 8, 128>}, {pipeline_mode = #tpu.pipeline_mode<synchronous>, transform_indices = @transform_19, window_bounds = array<i64: 128, 16>}, {pipeline_mode = #tpu.pipeline_mode<synchronous>, transform_indices = @transform_20, window_bounds = array<i64: 16, 32>}, {pipeline_mode = #tpu.pipeline_mode<synchronous>, transform_indices = @transform_21, window_bounds = array<i64: 16, 32>}, {pipeline_mode = #tpu.pipeline_mode<synchronous>, transform_indices = @transform_22, window_bounds = array<i64: 16, 32>}, {pipeline_mode = #tpu.pipeline_mode<synchronous>, transform_indices = @transform_23, window_bounds = array<i64: 16, 32>}, {pipeline_mode = #tpu.pipeline_mode<synchronous>, transform_indices = @transform_24, window_bounds = array<i64: 16, 32>}, {pipeline_mode = #tpu.pipeline_mode<synchronous>, transform_indices = @transform_25, window_bounds = array<i64: 1, 32>}, {pipeline_mode = #tpu.pipeline_mode<synchronous>, transform_indices = @transform_26, window_bounds = array<i64: 1, 32>}, {pipeline_mode = #tpu.pipeline_mode<synchronous>, transform_indices = @transform_27, window_bounds = array<i64: 32, 16>}, {pipeline_mode = #tpu.pipeline_mode<synchronous>, transform_indices = @transform_28, window_bounds = array<i64: 1, 16>}, {pipeline_mode = #tpu.pipeline_mode<synchronous>, transform_indices = @transform_29, window_bounds = array<i64: 1, 16>}, {pipeline_mode = #tpu.pipeline_mode<synchronous>, transform_indices = @transform_30, window_bounds = array<i64: 1, 16>}, {pipeline_mode = #tpu.pipeline_mode<synchronous>, transform_indices = @transform_31, window_bounds = array<i64: 1, 4>}, {transform_indices = @transform_32, window_bounds = array<i64: 256, 1>}]} {
    %get3A = arith.constant 0 : index
    %get3A_0 = arith.constant 0 : index
    %get3A_1 = vector.load %arg1[%get3A, %get3A_0] : memref<2048x128xf32, #tpu.memory_space<vmem>>, vector<2048x128xf32>
    %get3A_2 = arith.constant 0 : index
    %get3A_3 = arith.constant 0 : index
    %get3A_4 = vector.load %arg2[%get3A_2, %get3A_3] : memref<2048x128xf32, #tpu.memory_space<vmem>>, vector<2048x128xf32>
    %get3A_5 = arith.constant 0 : index
    %get3A_6 = arith.constant 0 : index
    %get3A_7 = vector.load %arg3[%get3A_5, %get3A_6] : memref<256x128xf32, #tpu.memory_space<vmem>>, vector<256x128xf32>
    %get3A_8 = arith.constant 0 : index
    %get3A_9 = arith.constant 0 : index
    %get3A_10 = vector.load %arg4[%get3A_8, %get3A_9] : memref<256x128xf32, #tpu.memory_space<vmem>>, vector<256x128xf32>
    %broadcast_in_dim3A = vector.shape_cast %get3A_7 : vector<256x128xf32> to vector<256x1x128xf32>
    %broadcast_in_dim3A_11 = vector.shape_cast %broadcast_in_dim3A : vector<256x1x128xf32> to vector<256x1x128xf32>
    %broadcast_in_dim3A_12 = vector.broadcast %broadcast_in_dim3A_11 : vector<256x1x128xf32> to vector<256x8x128xf32>
    %reshape3A = vector.shape_cast %broadcast_in_dim3A_12 : vector<256x8x128xf32> to vector<2048x128xf32>
    %broadcast_in_dim3A_13 = vector.shape_cast %get3A_10 : vector<256x128xf32> to vector<256x1x128xf32>
    %broadcast_in_dim3A_14 = vector.shape_cast %broadcast_in_dim3A_13 : vector<256x1x128xf32> to vector<256x1x128xf32>
    %broadcast_in_dim3A_15 = vector.broadcast %broadcast_in_dim3A_14 : vector<256x1x128xf32> to vector<256x8x128xf32>
    %reshape3A_16 = vector.shape_cast %broadcast_in_dim3A_15 : vector<256x8x128xf32> to vector<2048x128xf32>
    %mul3A = arith.mulf %reshape3A, %get3A_1 : vector<2048x128xf32>
    %mul3A_17 = arith.mulf %reshape3A_16, %get3A_4 : vector<2048x128xf32>
    %get3A_18 = arith.constant 0 : index
    %get3A_19 = arith.constant 0 : index
    %get3A_20 = vector.load %arg7[%get3A_18, %get3A_19] : memref<128x128xf32, #tpu.memory_space<vmem>>, vector<128x128xf32>
    %dot_general3A = arith.constant dense<0.000000e+00> : vector<2048x128xf32>
    %dot_general3A_21 = tpu.matmul %get3A_1, %get3A_20, %dot_general3A {dimension_numbers = #tpu.dot_dimension_numbers<[1], [0], [0], [1], [0, 0, 1, 1], [], []>, transpose_lhs_hint = false} : vector<2048x128xf32>, vector<128x128xf32>, vector<2048x128xf32> -> vector<2048x128xf32>
    %get3A_22 = arith.constant 0 : index
    %get3A_23 = arith.constant 0 : index
    %get3A_24 = vector.load %arg8[%get3A_22, %get3A_23] : memref<128x128xf32, #tpu.memory_space<vmem>>, vector<128x128xf32>
    %dot_general3A_25 = arith.constant dense<0.000000e+00> : vector<2048x128xf32>
    %dot_general3A_26 = tpu.matmul %get3A_4, %get3A_24, %dot_general3A_25 {dimension_numbers = #tpu.dot_dimension_numbers<[1], [0], [0], [1], [0, 0, 1, 1], [], []>, transpose_lhs_hint = false} : vector<2048x128xf32>, vector<128x128xf32>, vector<2048x128xf32> -> vector<2048x128xf32>
    %add3A = arith.addf %dot_general3A_21, %dot_general3A_26 : vector<2048x128xf32>
    %get3A_27 = arith.constant 0 : index
    %get3A_28 = arith.constant 0 : index
    %get3A_29 = vector.load %arg9[%get3A_27, %get3A_28] : memref<128x128xf32, #tpu.memory_space<vmem>>, vector<128x128xf32>
    %dot_general3A_30 = arith.constant dense<0.000000e+00> : vector<2048x128xf32>
    %dot_general3A_31 = tpu.matmul %mul3A, %get3A_29, %dot_general3A_30 {dimension_numbers = #tpu.dot_dimension_numbers<[1], [0], [0], [1], [0, 0, 1, 1], [], []>, transpose_lhs_hint = false} : vector<2048x128xf32>, vector<128x128xf32>, vector<2048x128xf32> -> vector<2048x128xf32>
    %add3A_32 = arith.addf %add3A, %dot_general3A_31 : vector<2048x128xf32>
    %get3A_33 = arith.constant 0 : index
    %get3A_34 = arith.constant 0 : index
    %get3A_35 = vector.load %arg10[%get3A_33, %get3A_34] : memref<128x128xf32, #tpu.memory_space<vmem>>, vector<128x128xf32>
    %dot_general3A_36 = arith.constant dense<0.000000e+00> : vector<2048x128xf32>
    %dot_general3A_37 = tpu.matmul %mul3A_17, %get3A_35, %dot_general3A_36 {dimension_numbers = #tpu.dot_dimension_numbers<[1], [0], [0], [1], [0, 0, 1, 1], [], []>, transpose_lhs_hint = false} : vector<2048x128xf32>, vector<128x128xf32>, vector<2048x128xf32> -> vector<2048x128xf32>
    %add3A_38 = arith.addf %add3A_32, %dot_general3A_37 : vector<2048x128xf32>
    %get3A_39 = arith.constant 0 : index
    %get3A_40 = arith.constant 0 : index
    %get3A_41 = vector.load %arg11[%get3A_39, %get3A_40] : memref<128x128xf32, #tpu.memory_space<vmem>>, vector<128x128xf32>
    %dot_general3A_42 = arith.constant dense<0.000000e+00> : vector<256x128xf32>
    %dot_general3A_43 = tpu.matmul %get3A_7, %get3A_41, %dot_general3A_42 {dimension_numbers = #tpu.dot_dimension_numbers<[1], [0], [0], [1], [0, 0, 1, 1], [], []>, transpose_lhs_hint = false} : vector<256x128xf32>, vector<128x128xf32>, vector<256x128xf32> -> vector<256x128xf32>
    %get3A_44 = arith.constant 0 : index
    %get3A_45 = arith.constant 0 : index
    %get3A_46 = vector.load %arg12[%get3A_44, %get3A_45] : memref<128x128xf32, #tpu.memory_space<vmem>>, vector<128x128xf32>
    %dot_general3A_47 = arith.constant dense<0.000000e+00> : vector<256x128xf32>
    %dot_general3A_48 = tpu.matmul %get3A_10, %get3A_46, %dot_general3A_47 {dimension_numbers = #tpu.dot_dimension_numbers<[1], [0], [0], [1], [0, 0, 1, 1], [], []>, transpose_lhs_hint = false} : vector<256x128xf32>, vector<128x128xf32>, vector<256x128xf32> -> vector<256x128xf32>
    %add3A_49 = arith.addf %dot_general3A_43, %dot_general3A_48 : vector<256x128xf32>
    %broadcast_in_dim3A_50 = vector.shape_cast %add3A_49 : vector<256x128xf32> to vector<256x1x128xf32>
    %broadcast_in_dim3A_51 = vector.shape_cast %broadcast_in_dim3A_50 : vector<256x1x128xf32> to vector<256x1x128xf32>
    %broadcast_in_dim3A_52 = vector.broadcast %broadcast_in_dim3A_51 : vector<256x1x128xf32> to vector<256x8x128xf32>
    %reshape3A_53 = vector.shape_cast %broadcast_in_dim3A_52 : vector<256x8x128xf32> to vector<2048x128xf32>
    %add3A_54 = arith.addf %add3A_38, %reshape3A_53 : vector<2048x128xf32>
    %get3A_55 = arith.constant 0 : index
    %get3A_56 = arith.constant 0 : index
    %get3A_57 = vector.load %arg13[%get3A_55, %get3A_56] : memref<1x128xf32, #tpu.memory_space<vmem>>, vector<1x128xf32>
    %add3A_58 = vector.broadcast %get3A_57 : vector<1x128xf32> to vector<2048x128xf32>
    %add3A_59 = arith.addf %add3A_54, %add3A_58 : vector<2048x128xf32>
    %get3A_60 = arith.constant 0 : index
    %get3A_61 = arith.constant 0 : index
    %get3A_62 = vector.load %arg14[%get3A_60, %get3A_61] : memref<1x128xf32, #tpu.memory_space<vmem>>, vector<1x128xf32>
    %logistic3A = arith.negf %add3A_59 : vector<2048x128xf32>
    %logistic3A_63 = math.exp %logistic3A : vector<2048x128xf32>
    %logistic3A_64 = arith.constant 1.000000e+00 : f32
    %logistic3A_65 = vector.broadcast %logistic3A_64 : f32 to vector<2048x128xf32>
    %logistic3A_66 = arith.addf %logistic3A_65, %logistic3A_63 : vector<2048x128xf32>
    %logistic3A_67 = arith.divf %logistic3A_65, %logistic3A_66 : vector<2048x128xf32>
    %mul3A_68 = arith.mulf %logistic3A_67, %add3A_59 : vector<2048x128xf32>
    %sub3A = arith.constant 1.000000e+00 : f32
    %sub3A_69 = vector.broadcast %sub3A : f32 to vector<2048x128xf32>
    %sub3A_70 = arith.subf %sub3A_69, %logistic3A_67 : vector<2048x128xf32>
    %mul3A_71 = vector.broadcast %get3A_62 : vector<1x128xf32> to vector<2048x128xf32>
    %mul3A_72 = arith.mulf %sub3A_70, %mul3A_71 : vector<2048x128xf32>
    %mul3A_73 = arith.mulf %mul3A_72, %add3A_59 : vector<2048x128xf32>
    %add3A_74 = arith.addf %mul3A_68, %mul3A_73 : vector<2048x128xf32>
    %get3A_75 = arith.constant 0 : index
    %get3A_76 = arith.constant 0 : index
    %get3A_77 = vector.load %arg15[%get3A_75, %get3A_76] : memref<128x64xf32, #tpu.memory_space<vmem>>, vector<128x64xf32>
    %dot_general3A_78 = arith.constant dense<0.000000e+00> : vector<2048x64xf32>
    %dot_general3A_79 = tpu.matmul %add3A_74, %get3A_77, %dot_general3A_78 {dimension_numbers = #tpu.dot_dimension_numbers<[1], [0], [0], [1], [0, 0, 1, 1], [], []>, transpose_lhs_hint = false} : vector<2048x128xf32>, vector<128x64xf32>, vector<2048x64xf32> -> vector<2048x64xf32>
    %get3A_80 = arith.constant 0 : index
    %get3A_81 = arith.constant 0 : index
    %get3A_82 = vector.load %arg16[%get3A_80, %get3A_81] : memref<1x64xf32, #tpu.memory_space<vmem>>, vector<1x64xf32>
    %add3A_83 = vector.broadcast %get3A_82 : vector<1x64xf32> to vector<2048x64xf32>
    %add3A_84 = arith.addf %dot_general3A_79, %add3A_83 : vector<2048x64xf32>
    %get3A_85 = arith.constant 0 : index
    %get3A_86 = arith.constant 0 : index
    %get3A_87 = vector.load %arg17[%get3A_85, %get3A_86] : memref<1x64xf32, #tpu.memory_space<vmem>>, vector<1x64xf32>
    %logistic3A_88 = arith.negf %add3A_84 : vector<2048x64xf32>
    %logistic3A_89 = math.exp %logistic3A_88 : vector<2048x64xf32>
    %logistic3A_90 = arith.constant 1.000000e+00 : f32
    %logistic3A_91 = vector.broadcast %logistic3A_90 : f32 to vector<2048x64xf32>
    %logistic3A_92 = arith.addf %logistic3A_91, %logistic3A_89 : vector<2048x64xf32>
    %logistic3A_93 = arith.divf %logistic3A_91, %logistic3A_92 : vector<2048x64xf32>
    %mul3A_94 = arith.mulf %logistic3A_93, %add3A_84 : vector<2048x64xf32>
    %sub3A_95 = arith.constant 1.000000e+00 : f32
    %sub3A_96 = vector.broadcast %sub3A_95 : f32 to vector<2048x64xf32>
    %sub3A_97 = arith.subf %sub3A_96, %logistic3A_93 : vector<2048x64xf32>
    %mul3A_98 = vector.broadcast %get3A_87 : vector<1x64xf32> to vector<2048x64xf32>
    %mul3A_99 = arith.mulf %sub3A_97, %mul3A_98 : vector<2048x64xf32>
    %mul3A_100 = arith.mulf %mul3A_99, %add3A_84 : vector<2048x64xf32>
    %add3A_101 = arith.addf %mul3A_94, %mul3A_100 : vector<2048x64xf32>
    %get3A_102 = arith.constant 0 : index
    %get3A_103 = arith.constant 0 : index
    %get3A_104 = vector.load %arg18[%get3A_102, %get3A_103] : memref<64x8xf32, #tpu.memory_space<vmem>>, vector<64x8xf32>
    %dot_general3A_105 = arith.constant dense<0.000000e+00> : vector<2048x8xf32>
    %dot_general3A_106 = tpu.matmul %add3A_101, %get3A_104, %dot_general3A_105 {dimension_numbers = #tpu.dot_dimension_numbers<[1], [0], [0], [1], [0, 0, 1, 1], [], []>, transpose_lhs_hint = false} : vector<2048x64xf32>, vector<64x8xf32>, vector<2048x8xf32> -> vector<2048x8xf32>
    %get3A_107 = arith.constant 0 : index
    %get3A_108 = arith.constant 0 : index
    %get3A_109 = vector.load %arg32[%get3A_107, %get3A_108] : memref<1x4xf32, #tpu.memory_space<vmem>>, vector<1x1xf32>
    %get3A_110 = vector.extract %get3A_109[0, 0] : f32 from vector<1x1xf32>
    %add3A_111 = vector.broadcast %get3A_110 : f32 to vector<2048x8xf32>
    %add3A_112 = arith.addf %dot_general3A_106, %add3A_111 : vector<2048x8xf32>
    %iota3A = tpu.iota {dimensions = array<i32: 0>} : vector<2048x8xi32>
    %jit3A = arith.constant 8 : i32
    %eq3A = arith.constant 0 : i32
    %eq3A_113 = arith.cmpi eq, %jit3A, %eq3A : i32
    %jit3A_114 = arith.constant 1 : i32
    %select_n3A = arith.select %eq3A_113, %jit3A_114, %jit3A : i32
    %rem3A = vector.broadcast %select_n3A : i32 to vector<2048x8xi32>
    %rem3A_115 = arith.remsi %iota3A, %rem3A : vector<2048x8xi32>
    %ne3A = arith.constant 0 : i32
    %ne3A_116 = vector.broadcast %ne3A : i32 to vector<2048x8xi32>
    %ne3A_117 = arith.cmpi ne, %rem3A_115, %ne3A_116 : vector<2048x8xi32>
    %lt3A = arith.constant 0 : i32
    %lt3A_118 = vector.broadcast %lt3A : i32 to vector<2048x8xi32>
    %lt3A_119 = arith.cmpi slt, %rem3A_115, %lt3A_118 : vector<2048x8xi32>
    %lt3A_120 = arith.constant 0 : i32
    %lt3A_121 = arith.cmpi slt, %select_n3A, %lt3A_120 : i32
    %ne3A_122 = vector.broadcast %lt3A_121 : i1 to vector<2048x8xi1>
    %ne3A_123 = vector.broadcast %ne3A_122 : vector<2048x8xi1> to vector<2048x8xi1>
    %ne3A_124 = arith.xori %lt3A_119, %ne3A_123 : vector<2048x8xi1>
    %and3A = arith.andi %ne3A_124, %ne3A_117 : vector<2048x8xi1>
    %add3A_125 = vector.broadcast %select_n3A : i32 to vector<2048x8xi32>
    %add3A_126 = arith.addi %rem3A_115, %add3A_125 : vector<2048x8xi32>
    %select_n3A_127 = arith.select %and3A, %add3A_126, %rem3A_115 : vector<2048x8xi1>, vector<2048x8xi32>
    %iota3A_128 = tpu.iota {dimensions = array<i32: 1>} : vector<2048x8xi32>
    %get3A_129 = arith.constant 0 : index
    %get3A_130 = arith.constant 0 : index
    %get3A_131 = vector.load %arg6[%get3A_129, %get3A_130] : memref<256x1xi32, #tpu.memory_space<vmem>>, vector<256x1xi32>
    %broadcast_in_dim3A_132 = vector.shape_cast %get3A_131 : vector<256x1xi32> to vector<256x1x1xi32>
    %broadcast_in_dim3A_133 = vector.shape_cast %broadcast_in_dim3A_132 : vector<256x1x1xi32> to vector<256x1x1xi32>
    %broadcast_in_dim3A_134 = vector.broadcast %broadcast_in_dim3A_133 : vector<256x1x1xi32> to vector<256x8x1xi32>
    %reshape3A_135 = vector.shape_cast %broadcast_in_dim3A_134 : vector<256x8x1xi32> to vector<2048x1xi32>
    %mul3A_136 = arith.constant 8 : i32
    %mul3A_137 = vector.broadcast %mul3A_136 : i32 to vector<2048x8xi32>
    %mul3A_138 = arith.muli %select_n3A_127, %mul3A_137 : vector<2048x8xi32>
    %add3A_139 = arith.addi %mul3A_138, %iota3A_128 : vector<2048x8xi32>
    %lt3A_140 = vector.broadcast %reshape3A_135 : vector<2048x1xi32> to vector<2048x8xi32>
    %lt3A_141 = arith.cmpi slt, %add3A_139, %lt3A_140 : vector<2048x8xi32>
    %jit3A_142 = arith.constant -1.000000e+09 : f32
    %broadcast_in_dim3A_143 = vector.broadcast %jit3A_142 : f32 to vector<2048x8xf32>
    %select_n3A_144 = arith.select %lt3A_141, %add3A_112, %broadcast_in_dim3A_143 : vector<2048x8xi1>, vector<2048x8xf32>
    %reduce_max3A = vector.shape_cast %select_n3A_144 : vector<2048x8xf32> to vector<1x2048x8xf32>
    %reduce_max3A_145 = arith.constant dense<0xFF800000> : vector<1xf32>
    %reduce_max3A_146 = vector.multi_reduction <maximumf>, %reduce_max3A, %reduce_max3A_145 [1, 2] : vector<1x2048x8xf32> to vector<1xf32>
    %reduce_max3A_147 = vector.shape_cast %reduce_max3A_146 : vector<1xf32> to vector<1x1x1xf32>
    %reduce_max3A_148 = vector.extract %reduce_max3A_147[0, 0, 0] : f32 from vector<1x1x1xf32>
    %sub3A_149 = vector.broadcast %reduce_max3A_148 : f32 to vector<2048x8xf32>
    %sub3A_150 = arith.subf %select_n3A_144, %sub3A_149 : vector<2048x8xf32>
    %exp3A = math.exp %sub3A_150 : vector<2048x8xf32>
    %reduce_sum3A = arith.constant dense<0.000000e+00> : vector<2048xf32>
    %reduce_sum3A_151 = vector.multi_reduction <add>, %exp3A, %reduce_sum3A [1] : vector<2048x8xf32> to vector<2048xf32>
    %broadcast_in_dim3A_152 = vector.shape_cast %reduce_sum3A_151 : vector<2048xf32> to vector<2048x1xf32>
    %reshape3A_153 = vector.shape_cast %broadcast_in_dim3A_152 : vector<2048x1xf32> to vector<256x8x1xf32>
    %reduce_sum3A_154 = arith.constant dense<0.000000e+00> : vector<256x1xf32>
    %reduce_sum3A_155 = vector.multi_reduction <add>, %reshape3A_153, %reduce_sum3A_154 [1] : vector<256x8x1xf32> to vector<256x1xf32>
    %broadcast_in_dim3A_156 = vector.shape_cast %reduce_sum3A_155 : vector<256x1xf32> to vector<256x1x1xf32>
    %broadcast_in_dim3A_157 = vector.shape_cast %broadcast_in_dim3A_156 : vector<256x1x1xf32> to vector<256x1x1xf32>
    %broadcast_in_dim3A_158 = vector.broadcast %broadcast_in_dim3A_157 : vector<256x1x1xf32> to vector<256x8x1xf32>
    %reshape3A_159 = vector.shape_cast %broadcast_in_dim3A_158 : vector<256x8x1xf32> to vector<2048x1xf32>
    %div3A = vector.broadcast %reshape3A_159 : vector<2048x1xf32> to vector<2048x8xf32>
    %div3A_160 = arith.divf %exp3A, %div3A : vector<2048x8xf32>
    %get3A_161 = arith.constant 0 : index
    %get3A_162 = arith.constant 0 : index
    %get3A_163 = vector.load %arg19[%get3A_161, %get3A_162] : memref<8x128xf32, #tpu.memory_space<vmem>>, vector<8x128xf32>
    %dot_general3A_164 = arith.constant dense<0.000000e+00> : vector<2048x128xf32>
    %dot_general3A_165 = tpu.matmul %div3A_160, %get3A_163, %dot_general3A_164 {dimension_numbers = #tpu.dot_dimension_numbers<[1], [0], [0], [1], [0, 0, 1, 1], [], []>, transpose_lhs_hint = false} : vector<2048x8xf32>, vector<8x128xf32>, vector<2048x128xf32> -> vector<2048x128xf32>
    %mul3A_166 = arith.mulf %dot_general3A_165, %get3A_1 : vector<2048x128xf32>
    %reshape3A_167 = vector.shape_cast %mul3A_166 : vector<2048x128xf32> to vector<256x8x128xf32>
    %reduce_sum3A_168 = arith.constant dense<0.000000e+00> : vector<256x128xf32>
    %reduce_sum3A_169 = vector.multi_reduction <add>, %reshape3A_167, %reduce_sum3A_168 [1] : vector<256x8x128xf32> to vector<256x128xf32>
    %mul3A_170 = arith.mulf %dot_general3A_165, %get3A_4 : vector<2048x128xf32>
    %reshape3A_171 = vector.shape_cast %mul3A_170 : vector<2048x128xf32> to vector<256x8x128xf32>
    %reduce_sum3A_172 = arith.constant dense<0.000000e+00> : vector<256x128xf32>
    %reduce_sum3A_173 = vector.multi_reduction <add>, %reshape3A_171, %reduce_sum3A_172 [1] : vector<256x8x128xf32> to vector<256x128xf32>
    %get3A_174 = arith.constant 0 : index
    %get3A_175 = arith.constant 0 : index
    %get3A_176 = vector.load %arg20[%get3A_174, %get3A_175] : memref<128x16xf32, #tpu.memory_space<vmem>>, vector<128x16xf32>
    %dot_general3A_177 = arith.constant dense<0.000000e+00> : vector<256x16xf32>
    %dot_general3A_178 = tpu.matmul %reduce_sum3A_169, %get3A_176, %dot_general3A_177 {dimension_numbers = #tpu.dot_dimension_numbers<[1], [0], [0], [1], [0, 0, 1, 1], [], []>, transpose_lhs_hint = false} : vector<256x128xf32>, vector<128x16xf32>, vector<256x16xf32> -> vector<256x16xf32>
    %get3A_179 = arith.constant 0 : index
    %get3A_180 = arith.constant 0 : index
    %get3A_181 = vector.load %arg20[%get3A_179, %get3A_180] : memref<128x16xf32, #tpu.memory_space<vmem>>, vector<128x16xf32>
    %dot_general3A_182 = arith.constant dense<0.000000e+00> : vector<256x16xf32>
    %dot_general3A_183 = tpu.matmul %reduce_sum3A_173, %get3A_181, %dot_general3A_182 {dimension_numbers = #tpu.dot_dimension_numbers<[1], [0], [0], [1], [0, 0, 1, 1], [], []>, transpose_lhs_hint = false} : vector<256x128xf32>, vector<128x16xf32>, vector<256x16xf32> -> vector<256x16xf32>
    %slice3A = vector.extract_strided_slice %get3A_7 {offsets = [0, 0], sizes = [256, 16], strides = [1, 1]} : vector<256x128xf32> to vector<256x16xf32>
    %slice3A_184 = vector.extract_strided_slice %get3A_10 {offsets = [0, 0], sizes = [256, 16], strides = [1, 1]} : vector<256x128xf32> to vector<256x16xf32>
    %get3A_185 = arith.constant 0 : index
    %get3A_186 = arith.constant 0 : index
    %get3A_187 = vector.load %arg5[%get3A_185, %get3A_186] : memref<256x16xf32, #tpu.memory_space<vmem>>, vector<256x16xf32>
    %get3A_188 = arith.constant 0 : index
    %get3A_189 = arith.constant 0 : index
    %get3A_190 = vector.load %arg21[%get3A_188, %get3A_189] : memref<16x32xf32, #tpu.memory_space<vmem>>, vector<16x32xf32>
    %dot_general3A_191 = arith.constant dense<0.000000e+00> : vector<256x32xf32>
    %dot_general3A_192 = tpu.matmul %get3A_187, %get3A_190, %dot_general3A_191 {dimension_numbers = #tpu.dot_dimension_numbers<[1], [0], [0], [1], [0, 0, 1, 1], [], []>, transpose_lhs_hint = false} : vector<256x16xf32>, vector<16x32xf32>, vector<256x32xf32> -> vector<256x32xf32>
    %get3A_193 = arith.constant 0 : index
    %get3A_194 = arith.constant 0 : index
    %get3A_195 = vector.load %arg22[%get3A_193, %get3A_194] : memref<16x32xf32, #tpu.memory_space<vmem>>, vector<16x32xf32>
    %dot_general3A_196 = arith.constant dense<0.000000e+00> : vector<256x32xf32>
    %dot_general3A_197 = tpu.matmul %dot_general3A_178, %get3A_195, %dot_general3A_196 {dimension_numbers = #tpu.dot_dimension_numbers<[1], [0], [0], [1], [0, 0, 1, 1], [], []>, transpose_lhs_hint = false} : vector<256x16xf32>, vector<16x32xf32>, vector<256x32xf32> -> vector<256x32xf32>
    %add3A_198 = arith.addf %dot_general3A_192, %dot_general3A_197 : vector<256x32xf32>
    %get3A_199 = arith.constant 0 : index
    %get3A_200 = arith.constant 0 : index
    %get3A_201 = vector.load %arg23[%get3A_199, %get3A_200] : memref<16x32xf32, #tpu.memory_space<vmem>>, vector<16x32xf32>
    %dot_general3A_202 = arith.constant dense<0.000000e+00> : vector<256x32xf32>
    %dot_general3A_203 = tpu.matmul %dot_general3A_183, %get3A_201, %dot_general3A_202 {dimension_numbers = #tpu.dot_dimension_numbers<[1], [0], [0], [1], [0, 0, 1, 1], [], []>, transpose_lhs_hint = false} : vector<256x16xf32>, vector<16x32xf32>, vector<256x32xf32> -> vector<256x32xf32>
    %add3A_204 = arith.addf %add3A_198, %dot_general3A_203 : vector<256x32xf32>
    %get3A_205 = arith.constant 0 : index
    %get3A_206 = arith.constant 0 : index
    %get3A_207 = vector.load %arg24[%get3A_205, %get3A_206] : memref<16x32xf32, #tpu.memory_space<vmem>>, vector<16x32xf32>
    %dot_general3A_208 = arith.constant dense<0.000000e+00> : vector<256x32xf32>
    %dot_general3A_209 = tpu.matmul %slice3A, %get3A_207, %dot_general3A_208 {dimension_numbers = #tpu.dot_dimension_numbers<[1], [0], [0], [1], [0, 0, 1, 1], [], []>, transpose_lhs_hint = false} : vector<256x16xf32>, vector<16x32xf32>, vector<256x32xf32> -> vector<256x32xf32>
    %add3A_210 = arith.addf %add3A_204, %dot_general3A_209 : vector<256x32xf32>
    %get3A_211 = arith.constant 0 : index
    %get3A_212 = arith.constant 0 : index
    %get3A_213 = vector.load %arg25[%get3A_211, %get3A_212] : memref<16x32xf32, #tpu.memory_space<vmem>>, vector<16x32xf32>
    %dot_general3A_214 = arith.constant dense<0.000000e+00> : vector<256x32xf32>
    %dot_general3A_215 = tpu.matmul %slice3A_184, %get3A_213, %dot_general3A_214 {dimension_numbers = #tpu.dot_dimension_numbers<[1], [0], [0], [1], [0, 0, 1, 1], [], []>, transpose_lhs_hint = false} : vector<256x16xf32>, vector<16x32xf32>, vector<256x32xf32> -> vector<256x32xf32>
    %add3A_216 = arith.addf %add3A_210, %dot_general3A_215 : vector<256x32xf32>
    %get3A_217 = arith.constant 0 : index
    %get3A_218 = arith.constant 0 : index
    %get3A_219 = vector.load %arg26[%get3A_217, %get3A_218] : memref<1x32xf32, #tpu.memory_space<vmem>>, vector<1x32xf32>
    %add3A_220 = vector.broadcast %get3A_219 : vector<1x32xf32> to vector<256x32xf32>
    %add3A_221 = arith.addf %add3A_216, %add3A_220 : vector<256x32xf32>
    %get3A_222 = arith.constant 0 : index
    %get3A_223 = arith.constant 0 : index
    %get3A_224 = vector.load %arg27[%get3A_222, %get3A_223] : memref<1x32xf32, #tpu.memory_space<vmem>>, vector<1x32xf32>
    %logistic3A_225 = arith.negf %add3A_221 : vector<256x32xf32>
    %logistic3A_226 = math.exp %logistic3A_225 : vector<256x32xf32>
    %logistic3A_227 = arith.constant 1.000000e+00 : f32
    %logistic3A_228 = vector.broadcast %logistic3A_227 : f32 to vector<256x32xf32>
    %logistic3A_229 = arith.addf %logistic3A_228, %logistic3A_226 : vector<256x32xf32>
    %logistic3A_230 = arith.divf %logistic3A_228, %logistic3A_229 : vector<256x32xf32>
    %mul3A_231 = arith.mulf %logistic3A_230, %add3A_221 : vector<256x32xf32>
    %sub3A_232 = arith.constant 1.000000e+00 : f32
    %sub3A_233 = vector.broadcast %sub3A_232 : f32 to vector<256x32xf32>
    %sub3A_234 = arith.subf %sub3A_233, %logistic3A_230 : vector<256x32xf32>
    %mul3A_235 = vector.broadcast %get3A_224 : vector<1x32xf32> to vector<256x32xf32>
    %mul3A_236 = arith.mulf %sub3A_234, %mul3A_235 : vector<256x32xf32>
    %mul3A_237 = arith.mulf %mul3A_236, %add3A_221 : vector<256x32xf32>
    %add3A_238 = arith.addf %mul3A_231, %mul3A_237 : vector<256x32xf32>
    %get3A_239 = arith.constant 0 : index
    %get3A_240 = arith.constant 0 : index
    %get3A_241 = vector.load %arg28[%get3A_239, %get3A_240] : memref<32x16xf32, #tpu.memory_space<vmem>>, vector<32x16xf32>
    %dot_general3A_242 = arith.constant dense<0.000000e+00> : vector<256x16xf32>
    %dot_general3A_243 = tpu.matmul %add3A_238, %get3A_241, %dot_general3A_242 {dimension_numbers = #tpu.dot_dimension_numbers<[1], [0], [0], [1], [0, 0, 1, 1], [], []>, transpose_lhs_hint = false} : vector<256x32xf32>, vector<32x16xf32>, vector<256x16xf32> -> vector<256x16xf32>
    %get3A_244 = arith.constant 0 : index
    %get3A_245 = arith.constant 0 : index
    %get3A_246 = vector.load %arg29[%get3A_244, %get3A_245] : memref<1x16xf32, #tpu.memory_space<vmem>>, vector<1x16xf32>
    %add3A_247 = vector.broadcast %get3A_246 : vector<1x16xf32> to vector<256x16xf32>
    %add3A_248 = arith.addf %dot_general3A_243, %add3A_247 : vector<256x16xf32>
    %get3A_249 = arith.constant 0 : index
    %get3A_250 = arith.constant 0 : index
    %get3A_251 = vector.load %arg30[%get3A_249, %get3A_250] : memref<1x16xf32, #tpu.memory_space<vmem>>, vector<1x16xf32>
    %logistic3A_252 = arith.negf %add3A_248 : vector<256x16xf32>
    %logistic3A_253 = math.exp %logistic3A_252 : vector<256x16xf32>
    %logistic3A_254 = arith.constant 1.000000e+00 : f32
    %logistic3A_255 = vector.broadcast %logistic3A_254 : f32 to vector<256x16xf32>
    %logistic3A_256 = arith.addf %logistic3A_255, %logistic3A_253 : vector<256x16xf32>
    %logistic3A_257 = arith.divf %logistic3A_255, %logistic3A_256 : vector<256x16xf32>
    %mul3A_258 = arith.mulf %logistic3A_257, %add3A_248 : vector<256x16xf32>
    %sub3A_259 = arith.constant 1.000000e+00 : f32
    %sub3A_260 = vector.broadcast %sub3A_259 : f32 to vector<256x16xf32>
    %sub3A_261 = arith.subf %sub3A_260, %logistic3A_257 : vector<256x16xf32>
    %mul3A_262 = vector.broadcast %get3A_251 : vector<1x16xf32> to vector<256x16xf32>
    %mul3A_263 = arith.mulf %sub3A_261, %mul3A_262 : vector<256x16xf32>
    %mul3A_264 = arith.mulf %mul3A_263, %add3A_248 : vector<256x16xf32>
    %add3A_265 = arith.addf %mul3A_258, %mul3A_264 : vector<256x16xf32>
    %get3A_266 = arith.constant 0 : index
    %get3A_267 = arith.constant 0 : index
    %get3A_268 = vector.load %arg31[%get3A_266, %get3A_267] : memref<1x16xf32, #tpu.memory_space<vmem>>, vector<1x16xf32>
    %mul3A_269 = vector.broadcast %get3A_268 : vector<1x16xf32> to vector<256x16xf32>
    %mul3A_270 = arith.mulf %add3A_265, %mul3A_269 : vector<256x16xf32>
    %reduce_sum3A_271 = arith.constant dense<0.000000e+00> : vector<256xf32>
    %reduce_sum3A_272 = vector.multi_reduction <add>, %mul3A_270, %reduce_sum3A_271 [1] : vector<256x16xf32> to vector<256xf32>
    %broadcast_in_dim3A_273 = vector.shape_cast %reduce_sum3A_272 : vector<256xf32> to vector<256x1xf32>
    %swap3A = arith.constant 0 : index
    %swap3A_274 = arith.constant 0 : index
    %swap3A_275 = vector.load %arg33[%swap3A, %swap3A_274] : memref<256x1xf32, #tpu.memory_space<vmem>>, vector<256x1xf32>
    tpu.vector_store %arg33[%swap3A, %swap3A_274], %broadcast_in_dim3A_273 {strides = array<i32>} : memref<256x1xf32, #tpu.memory_space<vmem>>, vector<256x1xf32>,
    return
  }
  func.func @transform_0(%arg0: i32) -> (i32, i32) {
    %c0_i32 = arith.constant 0 : i32
    %c0_i32_0 = arith.constant 0 : i32
    return %arg0, %c0_i32 : i32, i32
  }
  func.func @transform_1(%arg0: i32) -> (i32, i32) {
    %c0_i32 = arith.constant 0 : i32
    %c0_i32_0 = arith.constant 0 : i32
    return %arg0, %c0_i32 : i32, i32
  }
  func.func @transform_2(%arg0: i32) -> (i32, i32) {
    %c0_i32 = arith.constant 0 : i32
    %c0_i32_0 = arith.constant 0 : i32
    return %arg0, %c0_i32 : i32, i32
  }
  func.func @transform_3(%arg0: i32) -> (i32, i32) {
    %c0_i32 = arith.constant 0 : i32
    %c0_i32_0 = arith.constant 0 : i32
    return %arg0, %c0_i32 : i32, i32
  }
  func.func @transform_4(%arg0: i32) -> (i32, i32) {
    %c0_i32 = arith.constant 0 : i32
    %c0_i32_0 = arith.constant 0 : i32
    return %arg0, %c0_i32 : i32, i32
  }
  func.func @transform_5(%arg0: i32) -> (i32, i32) {
    %c0_i32 = arith.constant 0 : i32
    %c0_i32_0 = arith.constant 0 : i32
    return %arg0, %c0_i32 : i32, i32
  }
  func.func @transform_6(%arg0: i32) -> (i32, i32) {
    %c0_i32 = arith.constant 0 : i32
    %c0_i32_0 = arith.constant 0 : i32
    %c0_i32_1 = arith.constant 0 : i32
    return %c0_i32, %c0_i32_0 : i32, i32
  }
  func.func @transform_7(%arg0: i32) -> (i32, i32) {
    %c0_i32 = arith.constant 0 : i32
    %c0_i32_0 = arith.constant 0 : i32
    %c0_i32_1 = arith.constant 0 : i32
    return %c0_i32, %c0_i32_0 : i32, i32
  }
  func.func @transform_8(%arg0: i32) -> (i32, i32) {
    %c0_i32 = arith.constant 0 : i32
    %c0_i32_0 = arith.constant 0 : i32
    %c0_i32_1 = arith.constant 0 : i32
    return %c0_i32, %c0_i32_0 : i32, i32
  }
  func.func @transform_9(%arg0: i32) -> (i32, i32) {
    %c0_i32 = arith.constant 0 : i32
    %c0_i32_0 = arith.constant 0 : i32
    %c0_i32_1 = arith.constant 0 : i32
    return %c0_i32, %c0_i32_0 : i32, i32
  }
  func.func @transform_10(%arg0: i32) -> (i32, i32) {
    %c0_i32 = arith.constant 0 : i32
    %c0_i32_0 = arith.constant 0 : i32
    %c0_i32_1 = arith.constant 0 : i32
    return %c0_i32, %c0_i32_0 : i32, i32
  }
  func.func @transform_11(%arg0: i32) -> (i32, i32) {
    %c0_i32 = arith.constant 0 : i32
    %c0_i32_0 = arith.constant 0 : i32
    %c0_i32_1 = arith.constant 0 : i32
    return %c0_i32, %c0_i32_0 : i32, i32
  }
  func.func @transform_12(%arg0: i32) -> (i32, i32) {
    %c0_i32 = arith.constant 0 : i32
    %c0_i32_0 = arith.constant 0 : i32
    %c0_i32_1 = arith.constant 0 : i32
    return %c0_i32, %c0_i32_0 : i32, i32
  }
  func.func @transform_13(%arg0: i32) -> (i32, i32) {
    %c0_i32 = arith.constant 0 : i32
    %c0_i32_0 = arith.constant 0 : i32
    %c0_i32_1 = arith.constant 0 : i32
    return %c0_i32, %c0_i32_0 : i32, i32
  }
  func.func @transform_14(%arg0: i32) -> (i32, i32) {
    %c0_i32 = arith.constant 0 : i32
    %c0_i32_0 = arith.constant 0 : i32
    %c0_i32_1 = arith.constant 0 : i32
    return %c0_i32, %c0_i32_0 : i32, i32
  }
  func.func @transform_15(%arg0: i32) -> (i32, i32) {
    %c0_i32 = arith.constant 0 : i32
    %c0_i32_0 = arith.constant 0 : i32
    %c0_i32_1 = arith.constant 0 : i32
    return %c0_i32, %c0_i32_0 : i32, i32
  }
  func.func @transform_16(%arg0: i32) -> (i32, i32) {
    %c0_i32 = arith.constant 0 : i32
    %c0_i32_0 = arith.constant 0 : i32
    %c0_i32_1 = arith.constant 0 : i32
    return %c0_i32, %c0_i32_0 : i32, i32
  }
  func.func @transform_17(%arg0: i32) -> (i32, i32) {
    %c0_i32 = arith.constant 0 : i32
    %c0_i32_0 = arith.constant 0 : i32
    %c0_i32_1 = arith.constant 0 : i32
    return %c0_i32, %c0_i32_0 : i32, i32
  }
  func.func @transform_18(%arg0: i32) -> (i32, i32) {
    %c0_i32 = arith.constant 0 : i32
    %c0_i32_0 = arith.constant 0 : i32
    %c0_i32_1 = arith.constant 0 : i32
    return %c0_i32, %c0_i32_0 : i32, i32
  }
  func.func @transform_19(%arg0: i32) -> (i32, i32) {
    %c0_i32 = arith.constant 0 : i32
    %c0_i32_0 = arith.constant 0 : i32
    %c0_i32_1 = arith.constant 0 : i32
    return %c0_i32, %c0_i32_0 : i32, i32
  }
  func.func @transform_20(%arg0: i32) -> (i32, i32) {
    %c0_i32 = arith.constant 0 : i32
    %c0_i32_0 = arith.constant 0 : i32
    %c0_i32_1 = arith.constant 0 : i32
    return %c0_i32, %c0_i32_0 : i32, i32
  }
  func.func @transform_21(%arg0: i32) -> (i32, i32) {
    %c0_i32 = arith.constant 0 : i32
    %c0_i32_0 = arith.constant 0 : i32
    %c0_i32_1 = arith.constant 0 : i32
    return %c0_i32, %c0_i32_0 : i32, i32
  }
  func.func @transform_22(%arg0: i32) -> (i32, i32) {
    %c0_i32 = arith.constant 0 : i32
    %c0_i32_0 = arith.constant 0 : i32
    %c0_i32_1 = arith.constant 0 : i32
    return %c0_i32, %c0_i32_0 : i32, i32
  }
  func.func @transform_23(%arg0: i32) -> (i32, i32) {
    %c0_i32 = arith.constant 0 : i32
    %c0_i32_0 = arith.constant 0 : i32
    %c0_i32_1 = arith.constant 0 : i32
    return %c0_i32, %c0_i32_0 : i32, i32
  }
  func.func @transform_24(%arg0: i32) -> (i32, i32) {
    %c0_i32 = arith.constant 0 : i32
    %c0_i32_0 = arith.constant 0 : i32
    %c0_i32_1 = arith.constant 0 : i32
    return %c0_i32, %c0_i32_0 : i32, i32
  }
  func.func @transform_25(%arg0: i32) -> (i32, i32) {
    %c0_i32 = arith.constant 0 : i32
    %c0_i32_0 = arith.constant 0 : i32
    %c0_i32_1 = arith.constant 0 : i32
    return %c0_i32, %c0_i32_0 : i32, i32
  }
  func.func @transform_26(%arg0: i32) -> (i32, i32) {
    %c0_i32 = arith.constant 0 : i32
    %c0_i32_0 = arith.constant 0 : i32
    %c0_i32_1 = arith.constant 0 : i32
    return %c0_i32, %c0_i32_0 : i32, i32
  }
  func.func @transform_27(%arg0: i32) -> (i32, i32) {
    %c0_i32 = arith.constant 0 : i32
    %c0_i32_0 = arith.constant 0 : i32
    %c0_i32_1 = arith.constant 0 : i32
    return %c0_i32, %c0_i32_0 : i32, i32
  }
  func.func @transform_28(%arg0: i32) -> (i32, i32) {
    %c0_i32 = arith.constant 0 : i32
    %c0_i32_0 = arith.constant 0 : i32
    %c0_i32_1 = arith.constant 0 : i32
    return %c0_i32, %c0_i32_0 : i32, i32
  }
  func.func @transform_29(%arg0: i32) -> (i32, i32) {
    %c0_i32 = arith.constant 0 : i32
    %c0_i32_0 = arith.constant 0 : i32
    %c0_i32_1 = arith.constant 0 : i32
    return %c0_i32, %c0_i32_0 : i32, i32
  }
  func.func @transform_30(%arg0: i32) -> (i32, i32) {
    %c0_i32 = arith.constant 0 : i32
    %c0_i32_0 = arith.constant 0 : i32
    %c0_i32_1 = arith.constant 0 : i32
    return %c0_i32, %c0_i32_0 : i32, i32
  }
  func.func @transform_31(%arg0: i32) -> (i32, i32) {
    %c0_i32 = arith.constant 0 : i32
    %c0_i32_0 = arith.constant 0 : i32
    %c0_i32_1 = arith.constant 0 : i32
    return %c0_i32, %c0_i32_0 : i32, i32
  }
  func.func @transform_32(%arg0: i32) -> (i32, i32) {
    %c0_i32 = arith.constant 0 : i32
    %c0_i32_0 = arith.constant 0 : i32
    return %arg0, %c0_i32 : i32, i32
  }
}

module attributes {stable_mosaic.version = 14 : i64} {
  func.func @_tc_fin_body(%arg0: i32, %arg1: memref<1024x1xf32, #tpu.memory_space<vmem>>, %arg2: memref<1024x416xf32, #tpu.memory_space<vmem>>, %arg3: memref<1024x416xf32, #tpu.memory_space<vmem>>, %arg4: memref<1x416xf32, #tpu.memory_space<vmem>>, %arg5: memref<416x32xf32, #tpu.memory_space<vmem>>, %arg6: memref<1x32xf32, #tpu.memory_space<vmem>>, %arg7: memref<32x16xf32, #tpu.memory_space<vmem>>, %arg8: memref<1x16xf32, #tpu.memory_space<vmem>>, %arg9: memref<1x16xf32, #tpu.memory_space<vmem>>, %arg10: memref<1x4xf32, #tpu.memory_space<vmem>>, %arg11: memref<1024x1xf32, #tpu.memory_space<vmem>>) attributes {dimension_semantics = [#tpu.dimension_semantics<arbitrary>], iteration_bounds = array<i64: 4>, scalar_prefetch = 0 : i64, scratch_operands = 0 : i64, tpu.core_type = #tpu.core_type<tc>, window_params = [{transform_indices = @transform_0, window_bounds = array<i64: 1024, 1>}, {transform_indices = @transform_1, window_bounds = array<i64: 1024, 416>}, {transform_indices = @transform_2, window_bounds = array<i64: 1024, 416>}, {pipeline_mode = #tpu.pipeline_mode<synchronous>, transform_indices = @transform_3, window_bounds = array<i64: 1, 416>}, {pipeline_mode = #tpu.pipeline_mode<synchronous>, transform_indices = @transform_4, window_bounds = array<i64: 416, 32>}, {pipeline_mode = #tpu.pipeline_mode<synchronous>, transform_indices = @transform_5, window_bounds = array<i64: 1, 32>}, {pipeline_mode = #tpu.pipeline_mode<synchronous>, transform_indices = @transform_6, window_bounds = array<i64: 32, 16>}, {pipeline_mode = #tpu.pipeline_mode<synchronous>, transform_indices = @transform_7, window_bounds = array<i64: 1, 16>}, {pipeline_mode = #tpu.pipeline_mode<synchronous>, transform_indices = @transform_8, window_bounds = array<i64: 1, 16>}, {pipeline_mode = #tpu.pipeline_mode<synchronous>, transform_indices = @transform_9, window_bounds = array<i64: 1, 4>}, {transform_indices = @transform_10, window_bounds = array<i64: 1024, 1>}]} {
    %get3A = arith.constant 0 : index
    %get3A_0 = arith.constant 0 : index
    %get3A_1 = vector.load %arg2[%get3A, %get3A_0] : memref<1024x416xf32, #tpu.memory_space<vmem>>, vector<1024x416xf32>
    %get3A_2 = arith.constant 0 : index
    %get3A_3 = arith.constant 0 : index
    %get3A_4 = vector.load %arg4[%get3A_2, %get3A_3] : memref<1x416xf32, #tpu.memory_space<vmem>>, vector<1x416xf32>
    %mul3A = vector.broadcast %get3A_4 : vector<1x416xf32> to vector<1024x416xf32>
    %mul3A_5 = arith.mulf %get3A_1, %mul3A : vector<1024x416xf32>
    %reduce_sum3A = arith.constant dense<0.000000e+00> : vector<1024xf32>
    %reduce_sum3A_6 = vector.multi_reduction <add>, %mul3A_5, %reduce_sum3A [1] : vector<1024x416xf32> to vector<1024xf32>
    %broadcast_in_dim3A = vector.shape_cast %reduce_sum3A_6 : vector<1024xf32> to vector<1024x1xf32>
    %get3A_7 = arith.constant 0 : index
    %get3A_8 = arith.constant 0 : index
    %get3A_9 = vector.load %arg3[%get3A_7, %get3A_8] : memref<1024x416xf32, #tpu.memory_space<vmem>>, vector<1024x416xf32>
    %get3A_10 = arith.constant 0 : index
    %get3A_11 = arith.constant 0 : index
    %get3A_12 = vector.load %arg5[%get3A_10, %get3A_11] : memref<416x32xf32, #tpu.memory_space<vmem>>, vector<416x32xf32>
    %dot_general3A = arith.constant dense<0.000000e+00> : vector<1024x32xf32>
    %dot_general3A_13 = tpu.matmul %get3A_9, %get3A_12, %dot_general3A {dimension_numbers = #tpu.dot_dimension_numbers<[1], [0], [0], [1], [0, 0, 1, 1], [], []>, transpose_lhs_hint = false} : vector<1024x416xf32>, vector<416x32xf32>, vector<1024x32xf32> -> vector<1024x32xf32>
    %get3A_14 = arith.constant 0 : index
    %get3A_15 = arith.constant 0 : index
    %get3A_16 = vector.load %arg6[%get3A_14, %get3A_15] : memref<1x32xf32, #tpu.memory_space<vmem>>, vector<1x32xf32>
    %add3A = vector.broadcast %get3A_16 : vector<1x32xf32> to vector<1024x32xf32>
    %add3A_17 = arith.addf %dot_general3A_13, %add3A : vector<1024x32xf32>
    %max3A = arith.constant 0.000000e+00 : f32
    %max3A_18 = vector.broadcast %max3A : f32 to vector<1024x32xf32>
    %max3A_19 = arith.maximumf %add3A_17, %max3A_18 : vector<1024x32xf32>
    %get3A_20 = arith.constant 0 : index
    %get3A_21 = arith.constant 0 : index
    %get3A_22 = vector.load %arg7[%get3A_20, %get3A_21] : memref<32x16xf32, #tpu.memory_space<vmem>>, vector<32x16xf32>
    %dot_general3A_23 = arith.constant dense<0.000000e+00> : vector<1024x16xf32>
    %dot_general3A_24 = tpu.matmul %max3A_19, %get3A_22, %dot_general3A_23 {dimension_numbers = #tpu.dot_dimension_numbers<[1], [0], [0], [1], [0, 0, 1, 1], [], []>, transpose_lhs_hint = false} : vector<1024x32xf32>, vector<32x16xf32>, vector<1024x16xf32> -> vector<1024x16xf32>
    %get3A_25 = arith.constant 0 : index
    %get3A_26 = arith.constant 0 : index
    %get3A_27 = vector.load %arg8[%get3A_25, %get3A_26] : memref<1x16xf32, #tpu.memory_space<vmem>>, vector<1x16xf32>
    %add3A_28 = vector.broadcast %get3A_27 : vector<1x16xf32> to vector<1024x16xf32>
    %add3A_29 = arith.addf %dot_general3A_24, %add3A_28 : vector<1024x16xf32>
    %max3A_30 = arith.constant 0.000000e+00 : f32
    %max3A_31 = vector.broadcast %max3A_30 : f32 to vector<1024x16xf32>
    %max3A_32 = arith.maximumf %add3A_29, %max3A_31 : vector<1024x16xf32>
    %get3A_33 = arith.constant 0 : index
    %get3A_34 = arith.constant 0 : index
    %get3A_35 = vector.load %arg9[%get3A_33, %get3A_34] : memref<1x16xf32, #tpu.memory_space<vmem>>, vector<1x16xf32>
    %mul3A_36 = vector.broadcast %get3A_35 : vector<1x16xf32> to vector<1024x16xf32>
    %mul3A_37 = arith.mulf %max3A_32, %mul3A_36 : vector<1024x16xf32>
    %reduce_sum3A_38 = arith.constant dense<0.000000e+00> : vector<1024xf32>
    %reduce_sum3A_39 = vector.multi_reduction <add>, %mul3A_37, %reduce_sum3A_38 [1] : vector<1024x16xf32> to vector<1024xf32>
    %broadcast_in_dim3A_40 = vector.shape_cast %reduce_sum3A_39 : vector<1024xf32> to vector<1024x1xf32>
    %get3A_41 = arith.constant 0 : index
    %get3A_42 = arith.constant 1 : index
    %get3A_43 = vector.load %arg10[%get3A_41, %get3A_42] : memref<1x4xf32, #tpu.memory_space<vmem>>, vector<1x1xf32>
    %get3A_44 = vector.extract %get3A_43[0, 0] : f32 from vector<1x1xf32>
    %get3A_45 = arith.constant 0 : index
    %get3A_46 = arith.constant 2 : index
    %get3A_47 = vector.load %arg10[%get3A_45, %get3A_46] : memref<1x4xf32, #tpu.memory_space<vmem>>, vector<1x1xf32>
    %get3A_48 = vector.extract %get3A_47[0, 0] : f32 from vector<1x1xf32>
    %add3A_49 = arith.addf %get3A_44, %get3A_48 : f32
    %get3A_50 = arith.constant 0 : index
    %get3A_51 = arith.constant 3 : index
    %get3A_52 = vector.load %arg10[%get3A_50, %get3A_51] : memref<1x4xf32, #tpu.memory_space<vmem>>, vector<1x1xf32>
    %get3A_53 = vector.extract %get3A_52[0, 0] : f32 from vector<1x1xf32>
    %add3A_54 = arith.addf %add3A_49, %get3A_53 : f32
    %get3A_55 = arith.constant 0 : index
    %get3A_56 = arith.constant 0 : index
    %get3A_57 = vector.load %arg1[%get3A_55, %get3A_56] : memref<1024x1xf32, #tpu.memory_space<vmem>>, vector<1024x1xf32>
    %add3A_58 = arith.addf %get3A_57, %broadcast_in_dim3A : vector<1024x1xf32>
    %add3A_59 = arith.addf %add3A_58, %broadcast_in_dim3A_40 : vector<1024x1xf32>
    %add3A_60 = vector.broadcast %add3A_54 : f32 to vector<1024x1xf32>
    %add3A_61 = arith.addf %add3A_59, %add3A_60 : vector<1024x1xf32>
    %logistic3A = arith.negf %add3A_61 : vector<1024x1xf32>
    %logistic3A_62 = math.exp %logistic3A : vector<1024x1xf32>
    %logistic3A_63 = arith.constant 1.000000e+00 : f32
    %logistic3A_64 = vector.broadcast %logistic3A_63 : f32 to vector<1024x1xf32>
    %logistic3A_65 = arith.addf %logistic3A_64, %logistic3A_62 : vector<1024x1xf32>
    %logistic3A_66 = arith.divf %logistic3A_64, %logistic3A_65 : vector<1024x1xf32>
    %swap3A = arith.constant 0 : index
    %swap3A_67 = arith.constant 0 : index
    %swap3A_68 = vector.load %arg11[%swap3A, %swap3A_67] : memref<1024x1xf32, #tpu.memory_space<vmem>>, vector<1024x1xf32>
    tpu.vector_store %arg11[%swap3A, %swap3A_67], %logistic3A_66 {strides = array<i32>} : memref<1024x1xf32, #tpu.memory_space<vmem>>, vector<1024x1xf32>,
    return
  }
  func.func @transform_0(%arg0: i32) -> (i32, i32) {
    %c0_i32 = arith.constant 0 : i32
    %c0_i32_0 = arith.constant 0 : i32
    return %arg0, %c0_i32 : i32, i32
  }
  func.func @transform_1(%arg0: i32) -> (i32, i32) {
    %c0_i32 = arith.constant 0 : i32
    %c0_i32_0 = arith.constant 0 : i32
    return %arg0, %c0_i32 : i32, i32
  }
  func.func @transform_2(%arg0: i32) -> (i32, i32) {
    %c0_i32 = arith.constant 0 : i32
    %c0_i32_0 = arith.constant 0 : i32
    return %arg0, %c0_i32 : i32, i32
  }
  func.func @transform_3(%arg0: i32) -> (i32, i32) {
    %c0_i32 = arith.constant 0 : i32
    %c0_i32_0 = arith.constant 0 : i32
    %c0_i32_1 = arith.constant 0 : i32
    return %c0_i32, %c0_i32_0 : i32, i32
  }
  func.func @transform_4(%arg0: i32) -> (i32, i32) {
    %c0_i32 = arith.constant 0 : i32
    %c0_i32_0 = arith.constant 0 : i32
    %c0_i32_1 = arith.constant 0 : i32
    return %c0_i32, %c0_i32_0 : i32, i32
  }
  func.func @transform_5(%arg0: i32) -> (i32, i32) {
    %c0_i32 = arith.constant 0 : i32
    %c0_i32_0 = arith.constant 0 : i32
    %c0_i32_1 = arith.constant 0 : i32
    return %c0_i32, %c0_i32_0 : i32, i32
  }
  func.func @transform_6(%arg0: i32) -> (i32, i32) {
    %c0_i32 = arith.constant 0 : i32
    %c0_i32_0 = arith.constant 0 : i32
    %c0_i32_1 = arith.constant 0 : i32
    return %c0_i32, %c0_i32_0 : i32, i32
  }
  func.func @transform_7(%arg0: i32) -> (i32, i32) {
    %c0_i32 = arith.constant 0 : i32
    %c0_i32_0 = arith.constant 0 : i32
    %c0_i32_1 = arith.constant 0 : i32
    return %c0_i32, %c0_i32_0 : i32, i32
  }
  func.func @transform_8(%arg0: i32) -> (i32, i32) {
    %c0_i32 = arith.constant 0 : i32
    %c0_i32_0 = arith.constant 0 : i32
    %c0_i32_1 = arith.constant 0 : i32
    return %c0_i32, %c0_i32_0 : i32, i32
  }
  func.func @transform_9(%arg0: i32) -> (i32, i32) {
    %c0_i32 = arith.constant 0 : i32
    %c0_i32_0 = arith.constant 0 : i32
    %c0_i32_1 = arith.constant 0 : i32
    return %c0_i32, %c0_i32_0 : i32, i32
  }
  func.func @transform_10(%arg0: i32) -> (i32, i32) {
    %c0_i32 = arith.constant 0 : i32
    %c0_i32_0 = arith.constant 0 : i32
    return %arg0, %c0_i32 : i32, i32
  }
}

</mosaic_0001>

<sc_bundles>
// kernel: kernel.6.cloned.1.call-start
scs
__scs_entry_jumppad:
0x0: {  	(pc) =	sbr.rel $0x88, $3  }
0x1: {  	(tag) =	ssettag $0x0;
	lr =	simm.s32 $0x1  }
0x2: {  	[smem:$0x3F7F] =	sst lr;
	_ =	strace $0xD0000000  }
0x3: {  	_ = 	snop  }
0x4: {  	_ = 	snop  }
0x5: {  	_ = 	snop  }
0x6: {  	_ = 	snop  }
0x7: {  	_ = 	snop  }
__scs_overlays_trampoline_lowered:
0x8: {  	[smem:$0x3F8E] =	sst s0  }
0x9: {  	[smem:$0x3F8F] =	sst s1  }
0xa: {  	[smem:$0x3F90] =	sst s2  }
0xb: {  	[smem:$0x3F91] =	sst s3  }
0xc: {  	[smem:$0x3F92] =	sst s4  }
0xd: {  	[smem:$0x3F93] =	sst s5  }
0xe: {  	[smem:$0x3F94] =	sst s6  }
0xf: {  	[smem:$0x3F95] =	sst s7  }
0x10: {  	[smem:$0x3F96] =	sst s8  }
0x11: {  	[smem:$0x3F97] =	sst s9;
	s0 =	simm.s32 @!p0 $0x0  }
0x12: {  	s1 =	sld [smem:$0x3F7D];
	s0 =	simm.s32 @p0 $0x1  }
0x13: {  	[smem:$0x3F98] =	sst s0;
	s0 =	simm.s32 @!p1 $0x0  }
0x14: {  	s2 =	sld [smem:$0x3F7C];
	s0 =	simm.s32 @p1 $0x1  }
0x15: {  	[smem:$0x3F99] =	sst s0;
	s0 =	simm.s32 @!p2 $0x0  }
0x16: {  	s3 =	sld [smem:$0x3FDB];
	s0 =	simm.s32 @p2 $0x1  }
0x17: {  	s4 =	simm.s32 $0x1BF5;
	[smem:$0x3F9B] =	sst s0  }
0x18: {  	s0 =	sld [smem:$0x3F7E];
	_ =	swait.ge [sflag:s4], $0x0  }
0x19: {  	s7 =	sld [smem:$0x3F7F]  }
0x1a: {  	s8 =	sadd.s32 $0xFFFFE003, lr  }
0x1b: {  	s9 =	sadd.s32 $0xFFFFFEF7, lr;
	s5 =	simm.s32 $0xFFFFFFFF;
	p2 =	slt.u32 s8, $0xFFFFF086  }
0x1c: {  	p1 =	slt.u32 s9, $0xF7A;
	s5 =	simm.s32 @!p2 $0x0  }
0x1d: {  	s5 =	simm.s32 @p1 $0x1;
	p0 =	seq.s32 s7, s2  }
0x1e: {  	s7 =	smul.u32 @!p0 $0xF7A, s2;
	p2 =	seq.s32 @!p0 s5, $0x0  }
0x1f: {  	s9 =	smul.u32 $0xF7A, s1;
	s8 =	simm.s32 @!p0 $0x1BF5;
	p2 =	por !p2, p0  }
0x20: {  	[sflag:s8] =	ssyncset.s32 @!p0 $0xFFFFF086;
	s6 =	sadd.s32 @!p0 s3, s7;
	s7 =	simm.s32 @!p0 $0x108  }
0x21: {  	s3 =	sadd.s32 s3, s9;
	s6 =	sadd.s32 @!p0 $0x88, s6;
	s7 =	simm.s32 @p2 $0x1082  }
0x22: {  	[simem:s7], [sflag:s8] =	dma.local @!p0 [hbm:s6], $0xF7A  }
0x23: {  	s9 =	sor.u32 $0xD0000000, s2;
	s6 =	simm.s32 $0x108;
	_ =	swait.ge @!p0 [sflag:s8], $0x0  }
0x24: {  	s3 =	sadd.s32 $0x88, s3;
	s6 =	simm.s32 @!p1 $0x1082;
	[sflag:s4] =	ssyncset.s32 $0xFFFFF086  }
0x25: {  	[simem:s6], [sflag:s4] =	dma.local [hbm:s3], $0xF7A  }
0x26: {  	[smem:$0x3F7F] =	sst s1;
	(tag) =	ssettag s2;
	_ =	strace s9  }
0x27: {  	s1 =	sld [smem:$0x3F8F]  }
0x28: {  	s2 =	sld [smem:$0x3F90]  }
0x29: {  	s4 =	sld [smem:$0x3F92]  }
0x2a: {  	p0 =	seq.s32 s5, $0x0;
	s5 =	sld [smem:$0x3F93]  }
0x2b: {  	s6 =	sld [smem:$0x3F94]  }
0x2c: {  	s7 =	sld [smem:$0x3F95]  }
0x2d: {  	s3 =	simm.s32 $0x108;
	s8 =	sld [smem:$0x3F96]  }
0x2e: {  	s3 =	simm.s32 @!p0 $0x1082;
	s9 =	sld [smem:$0x3F97]  }
0x2f: {  	lr =	sadd.s32 s0, s3;
	s0 =	sld [smem:$0x3F8E]  }
0x30: {  	s3 =	sld [smem:$0x3F91]  }
0x31: {  	[smem:$0x3F9A] =	sst s10  }
0x32: {  	s10 =	sld [smem:$0x3F98];
	_ =	sdelay $0x3  }
0x33: {  	p0 =	seq.s32 s10, $0x1;
	s10 =	sld [smem:$0x3F9A];
	_ =	sdelay $0x3  }
0x34: {  	[smem:$0x3F9A] =	sst s10  }
0x35: {  	s10 =	sld [smem:$0x3F99];
	_ =	sdelay $0x3  }
0x36: {  	p1 =	seq.s32 s10, $0x1;
	s10 =	sld [smem:$0x3F9A];
	_ =	sdelay $0x3  }
0x37: {  	[smem:$0x3F9A] =	sst s10  }
0x38: {  	s10 =	sld [smem:$0x3F9B]  }
0x39: {  	_ = 	snop;
	(pc) =	sbr.ind lr, $3  }
0x3a: {  	_ = 	snop  }
0x3b: {  	_ = 	snop  }
0x3c: {  	p2 =	seq.s32 s10, $0x1;
	s10 =	sld [smem:$0x3F9A]  }
0x3d: {  	_ =	shalt  }
0x3e: {  	_ =	shalt  }
0x3f: {  	_ =	shalt  }
0x40: {  	_ =	shalt  }
0x41: {  	_ =	shalt  }
0x42: {  	_ =	shalt  }
0x43: {  	_ =	shalt  }
0x44: {  	_ =	shalt  }
0x45: {  	_ =	shalt  }
0x46: {  	_ =	shalt  }
0x47: {  	_ =	shalt  }
0x48: {  	_ =	shalt  }
0x49: {  	_ =	shalt  }
0x4a: {  	_ =	shalt  }
0x4b: {  	_ =	shalt  }
0x4c: {  	_ =	shalt  }
0x4d: {  	_ =	shalt  }
0x4e: {  	_ =	shalt  }
0x4f: {  	_ =	shalt  }
0x50: {  	_ =	shalt  }
0x51: {  	_ =	shalt  }
0x52: {  	_ =	shalt  }
0x53: {  	_ =	shalt  }
0x54: {  	_ =	shalt  }
0x55: {  	_ =	shalt  }
0x56: {  	_ =	shalt  }
0x57: {  	_ =	shalt  }
0x58: {  	_ =	shalt  }
0x59: {  	_ =	shalt  }
0x5a: {  	_ =	shalt  }
0x5b: {  	_ =	shalt  }
0x5c: {  	_ =	shalt  }
0x5d: {  	_ =	shalt  }
0x5e: {  	_ =	shalt  }
0x5f: {  	_ =	shalt  }
0x60: {  	_ =	shalt  }
0x61: {  	_ =	shalt  }
0x62: {  	_ =	shalt  }
0x63: {  	_ =	shalt  }
0x64: {  	_ =	shalt  }
0x65: {  	_ =	shalt  }
0x66: {  	_ =	shalt  }
0x67: {  	_ =	shalt  }
0x68: {  	_ =	shalt  }
0x69: {  	_ =	shalt  }
0x6a: {  	_ =	shalt  }
0x6b: {  	_ =	shalt  }
0x6c: {  	_ =	shalt  }
0x6d: {  	_ =	shalt  }
0x6e: {  	_ =	shalt  }
0x6f: {  	_ =	shalt  }
0x70: {  	_ =	shalt  }
0x71: {  	_ =	shalt  }
0x72: {  	_ =	shalt  }
0x73: {  	_ =	shalt  }
0x74: {  	_ =	shalt  }
0x75: {  	_ =	shalt  }
0x76: {  	_ =	shalt  }
0x77: {  	_ =	shalt  }
0x78: {  	_ =	shalt  }
0x79: {  	_ =	shalt  }
0x7a: {  	_ =	shalt  }
0x7b: {  	_ =	shalt  }
0x7c: {  	_ =	shalt  }
0x7d: {  	_ =	shalt  }
0x7e: {  	_ =	shalt  }
0x7f: {  	_ =	shalt  }
0x80: {  	_ =	shalt  }
0x81: {  	_ =	shalt  }
0x82: {  	_ =	shalt  }
0x83: {  	_ =	shalt  }
0x84: {  	_ =	shalt  }
0x85: {  	_ =	shalt  }
0x86: {  	_ =	shalt  }
0x87: {  	_ =	shalt  }
.Lfunc_end0:
.L_simem_size_0:
called_computation_lowered:
.L_overlay_start_0:
0x88: {  	s2 =	sld [smem:$0x3FD9]  }
0x89: {  	s3 =	sld [smem:$0x3FFE];
	_ =	sdelay $0x1  }
0x8a: {  	s1 =	srdreg.scid  }
0x8b: {  	s0 =	sand.u32 $0x1, s1  }
0x8c: {  	s17 =	sshll.u32 s0, $0xA;
	s2 =	sadd.s32 s3, s2  }
0x8d: {  	s2 =	sadd.s32 s2, s17  }
0x8e: {  	[smem:$0x3FA6] =	sst s2  }
0x8f: {  	_ = 	snop  }
0x90: {  	s2 =	sld [smem:$0x3FAE]  }
0x91: {  	s18 =	sld [smem:$0x3FAD]  }
0x92: {  	s4 =	sld [smem:$0x3FAA];
	(tm) =	ssettm $0x1  }
0x93: {  	s5 =	sld [smem:$0x3FFB];
	_ =	sdelay $0x3  }
0x94: {  	_ =	strace s5  }
0x95: {  	s5 =	sld [smem:$0x3FFC];
	_ =	sdelay $0x3  }
0x96: {  	_ =	strace s5  }
0x97: {  	s5 =	sld [smem:$0x3FFD];
	_ =	sdelay $0x3  }
0x98: {  	_ =	strace s5  }
0x99: {  	_ =	strace $0x8FFFFFFF  }
0x9a: {  	s19 =	sld [smem:$0x3FDB];
	_ =	sdelay $0x1  }
0x9b: {  	s6 =	simm.s32 $_scs_section_size  }
0x9c: {  	s7 =	simm.s32 $_size__tile_overlayer_lowered;
	s8 =	simm.s32 $_tile_overlayer_lowered  }
0x9d: {  	s22 =	simm.s32 $0x1BFF;
	s21 =	sshll.u32 s8, $0x1;
	s5 =	sadd.s32 s6, s19  }
0x9e: {  	s9 =	simm.s32 $0x0;
	s20 =	sshll.u32 s7, $0x1;
	s7 =	sadd.s32 s21, s5  }
0x9f: {  	[timem:s9], [sflag:s22] =	dma.local [hbm:s7], s20  }
0xa0: {  	_ =	swait.ge [sflag:s22], s20  }
0xa1: {  	s6 =	ssub.s32 $0x0, s20;
	[sflag:s22] =	ssyncset.done $0x0  }
0xa2: {  	[sflag:s22] =	ssyncadd.s32 s6;
	_ =	sdelay $0x1  }
0xa3: {  	s23 =	simm.s32 $0x1B8B  }
0xa4: {  	_ =	swait.ge [sflag:s23], $0x1  }
0xa5: {  	[sflag:s23] =	ssyncset.done $0x0  }
0xa6: {  	s25 =	simm.s32 $0x1B8E;
	s24 =	sld [smem:$0x3FFE];
	[sflag:s23] =	ssyncadd.s32 $0xFFFFFFFF  }
0xa7: {  	s26 =	simm.s32 $execute0_lowered;
	[smem:$0x3FD2] =	sst s25  }
0xa8: {  	s7 =	sshll.u32 s26, $0x1;
	_ =	strace $0x80000046;
	[dreg:$0x1] =	wrdreg $0xFFFFFFFF  }
0xa9: {  	s28 =	simm.s32 $_size_execute0_lowered;
	s5 =	sadd.s32 s5, s7;
	[dreg:$0x0] =	wrdreg $0x0  }
0xaa: {  	s7 =	sshll.u32 s28, $0x1;
	[dreg:$0x2] =	wrdreg s5  }
0xab: {  	[dreg:$0x3] =	wrdreg s7  }
0xac: {  	[dreg:$0x4] =	wrdreg $0xC0  }
0xad: {  	_ =	task [dreg:s9], $0x5FFFF  }
0xae: {  	[dreg:$0x1] =	wrdreg $0xFFFFFFFF  }
0xaf: {  	[dreg:$0x0] =	wrdreg $0x60  }
0xb0: {  	[dreg:$0x2] =	wrdreg s24  }
0xb1: {  	[dreg:$0x3] =	wrdreg s2  }
0xb2: {  	[dreg:$0x4] =	wrdreg s18  }
0xb3: {  	[dreg:$0x5] =	wrdreg s4  }
0xb4: {  	[dreg:$0x6] =	wrdreg $0x9  }
0xb5: {  	_ =	task.clear_ibuf [dreg:s9], $0x7FFFF;
	_ =	strace $0x90000046  }
0xb6: {  	s29 =	simm.s32 $0x9;
	_ =	strace $0x80000048  }
0xb7: {  	_ =	swait.ge [sflag:s29], $0x1  }
0xb8: {  	[sflag:s29] =	ssyncadd.s32 $0xFFFFFFFF  }
0xb9: {  	_ =	strace $0x90000048  }
0xba: {  	_ =	sfence  }
0xbb: {  	s30 =	sld [smem:$0x0];
	_ =	sdelay $0x2  }
0xbc: {  	s31 =	sshll.u32 s1, $0xD;
	s1 =	sshrl.u32 s1, $0x2  }
0xbd: {  	s3 =	sand.u32 $0x4000, s31;
	s1 =	sadd.s32 s1, s30  }
0xbe: {  	s0 =	sor.u32 s3, s0;
	s1 =	sshll.u32 s1, $0x11  }
0xbf: {  	s0 =	sor.u32 s1, s0  }
0xc0: {  	s0 =	sadd.s32 $0x8F2B, s0  }
0xc1: {  	[sflag:s0] =	ssyncadd.remote.s32 $0x1  }
0xc2: {  	_ =	sfence.sel $0xFFFF  }
0xc3: {  	[dreg:$0x0] =	wrdreg $0xFFFFFFFF;
	(pc) =	sbr.abs _section_cstart, $3  }
0xc4: {  	[dreg:$0x1] =	wrdreg $0xFFFFFFFF  }
0xc5: {  	_ =	task.clear_ibuf [dreg:s9], $0x2FFFF;
	_ =	strace $0x9FFFFFFF  }
0xc6: {  	(tm) =	ssettm $0x7FFFFFFF  }
0xc7: {  	_ =	shalt  }
tec
execute0_lowered:
.L_overlay_start_1:
0x0: {  	(tag) =	ssettag $0x1  }
0x1: {  	s0 =	rddreg [dreg:$0x0]  }
0x2: {  	s1 =	rddreg [dreg:$0x1]  }
0x3: {  	s3 =	rddreg [dreg:$0x2]  }
0x4: {  	s2 =	rddreg [dreg:$0x3]  }
0x5: {  	s5 =	srdreg.scid;
	s7 =	stileid.u32  }
0x6: {  	s4 =	simm.s32 $0x0;
	s16 =	simm.s32 $0x3;
	s19 =	simm.s32 $0x80  }
0x7: {  	s17 =	simm.s32 $0xF000;
	s18 =	simm.s32 $0x10000;
	s15 =	simm.s32 $0x11000  }
0x8: {  	s20 =	simm.s32 $0x11800;
	s28 =	simm.s32 $0x12800;
	s30 =	simm.s32 $0x13000  }
0x9: {  	s29 =	simm.s32 $0x15000;
	s6 =	sand.u32 $0x1, s5;
	s21 =	sshll.u32 s7, $0x1  }
0xa: {  	[smem:$0x7FF] =	sst s4;
	s5 =	sadd.s32 $0x18CE00, s0;
	s10 =	sadd.s32 $0x14800, s0  }
0xb: {  	s11 =	sadd.s32 $0x94800, s0;
	s7 =	sor.u32 s6, s21;
	_ =	strace $0x80000047  }
0xc: {  	s6 =	ssub.s32 $0x2, s6;
	s21 =	simm.s32 $0x14000;
	s8 =	sshll.u32 s7, $0xA  }
0xd: {  	s9 =	sshll.u32 s7, $0x5;
	s12 =	sshll.u32 s7, $0x9;
	s13 =	sshll.u32 s7, $0x8  }
0xe: {  	s14 =	sshrl.u32 s6, $0x1;
	s22 =	sshll.u32 s7, $0x4;
	s7 =	sshll.u32 s7, $0xE  }
0xf: {  	s8 =	sadd.s32 s8, s0;
	s9 =	sadd.s32 s9, s0;
	s12 =	sadd.s32 s12, s0  }
0x10: {  	s0 =	sadd.s32 s13, s0;
	s6 =	ssub.s32 s6, s14;
	s2 =	sadd.s32 s2, s22  }
0x11: {  	s23 =	sor.u32 $0x2000, s7;
	s24 =	sadd.s32 s10, s7;
	[dreg:$0x7] =	wrdreg s2  }
0x12: {  	s7 =	sadd.s32 s11, s7;
	s13 =	simm.s32 $0xF800;
	[dreg:$0x8] =	wrdreg s24  }
0x13: {  	s14 =	simm.s32 $0x10800;
	s8 =	sadd.s32 $0x6800, s8;
	[dreg:$0xa] =	wrdreg s7  }
0x14: {  	s22 =	simm.s32 $0x0;
	s9 =	sadd.s32 $0x6400, s9;
	[dreg:$0x5] =	wrdreg s8  }
0x15: {  	s25 =	sadd.s32 s10, s23;
	s2 =	sadd.s32 s11, s23;
	[dreg:$0x6] =	wrdreg s9  }
0x16: {  	s26 =	sadd.s32 $0xE800, s12;
	s0 =	sadd.s32 $0x12800, s0;
	[dreg:$0x9] =	wrdreg s25  }
0x17: {  	s31 =	smax.u32 s6, $0x1;
	s24 =	simm.s32 $0x2;
	[dreg:$0xb] =	wrdreg s2  }
0x18: {  	s10 =	simm.s32 $0xD800;
	s11 =	simm.s32 $0xE000;
	[dreg:$0xc] =	wrdreg s26  }
0x19: {  	s12 =	simm.s32 $0xE800;
	s23 =	simm.s32 $0x12000;
	[dreg:$0xd] =	wrdreg s0  }
0x1a: {  	[dreg:$0xe] =	wrdreg s31;
	s9 =	simm.s32 $0xD000;
	s0 =	simm.s32 $0x13800  }
0x1b: {  	s25 =	simm.s32 $0x14800;
	s2 =	simm.s32 $0x15800;
	s26 =	simm.s32 $0x1  }
.LBB2_1:
0x1c: {  	s6 =	rddreg [dreg:$0x5]  }
0x1d: {  	[tilespmem:s4], [sflag:$0x3] =	stream.linear.gather [hbm4b:s6+s4], $0x2000, $0x38;
	[tilespmem:$0x17980] =	vst v63  }
0x1e: {  	_ =	swait.ge [sflag:s16], $0x2000  }
0x1f: {  	[sflag:s16] =	ssyncset.done $0x0  }
0x20: {  	s7 =	simm.s32 $0x16000;
	s6 =	rddreg [dreg:$0x6];
	[sflag:s16] =	ssyncadd.s32 $0xFFFFE000  }
0x21: {  	[tilespmem:s7], [sflag:$0x3] =	stream.linear.gather [hbm4b:s6+s4], $0x100, $0x38;
	[tilespmem:$0x17980] =	vst v63  }
0x22: {  	_ =	swait.ge [sflag:s16], $0x100  }
0x23: {  	[sflag:s16] =	ssyncset.done $0x0  }
0x24: {  	s31 =	simm.s32 $0x16100;
	s6 =	rddreg [dreg:$0x7];
	[sflag:s16] =	ssyncadd.s32 $0xFFFFFF00  }
0x25: {  	[tilespmem:s31], [sflag:$0x3] =	stream.linear.gather [hbm4b:s6+s4], $0x80, $0x38;
	[tilespmem:$0x17980] =	vst v63  }
0x26: {  	_ =	swait.ge [sflag:s16], $0x80  }
0x27: {  	[sflag:s16] =	ssyncset.done $0x0  }
0x28: {  	s8 =	simm.s32 $0x16180;
	[sflag:s16] =	ssyncadd.s32 $0xFFFFFF80  }
0x29: {  	[tilespmem:s8], [sflag:$0x1] =	stream.indirect.gather [hbm4b:s5+s19], $0x10, s7, s19, $0xb8;
	[tilespmem:$0x17980] =	vst v63  }
0x2a: {  	s6 =	simm.s32 $0x16080;
	s7 =	simm.s32 $0x16980  }
0x2b: {  	[tilespmem:s7], [sflag:$0x1] =	stream.indirect.gather [hbm4b:s5+s19], $0x10, s6, s19, $0xb8;
	[tilespmem:$0x17980] =	vst v63  }
0x2c: {  	s8 =	simm.s32 $0x17180  }
0x2d: {  	[tilespmem:s8], [sflag:$0x1] =	stream.indirect.gather [hbm4b:s5+s19], $0x10, s31, s19, $0xb8;
	[tilespmem:$0x17980] =	vst v63  }
0x2e: {  	s6 =	simm.s32 $0x0;
	s7 =	simm.s32 $0x2000  }
0x2f: {  	[tilespmem:s7], [sflag:$0x2] =	stream.indirect.gather [hbm4b:s1+s19], $0x1, s6, s19, $0xb8;
	[tilespmem:$0x17980] =	vst v63  }
0x30: {  	s31 =	simm.s32 $0x200;
	s7 =	simm.s32 $0x4000  }
.LBB2_2:
0x31: {  	[tilespmem:s7], [sflag:$0x2] =	stream.indirect.gather [hbm4b:s3+s19], $0x1, s6, s19, $0xb8;
	[tilespmem:$0x17980] =	vst v63  }
0x32: {  	s6 =	smov.u32 s31;
	p0 =	sne.s32 s31, $0x7E00  }
.Ltmp0:
0x33: {  	s31 =	sadd.s32 $0x200, s31;
	(pc) =	sbr.rel @p0 .LBB2_2-.Ltmp0, $4  }
0x34: {  	s6 =	sshra.s32 s6, $0x2  }
0x35: {  	s7 =	sadd.s32 $0x2000, s6  }
0x36: {  	[tilespmem:s7], [sflag:$0x2] =	stream.indirect.gather [hbm4b:s1+s19], $0x1, s6, s19, $0xb8;
	[tilespmem:$0x17980] =	vst v63  }
0x37: {  	s7 =	sadd.s32 $0x4000, s6  }
0x38: {  	[tilespmem:s7], [sflag:$0x2] =	stream.indirect.gather [hbm4b:s3+s19], $0x1, s6, s19, $0xb8;
	[tilespmem:$0x17980] =	vst v63  }
0x39: {  	_ =	swait.ge [sflag:s24], $0x2000  }
0x3a: {  	[sflag:s24] =	ssyncset.done $0x0  }
0x3b: {  	[sflag:s24] =	ssyncadd.s32 $0xFFFFE000  }
0x3c: {  	_ =	swait.ge [sflag:s24], $0x2000  }
0x3d: {  	[sflag:s24] =	ssyncset.done $0x0  }
0x3e: {  	s31 =	simm.s32 $0x6000;
	s7 =	simm.s32 $0x2000;
	[sflag:s24] =	ssyncadd.s32 $0xFFFFE000  }
0x3f: {  	[tilespmem:s31], [sflag:$0x2] =	stream.indirect.gather [hbm4b:s5+s19], $0x10, s7, s19, $0xb8;
	[tilespmem:$0x17980] =	vst v63  }
0x40: {  	s6 =	simm.s32 $0x2080;
	s7 =	simm.s32 $0x6800  }
0x41: {  	[tilespmem:s7], [sflag:$0x2] =	stream.indirect.gather [hbm4b:s5+s19], $0x10, s6, s19, $0xb8;
	[tilespmem:$0x17980] =	vst v63  }
0x42: {  	s6 =	simm.s32 $0x2100;
	s7 =	simm.s32 $0x7000  }
0x43: {  	[tilespmem:s7], [sflag:$0x2] =	stream.indirect.gather [hbm4b:s5+s19], $0x10, s6, s19, $0xb8;
	[tilespmem:$0x17980] =	vst v63  }
0x44: {  	s6 =	simm.s32 $0x2180;
	s7 =	simm.s32 $0x7800  }
0x45: {  	[tilespmem:s7], [sflag:$0x2] =	stream.indirect.gather [hbm4b:s5+s19], $0x10, s6, s19, $0xb8;
	[tilespmem:$0x17980] =	vst v63  }
0x46: {  	s6 =	simm.s32 $0x2200;
	s7 =	simm.s32 $0x8000  }
0x47: {  	[tilespmem:s7], [sflag:$0x2] =	stream.indirect.gather [hbm4b:s5+s19], $0x10, s6, s19, $0xb8;
	[tilespmem:$0x17980] =	vst v63  }
0x48: {  	s6 =	simm.s32 $0x2280;
	s7 =	simm.s32 $0x8800  }
0x49: {  	[tilespmem:s7], [sflag:$0x2] =	stream.indirect.gather [hbm4b:s5+s19], $0x10, s6, s19, $0xb8;
	[tilespmem:$0x17980] =	vst v63  }
0x4a: {  	s6 =	simm.s32 $0x2300;
	s7 =	simm.s32 $0x9000  }
0x4b: {  	[tilespmem:s7], [sflag:$0x2] =	stream.indirect.gather [hbm4b:s5+s19], $0x10, s6, s19, $0xb8;
	[tilespmem:$0x17980] =	vst v63  }
0x4c: {  	s6 =	simm.s32 $0x2380;
	s7 =	simm.s32 $0x9800  }
0x4d: {  	[tilespmem:s7], [sflag:$0x2] =	stream.indirect.gather [hbm4b:s5+s19], $0x10, s6, s19, $0xb8;
	[tilespmem:$0x17980] =	vst v63  }
0x4e: {  	s6 =	simm.s32 $0x2400;
	s7 =	simm.s32 $0xA000  }
0x4f: {  	[tilespmem:s7], [sflag:$0x2] =	stream.indirect.gather [hbm4b:s5+s19], $0x10, s6, s19, $0xb8;
	[tilespmem:$0x17980] =	vst v63  }
0x50: {  	s6 =	simm.s32 $0x2480;
	s7 =	simm.s32 $0xA800  }
0x51: {  	[tilespmem:s7], [sflag:$0x2] =	stream.indirect.gather [hbm4b:s5+s19], $0x10, s6, s19, $0xb8;
	[tilespmem:$0x17980] =	vst v63  }
0x52: {  	s6 =	simm.s32 $0x2500;
	s7 =	simm.s32 $0xB000  }
0x53: {  	[tilespmem:s7], [sflag:$0x2] =	stream.indirect.gather [hbm4b:s5+s19], $0x10, s6, s19, $0xb8;
	[tilespmem:$0x17980] =	vst v63  }
0x54: {  	s6 =	simm.s32 $0x2580;
	s7 =	simm.s32 $0xB800  }
0x55: {  	[tilespmem:s7], [sflag:$0x2] =	stream.indirect.gather [hbm4b:s5+s19], $0x10, s6, s19, $0xb8;
	[tilespmem:$0x17980] =	vst v63  }
0x56: {  	s6 =	simm.s32 $0x2600;
	s7 =	simm.s32 $0xC000  }
0x57: {  	[tilespmem:s7], [sflag:$0x2] =	stream.indirect.gather [hbm4b:s5+s19], $0x10, s6, s19, $0xb8;
	[tilespmem:$0x17980] =	vst v63  }
0x58: {  	s6 =	simm.s32 $0x2680;
	s7 =	simm.s32 $0xC800  }
0x59: {  	[tilespmem:s7], [sflag:$0x2] =	stream.indirect.gather [hbm4b:s5+s19], $0x10, s6, s19, $0xb8;
	[tilespmem:$0x17980] =	vst v63  }
0x5a: {  	s7 =	simm.s32 $0x2700  }
0x5b: {  	[tilespmem:s9], [sflag:$0x2] =	stream.indirect.gather [hbm4b:s5+s19], $0x10, s7, s19, $0xb8;
	[tilespmem:$0x17980] =	vst v63  }
0x5c: {  	s9 =	simm.s32 $0x2780  }
0x5d: {  	[tilespmem:s10], [sflag:$0x2] =	stream.indirect.gather [hbm4b:s5+s19], $0x10, s9, s19, $0xb8;
	[tilespmem:$0x17980] =	vst v63  }
0x5e: {  	s7 =	simm.s32 $0x2800  }
0x5f: {  	[tilespmem:s11], [sflag:$0x2] =	stream.indirect.gather [hbm4b:s5+s19], $0x10, s7, s19, $0xb8;
	[tilespmem:$0x17980] =	vst v63  }
0x60: {  	s9 =	simm.s32 $0x2880  }
0x61: {  	[tilespmem:s12], [sflag:$0x2] =	stream.indirect.gather [hbm4b:s5+s19], $0x10, s9, s19, $0xb8;
	[tilespmem:$0x17980] =	vst v63  }
0x62: {  	s7 =	simm.s32 $0x2900  }
0x63: {  	[tilespmem:s17], [sflag:$0x2] =	stream.indirect.gather [hbm4b:s5+s19], $0x10, s7, s19, $0xb8;
	[tilespmem:$0x17980] =	vst v63  }
0x64: {  	s9 =	simm.s32 $0x2980  }
0x65: {  	[tilespmem:s13], [sflag:$0x2] =	stream.indirect.gather [hbm4b:s5+s19], $0x10, s9, s19, $0xb8;
	[tilespmem:$0x17980] =	vst v63  }
0x66: {  	s7 =	simm.s32 $0x2A00  }
0x67: {  	[tilespmem:s18], [sflag:$0x2] =	stream.indirect.gather [hbm4b:s5+s19], $0x10, s7, s19, $0xb8;
	[tilespmem:$0x17980] =	vst v63  }
0x68: {  	s9 =	simm.s32 $0x2A80  }
0x69: {  	[tilespmem:s14], [sflag:$0x2] =	stream.indirect.gather [hbm4b:s5+s19], $0x10, s9, s19, $0xb8;
	[tilespmem:$0x17980] =	vst v63  }
0x6a: {  	s7 =	simm.s32 $0x2B00  }
0x6b: {  	[tilespmem:s15], [sflag:$0x2] =	stream.indirect.gather [hbm4b:s5+s19], $0x10, s7, s19, $0xb8;
	[tilespmem:$0x17980] =	vst v63  }
0x6c: {  	s9 =	simm.s32 $0x2B80  }
0x6d: {  	[tilespmem:s20], [sflag:$0x2] =	stream.indirect.gather [hbm4b:s5+s19], $0x10, s9, s19, $0xb8;
	[tilespmem:$0x17980] =	vst v63  }
0x6e: {  	s7 =	simm.s32 $0x2C00  }
0x6f: {  	[tilespmem:s23], [sflag:$0x2] =	stream.indirect.gather [hbm4b:s5+s19], $0x10, s7, s19, $0xb8;
	[tilespmem:$0x17980] =	vst v63  }
0x70: {  	s9 =	simm.s32 $0x2C80  }
0x71: {  	[tilespmem:s28], [sflag:$0x2] =	stream.indirect.gather [hbm4b:s5+s19], $0x10, s9, s19, $0xb8;
	[tilespmem:$0x17980] =	vst v63  }
0x72: {  	s7 =	simm.s32 $0x2D00  }
0x73: {  	[tilespmem:s30], [sflag:$0x2] =	stream.indirect.gather [hbm4b:s5+s19], $0x10, s7, s19, $0xb8;
	[tilespmem:$0x17980] =	vst v63  }
0x74: {  	s9 =	simm.s32 $0x2D80  }
0x75: {  	[tilespmem:s0], [sflag:$0x2] =	stream.indirect.gather [hbm4b:s5+s19], $0x10, s9, s19, $0xb8;
	[tilespmem:$0x17980] =	vst v63  }
0x76: {  	s7 =	simm.s32 $0x2E00  }
0x77: {  	[tilespmem:s21], [sflag:$0x2] =	stream.indirect.gather [hbm4b:s5+s19], $0x10, s7, s19, $0xb8;
	[tilespmem:$0x17980] =	vst v63  }
0x78: {  	s9 =	simm.s32 $0x2E80  }
0x79: {  	[tilespmem:s25], [sflag:$0x2] =	stream.indirect.gather [hbm4b:s5+s19], $0x10, s9, s19, $0xb8;
	[tilespmem:$0x17980] =	vst v63  }
0x7a: {  	s7 =	simm.s32 $0x2F00  }
0x7b: {  	[tilespmem:s29], [sflag:$0x2] =	stream.indirect.gather [hbm4b:s5+s19], $0x10, s7, s19, $0xb8;
	[tilespmem:$0x17980] =	vst v63  }
0x7c: {  	s9 =	simm.s32 $0x2F80  }
0x7d: {  	[tilespmem:s2], [sflag:$0x2] =	stream.indirect.gather [hbm4b:s5+s19], $0x10, s9, s19, $0xb8;
	[tilespmem:$0x17980] =	vst v63  }
0x7e: {  	_ =	swait.ge [sflag:s24], $0x10000  }
0x7f: {  	[sflag:s24] =	ssyncset.done $0x0  }
0x80: {  	s7 =	simm.s32 $0x0;
	s9 =	rddreg [dreg:$0x8];
	[sflag:s24] =	ssyncadd.s32 $0xFFFF0000  }
0x81: {  	[hbm4b:s9+s7] =	stream.linear.scatter [tilespmem:s31], [sflag:$0x3], $0x10000, $0x38;
	[tilespmem:$0x17980] =	vst v63  }
0x82: {  	_ =	swait.ge [sflag:s16], $0x10000  }
0x83: {  	[sflag:s16] =	ssyncset.done $0x0  }
0x84: {  	s6 =	simm.s32 $0x200;
	s9 =	simm.s32 $0x3000;
	[sflag:s16] =	ssyncadd.s32 $0xFFFF0000  }
0x85: {  	[tilespmem:s31], [sflag:$0x2] =	stream.indirect.gather [hbm4b:s5+s19], $0x10, s9, s19, $0xb8;
	[tilespmem:$0x17980] =	vst v63  }
.LBB2_4:
0x86: {  	p0 =	sne.s32 s6, $0x3E00  }
.Ltmp1:
0x87: {  	_ = 	snop;
	(pc) =	sbr.rel @p0 .LBB2_4-.Ltmp1, $4  }
0x88: {  	_ = 	snop  }
0x89: {  	s7 =	sshra.s32 s6, $0x2;
	s6 =	sadd.s32 $0x200, s6  }
0x8a: {  	s31 =	sadd.s32 $0x800, s31;
	s7 =	sadd.s32 $0x3000, s7  }
0x8b: {  	[tilespmem:s31], [sflag:$0x2] =	stream.indirect.gather [hbm4b:s5+s19], $0x10, s7, s19, $0xb8;
	[tilespmem:$0x17980] =	vst v63  }
0x8c: {  	_ =	swait.ge [sflag:s24], $0x10000  }
0x8d: {  	s6 =	simm.s32 $0x0;
	[sflag:s24] =	ssyncset.done $0x0  }
0x8e: {  	s31 =	simm.s32 $0x6000;
	s7 =	rddreg [dreg:$0x9];
	[sflag:s24] =	ssyncadd.s32 $0xFFFF0000  }
0x8f: {  	[hbm4b:s7+s6] =	stream.linear.scatter [tilespmem:s31], [sflag:$0x3], $0x10000, $0x38;
	[tilespmem:$0x17980] =	vst v63  }
0x90: {  	_ =	swait.ge [sflag:s16], $0x10000  }
0x91: {  	[sflag:s16] =	ssyncset.done $0x0  }
0x92: {  	s9 =	simm.s32 $0x4000;
	[sflag:s16] =	ssyncadd.s32 $0xFFFF0000  }
0x93: {  	[tilespmem:s31], [sflag:$0x2] =	stream.indirect.gather [hbm4b:s5+s19], $0x10, s9, s19, $0xb8;
	[tilespmem:$0x17980] =	vst v63  }
0x94: {  	s7 =	simm.s32 $0x6800;
	s9 =	simm.s32 $0x4080  }
0x95: {  	[tilespmem:s7], [sflag:$0x2] =	stream.indirect.gather [hbm4b:s5+s19], $0x10, s9, s19, $0xb8;
	[tilespmem:$0x17980] =	vst v63  }
0x96: {  	s7 =	simm.s32 $0x7000;
	s9 =	simm.s32 $0x4100  }
0x97: {  	[tilespmem:s7], [sflag:$0x2] =	stream.indirect.gather [hbm4b:s5+s19], $0x10, s9, s19, $0xb8;
	[tilespmem:$0x17980] =	vst v63  }
0x98: {  	s7 =	simm.s32 $0x7800;
	s9 =	simm.s32 $0x4180  }
0x99: {  	[tilespmem:s7], [sflag:$0x2] =	stream.indirect.gather [hbm4b:s5+s19], $0x10, s9, s19, $0xb8;
	[tilespmem:$0x17980] =	vst v63  }
0x9a: {  	s7 =	simm.s32 $0x8000;
	s9 =	simm.s32 $0x4200  }
0x9b: {  	[tilespmem:s7], [sflag:$0x2] =	stream.indirect.gather [hbm4b:s5+s19], $0x10, s9, s19, $0xb8;
	[tilespmem:$0x17980] =	vst v63  }
0x9c: {  	s7 =	simm.s32 $0x8800;
	s9 =	simm.s32 $0x4280  }
0x9d: {  	[tilespmem:s7], [sflag:$0x2] =	stream.indirect.gather [hbm4b:s5+s19], $0x10, s9, s19, $0xb8;
	[tilespmem:$0x17980] =	vst v63  }
0x9e: {  	s7 =	simm.s32 $0x9000;
	s9 =	simm.s32 $0x4300  }
0x9f: {  	[tilespmem:s7], [sflag:$0x2] =	stream.indirect.gather [hbm4b:s5+s19], $0x10, s9, s19, $0xb8;
	[tilespmem:$0x17980] =	vst v63  }
0xa0: {  	s7 =	simm.s32 $0x9800;
	s9 =	simm.s32 $0x4380  }
0xa1: {  	[tilespmem:s7], [sflag:$0x2] =	stream.indirect.gather [hbm4b:s5+s19], $0x10, s9, s19, $0xb8;
	[tilespmem:$0x17980] =	vst v63  }
0xa2: {  	s7 =	simm.s32 $0xA000;
	s9 =	simm.s32 $0x4400  }
0xa3: {  	[tilespmem:s7], [sflag:$0x2] =	stream.indirect.gather [hbm4b:s5+s19], $0x10, s9, s19, $0xb8;
	[tilespmem:$0x17980] =	vst v63  }
0xa4: {  	s7 =	simm.s32 $0xA800;
	s9 =	simm.s32 $0x4480  }
0xa5: {  	[tilespmem:s7], [sflag:$0x2] =	stream.indirect.gather [hbm4b:s5+s19], $0x10, s9, s19, $0xb8;
	[tilespmem:$0x17980] =	vst v63  }
0xa6: {  	s7 =	simm.s32 $0xB000;
	s9 =	simm.s32 $0x4500  }
0xa7: {  	[tilespmem:s7], [sflag:$0x2] =	stream.indirect.gather [hbm4b:s5+s19], $0x10, s9, s19, $0xb8;
	[tilespmem:$0x17980] =	vst v63  }
0xa8: {  	s7 =	simm.s32 $0xB800;
	s9 =	simm.s32 $0x4580  }
0xa9: {  	[tilespmem:s7], [sflag:$0x2] =	stream.indirect.gather [hbm4b:s5+s19], $0x10, s9, s19, $0xb8;
	[tilespmem:$0x17980] =	vst v63  }
0xaa: {  	s7 =	simm.s32 $0xC000;
	s9 =	simm.s32 $0x4600  }
0xab: {  	[tilespmem:s7], [sflag:$0x2] =	stream.indirect.gather [hbm4b:s5+s19], $0x10, s9, s19, $0xb8;
	[tilespmem:$0x17980] =	vst v63  }
0xac: {  	s7 =	simm.s32 $0xC800;
	s9 =	simm.s32 $0x4680  }
0xad: {  	[tilespmem:s7], [sflag:$0x2] =	stream.indirect.gather [hbm4b:s5+s19], $0x10, s9, s19, $0xb8;
	[tilespmem:$0x17980] =	vst v63  }
0xae: {  	s9 =	simm.s32 $0xD000;
	s7 =	simm.s32 $0x4700  }
0xaf: {  	[tilespmem:s9], [sflag:$0x2] =	stream.indirect.gather [hbm4b:s5+s19], $0x10, s7, s19, $0xb8;
	[tilespmem:$0x17980] =	vst v63  }
0xb0: {  	s7 =	simm.s32 $0x4780  }
0xb1: {  	[tilespmem:s10], [sflag:$0x2] =	stream.indirect.gather [hbm4b:s5+s19], $0x10, s7, s19, $0xb8;
	[tilespmem:$0x17980] =	vst v63  }
0xb2: {  	s7 =	simm.s32 $0x4800  }
0xb3: {  	[tilespmem:s11], [sflag:$0x2] =	stream.indirect.gather [hbm4b:s5+s19], $0x10, s7, s19, $0xb8;
	[tilespmem:$0x17980] =	vst v63  }
0xb4: {  	s7 =	simm.s32 $0x4880  }
0xb5: {  	[tilespmem:s12], [sflag:$0x2] =	stream.indirect.gather [hbm4b:s5+s19], $0x10, s7, s19, $0xb8;
	[tilespmem:$0x17980] =	vst v63  }
0xb6: {  	s7 =	simm.s32 $0x4900  }
0xb7: {  	[tilespmem:s17], [sflag:$0x2] =	stream.indirect.gather [hbm4b:s5+s19], $0x10, s7, s19, $0xb8;
	[tilespmem:$0x17980] =	vst v63  }
0xb8: {  	s7 =	simm.s32 $0x4980  }
0xb9: {  	[tilespmem:s13], [sflag:$0x2] =	stream.indirect.gather [hbm4b:s5+s19], $0x10, s7, s19, $0xb8;
	[tilespmem:$0x17980] =	vst v63  }
0xba: {  	s7 =	simm.s32 $0x4A00  }
0xbb: {  	[tilespmem:s18], [sflag:$0x2] =	stream.indirect.gather [hbm4b:s5+s19], $0x10, s7, s19, $0xb8;
	[tilespmem:$0x17980] =	vst v63  }
0xbc: {  	s7 =	simm.s32 $0x4A80  }
0xbd: {  	[tilespmem:s14], [sflag:$0x2] =	stream.indirect.gather [hbm4b:s5+s19], $0x10, s7, s19, $0xb8;
	[tilespmem:$0x17980] =	vst v63  }
0xbe: {  	s7 =	simm.s32 $0x4B00  }
0xbf: {  	[tilespmem:s15], [sflag:$0x2] =	stream.indirect.gather [hbm4b:s5+s19], $0x10, s7, s19, $0xb8;
	[tilespmem:$0x17980] =	vst v63  }
0xc0: {  	s7 =	simm.s32 $0x4B80  }
0xc1: {  	[tilespmem:s20], [sflag:$0x2] =	stream.indirect.gather [hbm4b:s5+s19], $0x10, s7, s19, $0xb8;
	[tilespmem:$0x17980] =	vst v63  }
0xc2: {  	s7 =	simm.s32 $0x4C00  }
0xc3: {  	[tilespmem:s23], [sflag:$0x2] =	stream.indirect.gather [hbm4b:s5+s19], $0x10, s7, s19, $0xb8;
	[tilespmem:$0x17980] =	vst v63  }
0xc4: {  	s7 =	simm.s32 $0x4C80  }
0xc5: {  	[tilespmem:s28], [sflag:$0x2] =	stream.indirect.gather [hbm4b:s5+s19], $0x10, s7, s19, $0xb8;
	[tilespmem:$0x17980] =	vst v63  }
0xc6: {  	s7 =	simm.s32 $0x4D00  }
0xc7: {  	[tilespmem:s30], [sflag:$0x2] =	stream.indirect.gather [hbm4b:s5+s19], $0x10, s7, s19, $0xb8;
	[tilespmem:$0x17980] =	vst v63  }
0xc8: {  	s7 =	simm.s32 $0x4D80  }
0xc9: {  	[tilespmem:s0], [sflag:$0x2] =	stream.indirect.gather [hbm4b:s5+s19], $0x10, s7, s19, $0xb8;
	[tilespmem:$0x17980] =	vst v63  }
0xca: {  	s7 =	simm.s32 $0x4E00  }
0xcb: {  	[tilespmem:s21], [sflag:$0x2] =	stream.indirect.gather [hbm4b:s5+s19], $0x10, s7, s19, $0xb8;
	[tilespmem:$0x17980] =	vst v63  }
0xcc: {  	s7 =	simm.s32 $0x4E80  }
0xcd: {  	[tilespmem:s25], [sflag:$0x2] =	stream.indirect.gather [hbm4b:s5+s19], $0x10, s7, s19, $0xb8;
	[tilespmem:$0x17980] =	vst v63  }
0xce: {  	s7 =	simm.s32 $0x4F00  }
0xcf: {  	[tilespmem:s29], [sflag:$0x2] =	stream.indirect.gather [hbm4b:s5+s19], $0x10, s7, s19, $0xb8;
	[tilespmem:$0x17980] =	vst v63  }
0xd0: {  	s7 =	simm.s32 $0x4F80  }
0xd1: {  	[tilespmem:s2], [sflag:$0x2] =	stream.indirect.gather [hbm4b:s5+s19], $0x10, s7, s19, $0xb8;
	[tilespmem:$0x17980] =	vst v63  }
0xd2: {  	_ =	swait.ge [sflag:s24], $0x10000  }
0xd3: {  	[sflag:s24] =	ssyncset.done $0x0  }
0xd4: {  	s7 =	rddreg [dreg:$0xa];
	[sflag:s24] =	ssyncadd.s32 $0xFFFF0000  }
0xd5: {  	[hbm4b:s7+s6] =	stream.linear.scatter [tilespmem:s31], [sflag:$0x3], $0x10000, $0x38;
	[tilespmem:$0x17980] =	vst v63  }
0xd6: {  	_ =	swait.ge [sflag:s16], $0x10000  }
0xd7: {  	[sflag:s16] =	ssyncset.done $0x0  }
0xd8: {  	s7 =	simm.s32 $0x5000;
	s6 =	simm.s32 $0x200;
	[sflag:s16] =	ssyncadd.s32 $0xFFFF0000  }
0xd9: {  	[tilespmem:s31], [sflag:$0x2] =	stream.indirect.gather [hbm4b:s5+s19], $0x10, s7, s19, $0xb8;
	[tilespmem:$0x17980] =	vst v63  }
.LBB2_6:
0xda: {  	p0 =	sne.s32 s6, $0x3E00  }
.Ltmp2:
0xdb: {  	_ = 	snop;
	(pc) =	sbr.rel @p0 .LBB2_6-.Ltmp2, $4  }
0xdc: {  	_ = 	snop  }
0xdd: {  	s7 =	sshra.s32 s6, $0x2;
	s6 =	sadd.s32 $0x200, s6  }
0xde: {  	s31 =	sadd.s32 $0x800, s31;
	s7 =	sadd.s32 $0x5000, s7  }
0xdf: {  	[tilespmem:s31], [sflag:$0x2] =	stream.indirect.gather [hbm4b:s5+s19], $0x10, s7, s19, $0xb8;
	[tilespmem:$0x17980] =	vst v63  }
0xe0: {  	_ =	swait.ge [sflag:s24], $0x10000  }
0xe1: {  	[sflag:s24] =	ssyncset.done $0x0  }
0xe2: {  	s7 =	simm.s32 $0x6000;
	s6 =	rddreg [dreg:$0xb];
	[sflag:s24] =	ssyncadd.s32 $0xFFFF0000  }
0xe3: {  	[hbm4b:s6+s4] =	stream.linear.scatter [tilespmem:s7], [sflag:$0x3], $0x10000, $0x38;
	[tilespmem:$0x17980] =	vst v63  }
0xe4: {  	_ =	swait.ge [sflag:s16], $0x10000  }
0xe5: {  	[sflag:s16] =	ssyncset.done $0x0  }
0xe6: {  	[sflag:s16] =	ssyncadd.s32 $0xFFFF0000  }
0xe7: {  	_ =	swait.ge [sflag:s26], $0x1800  }
0xe8: {  	[sflag:s26] =	ssyncset.done $0x0  }
0xe9: {  	s31 =	simm.s32 $0x16180;
	s7 =	rddreg [dreg:$0xc];
	[sflag:s26] =	ssyncadd.s32 $0xFFFFE800  }
0xea: {  	[hbm4b:s7+s4] =	stream.linear.scatter [tilespmem:s31], [sflag:$0x3], $0x1000, $0x38;
	[tilespmem:$0x17980] =	vst v63  }
0xeb: {  	_ =	swait.ge [sflag:s16], $0x1000  }
0xec: {  	[sflag:s16] =	ssyncset.done $0x0  }
0xed: {  	s7 =	rddreg [dreg:$0xd];
	[sflag:s16] =	ssyncadd.s32 $0xFFFFF000  }
0xee: {  	[hbm4b:s7+s4] =	stream.linear.scatter [tilespmem:s8], [sflag:$0x3], $0x800, $0x38;
	[tilespmem:$0x17980] =	vst v63  }
0xef: {  	_ =	swait.ge [sflag:s16], $0x800  }
0xf0: {  	s22 =	sadd.s32 $0x1, s22;
	s31 =	rddreg [dreg:$0xe]  }
0xf1: {  	p0 =	sne.s32 s22, s31  }
.Ltmp3:
0xf2: {  	_ = 	snop;
	(pc) =	sbr.rel @p0 .LBB2_1-.Ltmp3, $3  }
0xf3: {  	_ =	sdelay $0x1  }
0xf4: {  	[sflag:s16] =	ssyncset.done $0x0  }
0xf5: {  	[sflag:s16] =	ssyncadd.s32 $0xFFFFF800  }
0xf6: {  	_ =	sfence.sel $0x180000  }
0xf7: {  	[bflag:$0x0] =	sbarrier.arrive $0xFFFF  }
0xf8: {  	_ =	strace $0x90000047  }
0xf9: {  	s0 =	stileid.u32;
	[bflag:$0x2] =	sbarrier.arrive $0xFFFF  }
0xfa: {  	p0 =	sne.s32 s0, $0x0;
	s0 =	rddreg [dreg:$0x4]  }
0xfb: {  	s0 =	sadd.s32 @!p0 $0x100000, s0  }
0xfc: {  	[sflag:s0] =	ssyncadd.tile.s32 @!p0 $0x1;
	_ =	shalt  }
.Lfunc_end2:
_tile_overlayer_lowered:
.L_overlay_start_2:
0xfd: {  	(tag) =	ssettag $0x2  }
0xfe: {  	s0 =	rddreg [dreg:$0x0];
	s2 =	stileid.u32  }
0xff: {  	s1 =	rddreg [dreg:$0x1];
	p0 =	sne.s32 s2, $0x0  }
0x100: {  	s3 =	rddreg [dreg:$0x2];
	[bflag:$0x3] =	sbarrier.arrive $0xFFFF;
	s2 =	simm.s32 @!p0 $0x1C03  }
0x101: {  	[timem:s3], [sflag:s2] =	dma.local @!p0 [hbm:s0], s1  }
0x102: {  	s0 =	simm.s32 @!p0 $0x3  }
0x103: {  	_ =	swait.ge @!p0 [sflag:s0], s1  }
0x104: {  	s1 =	ssub.s32 @!p0 $0x0, s1;
	[sflag:s0] =	ssyncset.done @!p0 $0x0  }
0x105: {  	[sflag:s0] =	ssyncadd.s32 @!p0 s1  }
0x106: {  	[bflag:$0x3] =	sbarrier.arrive $0xFFFF  }
0x107: {  	_ =	shalt  }

// kernel: kernel.9.cloned.1.call-start
scs
__scs_entry_jumppad:
0x0: {  	(pc) =	sbr.rel $0x88, $3  }
0x1: {  	(tag) =	ssettag $0x0;
	lr =	simm.s32 $0x1  }
0x2: {  	[smem:$0x3F7F] =	sst lr;
	_ =	strace $0xD0000000  }
0x3: {  	_ = 	snop  }
0x4: {  	_ = 	snop  }
0x5: {  	_ = 	snop  }
0x6: {  	_ = 	snop  }
0x7: {  	_ = 	snop  }
__scs_overlays_trampoline_lowered:
0x8: {  	[smem:$0x3F8E] =	sst s0  }
0x9: {  	[smem:$0x3F8F] =	sst s1  }
0xa: {  	[smem:$0x3F90] =	sst s2  }
0xb: {  	[smem:$0x3F91] =	sst s3  }
0xc: {  	[smem:$0x3F92] =	sst s4  }
0xd: {  	[smem:$0x3F93] =	sst s5  }
0xe: {  	[smem:$0x3F94] =	sst s6  }
0xf: {  	[smem:$0x3F95] =	sst s7  }
0x10: {  	[smem:$0x3F96] =	sst s8  }
0x11: {  	[smem:$0x3F97] =	sst s9;
	s0 =	simm.s32 @!p0 $0x0  }
0x12: {  	s1 =	sld [smem:$0x3F7D];
	s0 =	simm.s32 @p0 $0x1  }
0x13: {  	[smem:$0x3F98] =	sst s0;
	s0 =	simm.s32 @!p1 $0x0  }
0x14: {  	s2 =	sld [smem:$0x3F7C];
	s0 =	simm.s32 @p1 $0x1  }
0x15: {  	[smem:$0x3F99] =	sst s0;
	s0 =	simm.s32 @!p2 $0x0  }
0x16: {  	s3 =	sld [smem:$0x3FDB];
	s0 =	simm.s32 @p2 $0x1  }
0x17: {  	s4 =	simm.s32 $0x1BF5;
	[smem:$0x3F9B] =	sst s0  }
0x18: {  	s0 =	sld [smem:$0x3F7E];
	_ =	swait.ge [sflag:s4], $0x0  }
0x19: {  	s7 =	sld [smem:$0x3F7F]  }
0x1a: {  	s8 =	sadd.s32 $0xFFFFE003, lr  }
0x1b: {  	s9 =	sadd.s32 $0xFFFFFEF7, lr;
	s5 =	simm.s32 $0xFFFFFFFF;
	p2 =	slt.u32 s8, $0xFFFFF086  }
0x1c: {  	p1 =	slt.u32 s9, $0xF7A;
	s5 =	simm.s32 @!p2 $0x0  }
0x1d: {  	s5 =	simm.s32 @p1 $0x1;
	p0 =	seq.s32 s7, s2  }
0x1e: {  	s7 =	smul.u32 @!p0 $0xF7A, s2;
	p2 =	seq.s32 @!p0 s5, $0x0  }
0x1f: {  	s9 =	smul.u32 $0xF7A, s1;
	s8 =	simm.s32 @!p0 $0x1BF5;
	p2 =	por !p2, p0  }
0x20: {  	[sflag:s8] =	ssyncset.s32 @!p0 $0xFFFFF086;
	s6 =	sadd.s32 @!p0 s3, s7;
	s7 =	simm.s32 @!p0 $0x108  }
0x21: {  	s3 =	sadd.s32 s3, s9;
	s6 =	sadd.s32 @!p0 $0x88, s6;
	s7 =	simm.s32 @p2 $0x1082  }
0x22: {  	[simem:s7], [sflag:s8] =	dma.local @!p0 [hbm:s6], $0xF7A  }
0x23: {  	s9 =	sor.u32 $0xD0000000, s2;
	s6 =	simm.s32 $0x108;
	_ =	swait.ge @!p0 [sflag:s8], $0x0  }
0x24: {  	s3 =	sadd.s32 $0x88, s3;
	s6 =	simm.s32 @!p1 $0x1082;
	[sflag:s4] =	ssyncset.s32 $0xFFFFF086  }
0x25: {  	[simem:s6], [sflag:s4] =	dma.local [hbm:s3], $0xF7A  }
0x26: {  	[smem:$0x3F7F] =	sst s1;
	(tag) =	ssettag s2;
	_ =	strace s9  }
0x27: {  	s1 =	sld [smem:$0x3F8F]  }
0x28: {  	s2 =	sld [smem:$0x3F90]  }
0x29: {  	s4 =	sld [smem:$0x3F92]  }
0x2a: {  	p0 =	seq.s32 s5, $0x0;
	s5 =	sld [smem:$0x3F93]  }
0x2b: {  	s6 =	sld [smem:$0x3F94]  }
0x2c: {  	s7 =	sld [smem:$0x3F95]  }
0x2d: {  	s3 =	simm.s32 $0x108;
	s8 =	sld [smem:$0x3F96]  }
0x2e: {  	s3 =	simm.s32 @!p0 $0x1082;
	s9 =	sld [smem:$0x3F97]  }
0x2f: {  	lr =	sadd.s32 s0, s3;
	s0 =	sld [smem:$0x3F8E]  }
0x30: {  	s3 =	sld [smem:$0x3F91]  }
0x31: {  	[smem:$0x3F9A] =	sst s10  }
0x32: {  	s10 =	sld [smem:$0x3F98];
	_ =	sdelay $0x3  }
0x33: {  	p0 =	seq.s32 s10, $0x1;
	s10 =	sld [smem:$0x3F9A];
	_ =	sdelay $0x3  }
0x34: {  	[smem:$0x3F9A] =	sst s10  }
0x35: {  	s10 =	sld [smem:$0x3F99];
	_ =	sdelay $0x3  }
0x36: {  	p1 =	seq.s32 s10, $0x1;
	s10 =	sld [smem:$0x3F9A];
	_ =	sdelay $0x3  }
0x37: {  	[smem:$0x3F9A] =	sst s10  }
0x38: {  	s10 =	sld [smem:$0x3F9B]  }
0x39: {  	_ = 	snop;
	(pc) =	sbr.ind lr, $3  }
0x3a: {  	_ = 	snop  }
0x3b: {  	_ = 	snop  }
0x3c: {  	p2 =	seq.s32 s10, $0x1;
	s10 =	sld [smem:$0x3F9A]  }
0x3d: {  	_ =	shalt  }
0x3e: {  	_ =	shalt  }
0x3f: {  	_ =	shalt  }
0x40: {  	_ =	shalt  }
0x41: {  	_ =	shalt  }
0x42: {  	_ =	shalt  }
0x43: {  	_ =	shalt  }
0x44: {  	_ =	shalt  }
0x45: {  	_ =	shalt  }
0x46: {  	_ =	shalt  }
0x47: {  	_ =	shalt  }
0x48: {  	_ =	shalt  }
0x49: {  	_ =	shalt  }
0x4a: {  	_ =	shalt  }
0x4b: {  	_ =	shalt  }
0x4c: {  	_ =	shalt  }
0x4d: {  	_ =	shalt  }
0x4e: {  	_ =	shalt  }
0x4f: {  	_ =	shalt  }
0x50: {  	_ =	shalt  }
0x51: {  	_ =	shalt  }
0x52: {  	_ =	shalt  }
0x53: {  	_ =	shalt  }
0x54: {  	_ =	shalt  }
0x55: {  	_ =	shalt  }
0x56: {  	_ =	shalt  }
0x57: {  	_ =	shalt  }
0x58: {  	_ =	shalt  }
0x59: {  	_ =	shalt  }
0x5a: {  	_ =	shalt  }
0x5b: {  	_ =	shalt  }
0x5c: {  	_ =	shalt  }
0x5d: {  	_ =	shalt  }
0x5e: {  	_ =	shalt  }
0x5f: {  	_ =	shalt  }
0x60: {  	_ =	shalt  }
0x61: {  	_ =	shalt  }
0x62: {  	_ =	shalt  }
0x63: {  	_ =	shalt  }
0x64: {  	_ =	shalt  }
0x65: {  	_ =	shalt  }
0x66: {  	_ =	shalt  }
0x67: {  	_ =	shalt  }
0x68: {  	_ =	shalt  }
0x69: {  	_ =	shalt  }
0x6a: {  	_ =	shalt  }
0x6b: {  	_ =	shalt  }
0x6c: {  	_ =	shalt  }
0x6d: {  	_ =	shalt  }
0x6e: {  	_ =	shalt  }
0x6f: {  	_ =	shalt  }
0x70: {  	_ =	shalt  }
0x71: {  	_ =	shalt  }
0x72: {  	_ =	shalt  }
0x73: {  	_ =	shalt  }
0x74: {  	_ =	shalt  }
0x75: {  	_ =	shalt  }
0x76: {  	_ =	shalt  }
0x77: {  	_ =	shalt  }
0x78: {  	_ =	shalt  }
0x79: {  	_ =	shalt  }
0x7a: {  	_ =	shalt  }
0x7b: {  	_ =	shalt  }
0x7c: {  	_ =	shalt  }
0x7d: {  	_ =	shalt  }
0x7e: {  	_ =	shalt  }
0x7f: {  	_ =	shalt  }
0x80: {  	_ =	shalt  }
0x81: {  	_ =	shalt  }
0x82: {  	_ =	shalt  }
0x83: {  	_ =	shalt  }
0x84: {  	_ =	shalt  }
0x85: {  	_ =	shalt  }
0x86: {  	_ =	shalt  }
0x87: {  	_ =	shalt  }
.Lfunc_end0:
.L_simem_size_0:
called_computation.1_lowered:
.L_overlay_start_0:
0x88: {  	s2 =	sld [smem:$0x3FD9]  }
0x89: {  	s3 =	sld [smem:$0x3FFE];
	_ =	sdelay $0x1  }
0x8a: {  	s1 =	srdreg.scid  }
0x8b: {  	s0 =	sand.u32 $0x1, s1  }
0x8c: {  	s17 =	sshll.u32 s0, $0xA;
	s2 =	sadd.s32 s3, s2  }
0x8d: {  	s2 =	sadd.s32 s2, s17  }
0x8e: {  	[smem:$0x3FA6] =	sst s2  }
0x8f: {  	_ = 	snop  }
0x90: {  	(tm) =	ssettm $0x1  }
0x91: {  	s18 =	sld [smem:$0x3FFB];
	_ =	sdelay $0x3  }
0x92: {  	_ =	strace s18  }
0x93: {  	s2 =	sld [smem:$0x3FFC];
	_ =	sdelay $0x3  }
0x94: {  	_ =	strace s2  }
0x95: {  	s2 =	sld [smem:$0x3FFD];
	_ =	sdelay $0x3  }
0x96: {  	_ =	strace s2  }
0x97: {  	_ =	strace $0x8FFFFFFF  }
0x98: {  	s19 =	sld [smem:$0x3FDB];
	_ =	sdelay $0x1  }
0x99: {  	s20 =	simm.s32 $_scs_section_size  }
0x9a: {  	s4 =	simm.s32 $_size__tile_overlayer_lowered;
	s5 =	simm.s32 $_tile_overlayer_lowered  }
0x9b: {  	s6 =	simm.s32 $0x1BFF;
	s21 =	sshll.u32 s5, $0x1;
	s3 =	sadd.s32 s20, s19  }
0x9c: {  	s22 =	simm.s32 $0x0;
	s4 =	sshll.u32 s4, $0x1;
	s5 =	sadd.s32 s21, s3  }
0x9d: {  	[timem:s22], [sflag:s6] =	dma.local [hbm:s5], s4  }
0x9e: {  	_ =	swait.ge [sflag:s6], s4  }
0x9f: {  	s4 =	ssub.s32 $0x0, s4;
	[sflag:s6] =	ssyncset.done $0x0  }
0xa0: {  	[sflag:s6] =	ssyncadd.s32 s4;
	_ =	sdelay $0x1  }
0xa1: {  	s23 =	simm.s32 $0x1B8B  }
0xa2: {  	_ =	swait.ge [sflag:s23], $0x1  }
0xa3: {  	[sflag:s23] =	ssyncset.done $0x0  }
0xa4: {  	[sflag:s23] =	ssyncadd.s32 $0xFFFFFFFF  }
0xa5: {  	s4 =	sld [smem:$0x0]  }
0xa6: {  	s5 =	sand.u32 $0xFFFFFFFE, s1  }
0xa7: {  	p0 =	sne.s32 s1, s5  }
0xa8: {  	s5 =	sshll.u32 @p0 s5, $0xE  }
0xa9: {  	s5 =	sadd.s32 @p0 $0x11B8D, s5;
	s6 =	sshll.u32 @p0 s4, $0x11  }
0xaa: {  	s5 =	sor.u32 @p0 s6, s5  }
0xab: {  	[sflag:s5] =	ssyncadd.remote.s32 @p0 $0x1;
	_ =	sdelay $0x1  }
0xac: {  	s5 =	simm.s32 @p0 $0x1B8D  }
0xad: {  	_ =	swait.eq @p0 [sflag:s5], $0x1  }
0xae: {  	[sflag:s5] =	ssyncadd.s32 @p0 $0xFFFFFFFF  }
0xaf: {  	s6 =	sshll.u32 @!p0 s1, $0xE  }
0xb0: {  	s6 =	sor.u32 @!p0 $0x4000, s6;
	s5 =	simm.s32 @!p0 $0x1B8D  }
0xb1: {  	s4 =	sshll.u32 @!p0 s4, $0x11;
	s6 =	sadd.s32 @!p0 $0x11B8D, s6;
	_ =	swait.eq @!p0 [sflag:s5], $0x1  }
0xb2: {  	s4 =	sor.u32 @!p0 s4, s6;
	[sflag:s5] =	ssyncadd.s32 @!p0 $0xFFFFFFFF  }
0xb3: {  	s25 =	simm.s32 $0x1B8E;
	s24 =	sld [smem:$0x3FFE];
	[sflag:s4] =	ssyncadd.remote.s32 @!p0 $0x1  }
0xb4: {  	s26 =	simm.s32 $execute0_lowered;
	[smem:$0x3FD2] =	sst s25  }
0xb5: {  	s5 =	sshll.u32 s26, $0x1;
	_ =	strace $0x80000049;
	[dreg:$0x1] =	wrdreg $0xFFFFFFFF  }
0xb6: {  	s28 =	simm.s32 $_size_execute0_lowered;
	s3 =	sadd.s32 s3, s5;
	[dreg:$0x0] =	wrdreg $0x0  }
0xb7: {  	s5 =	sshll.u32 s28, $0x1;
	[dreg:$0x2] =	wrdreg s3  }
0xb8: {  	[dreg:$0x3] =	wrdreg s5  }
0xb9: {  	[dreg:$0x4] =	wrdreg $0xC0  }
0xba: {  	_ =	task [dreg:s22], $0x5FFFF  }
0xbb: {  	[dreg:$0x1] =	wrdreg $0xFFFFFFFF  }
0xbc: {  	[dreg:$0x0] =	wrdreg $0x60  }
0xbd: {  	[dreg:$0x2] =	wrdreg s24  }
0xbe: {  	[dreg:$0x3] =	wrdreg $0xA  }
0xbf: {  	_ =	task.clear_ibuf [dreg:s22], $0x4FFFF;
	_ =	strace $0x90000049  }
0xc0: {  	s29 =	simm.s32 $0xA;
	_ =	strace $0x8000004B  }
0xc1: {  	_ =	swait.ge [sflag:s29], $0x1  }
0xc2: {  	[sflag:s29] =	ssyncadd.s32 $0xFFFFFFFF  }
0xc3: {  	_ =	strace $0x9000004B  }
0xc4: {  	_ =	sfence  }
0xc5: {  	s30 =	sld [smem:$0x0];
	_ =	sdelay $0x2  }
0xc6: {  	s31 =	sshll.u32 s1, $0xD;
	s1 =	sshrl.u32 s1, $0x2  }
0xc7: {  	s4 =	sand.u32 $0x4000, s31;
	s1 =	sadd.s32 s1, s30  }
0xc8: {  	s0 =	sor.u32 s4, s0;
	s1 =	sshll.u32 s1, $0x11  }
0xc9: {  	s0 =	sor.u32 s1, s0  }
0xca: {  	s0 =	sadd.s32 $0x8F2B, s0  }
0xcb: {  	[sflag:s0] =	ssyncadd.remote.s32 $0x1  }
0xcc: {  	_ =	sfence.sel $0xFFFF  }
0xcd: {  	[dreg:$0x0] =	wrdreg $0xFFFFFFFF;
	(pc) =	sbr.abs _section_cstart, $3  }
0xce: {  	[dreg:$0x1] =	wrdreg $0xFFFFFFFF  }
0xcf: {  	_ =	task.clear_ibuf [dreg:s22], $0x2FFFF;
	_ =	strace $0x9FFFFFFF  }
0xd0: {  	(tm) =	ssettm $0x7FFFFFFF  }
0xd1: {  	_ =	shalt  }
tec
execute0_lowered:
.L_overlay_start_1:
0x0: {  	(tag) =	ssettag $0x1  }
0x1: {  	s0 =	srdreg.scid;
	s1 =	stileid.u32;
	s2 =	simm.s32 $0x0  }
0x2: {  	s0 =	sand.u32 $0x1, s0;
	s1 =	sshll.u32 s1, $0x1;
	[smem:$0x7FF] =	sst s2  }
0x3: {  	s19 =	simm.s32 $0x100;
	s3 =	sor.u32 s0, s1;
	s1 =	rddreg [dreg:$0x0]  }
0x4: {  	s20 =	simm.s32 $0x180;
	_ =	strace $0x8000004A;
	[dreg:$0x6] =	wrdreg s19  }
0x5: {  	s21 =	simm.s32 $0x200;
	[dreg:$0x7] =	wrdreg s20  }
0x6: {  	s22 =	simm.s32 $0x280;
	[dreg:$0x8] =	wrdreg s21  }
0x7: {  	s23 =	simm.s32 $0x300;
	[dreg:$0x9] =	wrdreg s22  }
0x8: {  	s24 =	simm.s32 $0x380;
	[dreg:$0xa] =	wrdreg s23  }
0x9: {  	s25 =	simm.s32 $0x400;
	[dreg:$0xb] =	wrdreg s24  }
0xa: {  	s26 =	simm.s32 $0x480;
	[dreg:$0xc] =	wrdreg s25  }
0xb: {  	s6 =	simm.s32 $0x600;
	[dreg:$0xd] =	wrdreg s26  }
0xc: {  	s7 =	simm.s32 $0x680;
	[dreg:$0x10] =	wrdreg s6  }
0xd: {  	s8 =	simm.s32 $0x700;
	[dreg:$0x11] =	wrdreg s7  }
0xe: {  	s9 =	simm.s32 $0x780;
	[dreg:$0x12] =	wrdreg s8  }
0xf: {  	s10 =	simm.s32 $0x800;
	[dreg:$0x13] =	wrdreg s9  }
0x10: {  	s11 =	simm.s32 $0x880;
	[dreg:$0x14] =	wrdreg s10  }
0x11: {  	s12 =	simm.s32 $0x900;
	[dreg:$0x15] =	wrdreg s11  }
0x12: {  	s13 =	simm.s32 $0x980;
	[dreg:$0x16] =	wrdreg s12  }
0x13: {  	s14 =	simm.s32 $0xA00;
	[dreg:$0x17] =	wrdreg s13  }
0x14: {  	s15 =	simm.s32 $0xA80;
	[dreg:$0x18] =	wrdreg s14  }
0x15: {  	s16 =	simm.s32 $0xB00;
	[dreg:$0x19] =	wrdreg s15  }
0x16: {  	s17 =	simm.s32 $0xB80;
	[dreg:$0x1a] =	wrdreg s16  }
0x17: {  	[dreg:$0x1b] =	wrdreg s17;
	s19 =	simm.s32 $0xC80  }
0x18: {  	s20 =	simm.s32 $0xD80;
	[dreg:$0x1d] =	wrdreg s19  }
0x19: {  	s21 =	simm.s32 $0xE00;
	[dreg:$0x1e] =	wrdreg s20  }
0x1a: {  	s22 =	simm.s32 $0xE80;
	[dreg:$0x1f] =	wrdreg s21  }
0x1b: {  	s23 =	simm.s32 $0xF00;
	[smem:$0x7E7] =	sst s22  }
0x1c: {  	s24 =	simm.s32 $0xF80;
	[smem:$0x7E8] =	sst s23  }
0x1d: {  	s26 =	simm.s32 $0x1000;
	[smem:$0x7E9] =	sst s24  }
0x1e: {  	s6 =	simm.s32 $0x1180;
	[smem:$0x7EA] =	sst s26  }
0x1f: {  	s8 =	simm.s32 $0x1200;
	[smem:$0x7ED] =	sst s6  }
0x20: {  	s11 =	simm.s32 $0x1280;
	[smem:$0x7EE] =	sst s8  }
0x21: {  	s12 =	simm.s32 $0x1300;
	[smem:$0x7EF] =	sst s11  }
0x22: {  	s28 =	simm.s32 $0x1A00;
	s14 =	simm.s32 $0x1380;
	[smem:$0x7F0] =	sst s12  }
0x23: {  	s30 =	simm.s32 $0x7A00;
	s15 =	simm.s32 $0x1400;
	[smem:$0x7F1] =	sst s14  }
0x24: {  	p0 =	por $0x0, $0x0;
	s16 =	simm.s32 $0x1480;
	[smem:$0x7F2] =	sst s15  }
0x25: {  	s31 =	simm.s32 $0xBA00;
	s17 =	simm.s32 $0x1500;
	[smem:$0x7F3] =	sst s16  }
0x26: {  	s29 =	simm.s32 $0xC200;
	[smem:$0x7F4] =	sst s17;
	s19 =	simm.s32 $0x1600  }
0x27: {  	s0 =	ssub.s32 $0x2, s0;
	s20 =	simm.s32 $0x1680;
	[smem:$0x7F6] =	sst s19  }
0x28: {  	s10 =	simm.s32 $0xD00;
	s21 =	simm.s32 $0x1700;
	[smem:$0x7F7] =	sst s20  }
0x29: {  	s4 =	smul.u32 $0x1A0, s3;
	s22 =	simm.s32 $0x1780;
	[smem:$0x7F8] =	sst s21  }
0x2a: {  	s3 =	smul.u32 $0x1A00, s3;
	s23 =	simm.s32 $0x1800;
	[smem:$0x7F9] =	sst s22  }
0x2b: {  	s25 =	sshrl.u32 s0, $0x1;
	s24 =	simm.s32 $0x1880;
	[smem:$0x7FA] =	sst s23  }
0x2c: {  	s26 =	simm.s32 $0x1980;
	s0 =	ssub.s32 s0, s25;
	[smem:$0x7FB] =	sst s24  }
0x2d: {  	s25 =	simm.s32 $0x1900;
	[smem:$0x7FD] =	sst s26;
	s4 =	sadd.s32 s4, s1  }
0x2e: {  	s13 =	simm.s32 $0x2200;
	[smem:$0x7FC] =	sst s25;
	s5 =	sadd.s32 $0x179800, s4  }
0x2f: {  	s3 =	sadd.s32 s3, s1;
	s4 =	sadd.s32 $0x176400, s4;
	[dreg:$0x2] =	wrdreg s5  }
0x30: {  	s7 =	sadd.s32 $0x145600, s1;
	s18 =	sadd.s32 $0x1BDC00, s3;
	[dreg:$0x3] =	wrdreg s4  }
0x31: {  	s6 =	simm.s32 $0x80;
	s3 =	sadd.s32 $0x1F1C00, s3;
	[dreg:$0x4] =	wrdreg s18  }
0x32: {  	s12 =	simm.s32 $0x7200;
	[dreg:$0x5] =	wrdreg s3;
	s4 =	simm.s32 $0x500  }
0x33: {  	s15 =	simm.s32 $0x8A00;
	s5 =	simm.s32 $0x580;
	[dreg:$0xe] =	wrdreg s4  }
0x34: {  	s9 =	smax.u32 s0, $0x1;
	s18 =	simm.s32 $0xC00;
	[dreg:$0xf] =	wrdreg s5  }
0x35: {  	s17 =	simm.s32 $0xA200;
	p1 =	sne.s32 s9, $0x1;
	[dreg:$0x1c] =	wrdreg s18  }
.Ltmp0:
0x36: {  	s4 =	simm.s32 $0x1080;
	s11 =	rddreg [dreg:$0x2];
	(pc) =	sbr.rel @!p1 .LBB2_5-.Ltmp0, $4  }
0x37: {  	s14 =	simm.s32 $0x1;
	s5 =	simm.s32 $0x1100;
	[smem:$0x7EB] =	sst s4  }
0x38: {  	s0 =	simm.s32 $0x9200;
	s18 =	simm.s32 $0x1580;
	[smem:$0x7EC] =	sst s5  }
0x39: {  	s3 =	sadd.s32 $0x114800, s1;
	s4 =	simm.s32 $0x2;
	[smem:$0x7F5] =	sst s18  }
0x3a: {  	s18 =	sadd.s32 $0xFFFFFFFF, s9;
	s9 =	simm.s32 $0xAA00;
	s5 =	simm.s32 $0xB200  }
0x3b: {  	[tilespmem:s2], [sflag:$0x2] =	stream.linear.gather [hbm4b:s11+s2], $0xD00, $0x38;
	[tilespmem:$0xEA00] =	vst v63  }
0x3c: {  	_ =	swait.ge [sflag:s4], $0xD00  }
0x3d: {  	[sflag:s4] =	ssyncset.done $0x0  }
0x3e: {  	s1 =	rddreg [dreg:$0x3];
	[sflag:s4] =	ssyncadd.s32 $0xFFFFF300  }
0x3f: {  	[tilespmem:s10], [sflag:$0x2] =	stream.linear.gather [hbm4b:s1+s2], $0xD00, $0x38;
	[tilespmem:$0xEA00] =	vst v63  }
0x40: {  	_ =	swait.ge [sflag:s4], $0xD00  }
0x41: {  	[sflag:s4] =	ssyncset.done $0x0  }
0x42: {  	[sflag:s4] =	ssyncadd.s32 $0xFFFFF300  }
0x43: {  	[tilespmem:s28], [sflag:$0x1] =	stream.indirect.gather [hbm4b:s7+s6], $0x10, s2, s6, $0xb8;
	[tilespmem:$0xEA00] =	vst v63  }
0x44: {  	_ = 	snop  }
0x45: {  	[tilespmem:s13], [sflag:$0x1] =	stream.indirect.gather [hbm4b:s7+s6], $0x10, s6, s6, $0xb8;
	[tilespmem:$0xEA00] =	vst v63  }
0x46: {  	s20 =	simm.s32 $0x2A00;
	s2 =	rddreg [dreg:$0x6]  }
0x47: {  	[tilespmem:s20], [sflag:$0x1] =	stream.indirect.gather [hbm4b:s7+s6], $0x10, s2, s6, $0xb8;
	[tilespmem:$0xEA00] =	vst v63  }
0x48: {  	s21 =	simm.s32 $0x3200;
	s8 =	rddreg [dreg:$0x7]  }
0x49: {  	[tilespmem:s21], [sflag:$0x1] =	stream.indirect.gather [hbm4b:s7+s6], $0x10, s8, s6, $0xb8;
	[tilespmem:$0xEA00] =	vst v63  }
0x4a: {  	s22 =	simm.s32 $0x3A00;
	s13 =	rddreg [dreg:$0x8]  }
0x4b: {  	[tilespmem:s22], [sflag:$0x1] =	stream.indirect.gather [hbm4b:s7+s6], $0x10, s13, s6, $0xb8;
	[tilespmem:$0xEA00] =	vst v63  }
0x4c: {  	s25 =	simm.s32 $0x4200;
	s16 =	rddreg [dreg:$0x9]  }
0x4d: {  	[tilespmem:s25], [sflag:$0x1] =	stream.indirect.gather [hbm4b:s7+s6], $0x10, s16, s6, $0xb8;
	[tilespmem:$0xEA00] =	vst v63  }
0x4e: {  	s19 =	rddreg [dreg:$0xa];
	s8 =	simm.s32 $0x4A00  }
0x4f: {  	[tilespmem:s8], [sflag:$0x1] =	stream.indirect.gather [hbm4b:s7+s6], $0x10, s19, s6, $0xb8;
	[tilespmem:$0xEA00] =	vst v63  }
0x50: {  	s23 =	rddreg [dreg:$0xb];
	s16 =	simm.s32 $0x5200  }
0x51: {  	[tilespmem:s16], [sflag:$0x1] =	stream.indirect.gather [hbm4b:s7+s6], $0x10, s23, s6, $0xb8;
	[tilespmem:$0xEA00] =	vst v63  }
0x52: {  	s24 =	rddreg [dreg:$0xc];
	s23 =	simm.s32 $0x5A00  }
0x53: {  	[tilespmem:s23], [sflag:$0x1] =	stream.indirect.gather [hbm4b:s7+s6], $0x10, s24, s6, $0xb8;
	[tilespmem:$0xEA00] =	vst v63  }
0x54: {  	s26 =	rddreg [dreg:$0xd];
	s24 =	simm.s32 $0x6200  }
0x55: {  	[tilespmem:s24], [sflag:$0x1] =	stream.indirect.gather [hbm4b:s7+s6], $0x10, s26, s6, $0xb8;
	[tilespmem:$0xEA00] =	vst v63  }
0x56: {  	s1 =	rddreg [dreg:$0xe];
	s26 =	simm.s32 $0x6A00  }
0x57: {  	[tilespmem:s26], [sflag:$0x1] =	stream.indirect.gather [hbm4b:s7+s6], $0x10, s1, s6, $0xb8;
	[tilespmem:$0xEA00] =	vst v63  }
0x58: {  	s2 =	rddreg [dreg:$0xf]  }
0x59: {  	[tilespmem:s12], [sflag:$0x1] =	stream.indirect.gather [hbm4b:s7+s6], $0x10, s2, s6, $0xb8;
	[tilespmem:$0xEA00] =	vst v63  }
0x5a: {  	s13 =	rddreg [dreg:$0x10]  }
0x5b: {  	[tilespmem:s30], [sflag:$0x1] =	stream.indirect.gather [hbm4b:s7+s6], $0x10, s13, s6, $0xb8;
	[tilespmem:$0xEA00] =	vst v63  }
0x5c: {  	s19 =	rddreg [dreg:$0x11];
	s1 =	simm.s32 $0x8200  }
0x5d: {  	[tilespmem:s1], [sflag:$0x1] =	stream.indirect.gather [hbm4b:s7+s6], $0x10, s19, s6, $0xb8;
	[tilespmem:$0xEA00] =	vst v63  }
0x5e: {  	s2 =	rddreg [dreg:$0x12]  }
0x5f: {  	[tilespmem:s15], [sflag:$0x1] =	stream.indirect.gather [hbm4b:s7+s6], $0x10, s2, s6, $0xb8;
	[tilespmem:$0xEA00] =	vst v63  }
0x60: {  	s13 =	rddreg [dreg:$0x13]  }
0x61: {  	[tilespmem:s0], [sflag:$0x1] =	stream.indirect.gather [hbm4b:s7+s6], $0x10, s13, s6, $0xb8;
	[tilespmem:$0xEA00] =	vst v63  }
0x62: {  	s15 =	rddreg [dreg:$0x14];
	s13 =	simm.s32 $0x9A00  }
0x63: {  	[tilespmem:s13], [sflag:$0x1] =	stream.indirect.gather [hbm4b:s7+s6], $0x10, s15, s6, $0xb8;
	[tilespmem:$0xEA00] =	vst v63  }
0x64: {  	s19 =	rddreg [dreg:$0x15]  }
0x65: {  	[tilespmem:s17], [sflag:$0x1] =	stream.indirect.gather [hbm4b:s7+s6], $0x10, s19, s6, $0xb8;
	[tilespmem:$0xEA00] =	vst v63  }
0x66: {  	s0 =	rddreg [dreg:$0x16]  }
0x67: {  	[tilespmem:s9], [sflag:$0x1] =	stream.indirect.gather [hbm4b:s7+s6], $0x10, s0, s6, $0xb8;
	[tilespmem:$0xEA00] =	vst v63  }
0x68: {  	s2 =	rddreg [dreg:$0x17]  }
0x69: {  	[tilespmem:s5], [sflag:$0x1] =	stream.indirect.gather [hbm4b:s7+s6], $0x10, s2, s6, $0xb8;
	[tilespmem:$0xEA00] =	vst v63  }
0x6a: {  	s15 =	rddreg [dreg:$0x18]  }
0x6b: {  	[tilespmem:s31], [sflag:$0x1] =	stream.indirect.gather [hbm4b:s7+s6], $0x10, s15, s6, $0xb8;
	[tilespmem:$0xEA00] =	vst v63  }
0x6c: {  	s17 =	rddreg [dreg:$0x19]  }
0x6d: {  	[tilespmem:s29], [sflag:$0x1] =	stream.indirect.gather [hbm4b:s7+s6], $0x10, s17, s6, $0xb8;
	[tilespmem:$0xEA00] =	vst v63  }
0x6e: {  	s19 =	rddreg [dreg:$0x1a];
	s15 =	simm.s32 $0xCA00  }
0x6f: {  	[tilespmem:s15], [sflag:$0x1] =	stream.indirect.gather [hbm4b:s7+s6], $0x10, s19, s6, $0xb8;
	[tilespmem:$0xEA00] =	vst v63  }
0x70: {  	s0 =	rddreg [dreg:$0x1b];
	s5 =	simm.s32 $0xD200  }
0x71: {  	[tilespmem:s5], [sflag:$0x1] =	stream.indirect.gather [hbm4b:s7+s6], $0x10, s0, s6, $0xb8;
	[tilespmem:$0xEA00] =	vst v63  }
0x72: {  	s2 =	rddreg [dreg:$0x1c];
	s0 =	simm.s32 $0xDA00  }
0x73: {  	[tilespmem:s0], [sflag:$0x1] =	stream.indirect.gather [hbm4b:s7+s6], $0x10, s2, s6, $0xb8;
	[tilespmem:$0xEA00] =	vst v63  }
0x74: {  	s17 =	rddreg [dreg:$0x1d];
	s2 =	simm.s32 $0xE200  }
0x75: {  	[tilespmem:s2], [sflag:$0x1] =	stream.indirect.gather [hbm4b:s7+s6], $0x10, s17, s6, $0xb8;
	[tilespmem:$0xEA00] =	vst v63  }
0x76: {  	_ =	swait.ge [sflag:s14], $0xD000  }
0x77: {  	[sflag:s14] =	ssyncset.done $0x0  }
0x78: {  	s11 =	simm.s32 $0x0;
	s17 =	rddreg [dreg:$0x4];
	[sflag:s14] =	ssyncadd.s32 $0xFFFF3000  }
0x79: {  	[hbm4b:s17+s11] =	stream.linear.scatter [tilespmem:s28], [sflag:$0x2], $0xD000, $0x38;
	[tilespmem:$0xEA00] =	vst v63  }
0x7a: {  	_ =	swait.ge [sflag:s4], $0xD000  }
0x7b: {  	[sflag:s4] =	ssyncset.done $0x0  }
0x7c: {  	s17 =	simm.s32 $0xD00;
	s10 =	rddreg [dreg:$0x1e];
	[sflag:s4] =	ssyncadd.s32 $0xFFFF3000  }
0x7d: {  	[tilespmem:s28], [sflag:$0x1] =	stream.indirect.gather [hbm4b:s3+s6], $0x10, s17, s6, $0xb8;
	[tilespmem:$0xEA00] =	vst v63  }
0x7e: {  	s11 =	rddreg [dreg:$0x1f];
	s17 =	simm.s32 $0x2200  }
0x7f: {  	[tilespmem:s17], [sflag:$0x1] =	stream.indirect.gather [hbm4b:s3+s6], $0x10, s10, s6, $0xb8;
	[tilespmem:$0xEA00] =	vst v63  }
0x80: {  	s17 =	sld [smem:$0x7E7]  }
0x81: {  	[tilespmem:s20], [sflag:$0x1] =	stream.indirect.gather [hbm4b:s3+s6], $0x10, s11, s6, $0xb8;
	[tilespmem:$0xEA00] =	vst v63  }
0x82: {  	s20 =	sld [smem:$0x7E8]  }
0x83: {  	[tilespmem:s21], [sflag:$0x1] =	stream.indirect.gather [hbm4b:s3+s6], $0x10, s17, s6, $0xb8;
	[tilespmem:$0xEA00] =	vst v63  }
0x84: {  	s21 =	sld [smem:$0x7E9]  }
0x85: {  	[tilespmem:s22], [sflag:$0x1] =	stream.indirect.gather [hbm4b:s3+s6], $0x10, s20, s6, $0xb8;
	[tilespmem:$0xEA00] =	vst v63  }
0x86: {  	s17 =	sld [smem:$0x7EA]  }
0x87: {  	[tilespmem:s25], [sflag:$0x1] =	stream.indirect.gather [hbm4b:s3+s6], $0x10, s21, s6, $0xb8;
	[tilespmem:$0xEA00] =	vst v63  }
0x88: {  	s20 =	sld [smem:$0x7EB]  }
0x89: {  	[tilespmem:s8], [sflag:$0x1] =	stream.indirect.gather [hbm4b:s3+s6], $0x10, s17, s6, $0xb8;
	[tilespmem:$0xEA00] =	vst v63  }
0x8a: {  	s21 =	sld [smem:$0x7EC]  }
0x8b: {  	[tilespmem:s16], [sflag:$0x1] =	stream.indirect.gather [hbm4b:s3+s6], $0x10, s20, s6, $0xb8;
	[tilespmem:$0xEA00] =	vst v63  }
0x8c: {  	s22 =	sld [smem:$0x7ED]  }
0x8d: {  	[tilespmem:s23], [sflag:$0x1] =	stream.indirect.gather [hbm4b:s3+s6], $0x10, s21, s6, $0xb8;
	[tilespmem:$0xEA00] =	vst v63  }
0x8e: {  	s23 =	sld [smem:$0x7EE]  }
0x8f: {  	[tilespmem:s24], [sflag:$0x1] =	stream.indirect.gather [hbm4b:s3+s6], $0x10, s22, s6, $0xb8;
	[tilespmem:$0xEA00] =	vst v63  }
0x90: {  	s24 =	sld [smem:$0x7EF]  }
0x91: {  	[tilespmem:s26], [sflag:$0x1] =	stream.indirect.gather [hbm4b:s3+s6], $0x10, s23, s6, $0xb8;
	[tilespmem:$0xEA00] =	vst v63  }
0x92: {  	s25 =	sld [smem:$0x7F0]  }
0x93: {  	[tilespmem:s12], [sflag:$0x1] =	stream.indirect.gather [hbm4b:s3+s6], $0x10, s24, s6, $0xb8;
	[tilespmem:$0xEA00] =	vst v63  }
0x94: {  	s26 =	sld [smem:$0x7F1]  }
0x95: {  	[tilespmem:s30], [sflag:$0x1] =	stream.indirect.gather [hbm4b:s3+s6], $0x10, s25, s6, $0xb8;
	[tilespmem:$0xEA00] =	vst v63  }
0x96: {  	s30 =	sld [smem:$0x7F2]  }
0x97: {  	[tilespmem:s1], [sflag:$0x1] =	stream.indirect.gather [hbm4b:s3+s6], $0x10, s26, s6, $0xb8;
	[tilespmem:$0xEA00] =	vst v63  }
0x98: {  	s9 =	simm.s32 $0x8A00;
	s8 =	sld [smem:$0x7F3]  }
0x99: {  	[tilespmem:s9], [sflag:$0x1] =	stream.indirect.gather [hbm4b:s3+s6], $0x10, s30, s6, $0xb8;
	[tilespmem:$0xEA00] =	vst v63  }
0x9a: {  	s19 =	simm.s32 $0x9200;
	s12 =	sld [smem:$0x7F4]  }
0x9b: {  	[tilespmem:s19], [sflag:$0x1] =	stream.indirect.gather [hbm4b:s3+s6], $0x10, s8, s6, $0xb8;
	[tilespmem:$0xEA00] =	vst v63  }
0x9c: {  	s16 =	sld [smem:$0x7F5]  }
0x9d: {  	[tilespmem:s13], [sflag:$0x1] =	stream.indirect.gather [hbm4b:s3+s6], $0x10, s12, s6, $0xb8;
	[tilespmem:$0xEA00] =	vst v63  }
0x9e: {  	s17 =	sld [smem:$0x7F6];
	s19 =	simm.s32 $0xA200  }
0x9f: {  	[tilespmem:s19], [sflag:$0x1] =	stream.indirect.gather [hbm4b:s3+s6], $0x10, s16, s6, $0xb8;
	[tilespmem:$0xEA00] =	vst v63  }
0xa0: {  	s20 =	sld [smem:$0x7F7];
	s21 =	simm.s32 $0xAA00  }
0xa1: {  	[tilespmem:s21], [sflag:$0x1] =	stream.indirect.gather [hbm4b:s3+s6], $0x10, s17, s6, $0xb8;
	[tilespmem:$0xEA00] =	vst v63  }
0xa2: {  	s22 =	sld [smem:$0x7F8];
	s23 =	simm.s32 $0xB200  }
0xa3: {  	[tilespmem:s23], [sflag:$0x1] =	stream.indirect.gather [hbm4b:s3+s6], $0x10, s20, s6, $0xb8;
	[tilespmem:$0xEA00] =	vst v63  }
0xa4: {  	s24 =	sld [smem:$0x7F9]  }
0xa5: {  	[tilespmem:s31], [sflag:$0x1] =	stream.indirect.gather [hbm4b:s3+s6], $0x10, s22, s6, $0xb8;
	[tilespmem:$0xEA00] =	vst v63  }
0xa6: {  	s25 =	sld [smem:$0x7FA]  }
0xa7: {  	[tilespmem:s29], [sflag:$0x1] =	stream.indirect.gather [hbm4b:s3+s6], $0x10, s24, s6, $0xb8;
	[tilespmem:$0xEA00] =	vst v63  }
0xa8: {  	s26 =	sld [smem:$0x7FB]  }
0xa9: {  	[tilespmem:s15], [sflag:$0x1] =	stream.indirect.gather [hbm4b:s3+s6], $0x10, s25, s6, $0xb8;
	[tilespmem:$0xEA00] =	vst v63  }
0xaa: {  	s29 =	sld [smem:$0x7FC]  }
0xab: {  	[tilespmem:s5], [sflag:$0x1] =	stream.indirect.gather [hbm4b:s3+s6], $0x10, s26, s6, $0xb8;
	[tilespmem:$0xEA00] =	vst v63  }
0xac: {  	s30 =	sld [smem:$0x7FD]  }
0xad: {  	[tilespmem:s0], [sflag:$0x1] =	stream.indirect.gather [hbm4b:s3+s6], $0x10, s29, s6, $0xb8;
	[tilespmem:$0xEA00] =	vst v63  }
0xae: {  	_ = 	snop  }
0xaf: {  	[tilespmem:s2], [sflag:$0x1] =	stream.indirect.gather [hbm4b:s3+s6], $0x10, s30, s6, $0xb8;
	[tilespmem:$0xEA00] =	vst v63  }
0xb0: {  	p1 =	sne.s32 s18, $0x1;
	_ =	swait.ge [sflag:s14], $0xD000  }
.Ltmp1:
0xb1: {  	[sflag:s14] =	ssyncset.done $0x0;
	(pc) =	sbr.rel @!p1 .LBB2_6-.Ltmp1, $4  }
0xb2: {  	s2 =	simm.s32 $0x0;
	s31 =	rddreg [dreg:$0x5];
	[sflag:s14] =	ssyncadd.s32 $0xFFFF3000  }
0xb3: {  	[hbm4b:s31+s2] =	stream.linear.scatter [tilespmem:s28], [sflag:$0x2], $0xD000, $0x38;
	[tilespmem:$0xEA00] =	vst v63  }
0xb4: {  	p0 =	por $0x1, $0x1;
	_ =	swait.ge [sflag:s4], $0xD000  }
0xb5: {  	s10 =	sadd.s32 $0xFFFFFFFF, s18;
	s11 =	rddreg [dreg:$0x2];
	[sflag:s4] =	ssyncset.done $0x0  }
0xb6: {  	s21 =	simm.s32 $0x2A00  }
0xb7: {  	s22 =	simm.s32 $0x3200;
	s25 =	simm.s32 $0x3A00;
	s29 =	simm.s32 $0x1A00  }
0xb8: {  	s8 =	simm.s32 $0x4A00;
	s16 =	simm.s32 $0x5200;
	s23 =	simm.s32 $0x5A00  }
0xb9: {  	s24 =	simm.s32 $0x6200;
	s26 =	simm.s32 $0x6A00;
	s19 =	simm.s32 $0x8A00  }
0xba: {  	s17 =	simm.s32 $0x9200;
	s13 =	simm.s32 $0x9A00;
	s20 =	simm.s32 $0xAA00  }
0xbb: {  	s18 =	simm.s32 $0xB200;
	s9 =	simm.s32 $0xBA00;
	s15 =	simm.s32 $0xCA00  }
0xbc: {  	s5 =	simm.s32 $0xD200;
	s30 =	simm.s32 $0xDA00;
	s31 =	simm.s32 $0x0  }
.LBB2_3:
0xbd: {  	[sflag:s4] =	ssyncadd.s32 $0xFFFF3000  }
0xbe: {  	[tilespmem:s2], [sflag:$0x2] =	stream.linear.gather [hbm4b:s11+s2], $0xD00, $0x38;
	[tilespmem:$0xEA00] =	vst v63  }
0xbf: {  	_ =	swait.ge [sflag:s4], $0xD00  }
0xc0: {  	[sflag:s4] =	ssyncset.done $0x0  }
0xc1: {  	s0 =	simm.s32 $0xD00;
	s12 =	rddreg [dreg:$0x3];
	[sflag:s4] =	ssyncadd.s32 $0xFFFFF300  }
0xc2: {  	[tilespmem:s0], [sflag:$0x2] =	stream.linear.gather [hbm4b:s12+s2], $0xD00, $0x38;
	[tilespmem:$0xEA00] =	vst v63  }
0xc3: {  	_ =	swait.ge [sflag:s4], $0xD00  }
0xc4: {  	[sflag:s4] =	ssyncset.done $0x0  }
0xc5: {  	[sflag:s4] =	ssyncadd.s32 $0xFFFFF300  }
0xc6: {  	[tilespmem:s28], [sflag:$0x1] =	stream.indirect.gather [hbm4b:s7+s6], $0x10, s2, s6, $0xb8;
	[tilespmem:$0xEA00] =	vst v63  }
0xc7: {  	s0 =	simm.s32 $0x2200  }
0xc8: {  	[tilespmem:s0], [sflag:$0x1] =	stream.indirect.gather [hbm4b:s7+s6], $0x10, s6, s6, $0xb8;
	[tilespmem:$0xEA00] =	vst v63  }
0xc9: {  	s14 =	rddreg [dreg:$0x6]  }
0xca: {  	[tilespmem:s21], [sflag:$0x1] =	stream.indirect.gather [hbm4b:s7+s6], $0x10, s14, s6, $0xb8;
	[tilespmem:$0xEA00] =	vst v63  }
0xcb: {  	s12 =	rddreg [dreg:$0x7]  }
0xcc: {  	[tilespmem:s22], [sflag:$0x1] =	stream.indirect.gather [hbm4b:s7+s6], $0x10, s12, s6, $0xb8;
	[tilespmem:$0xEA00] =	vst v63  }
0xcd: {  	s1 =	rddreg [dreg:$0x8]  }
0xce: {  	[tilespmem:s25], [sflag:$0x1] =	stream.indirect.gather [hbm4b:s7+s6], $0x10, s1, s6, $0xb8;
	[tilespmem:$0xEA00] =	vst v63  }
0xcf: {  	s2 =	rddreg [dreg:$0x9];
	s28 =	simm.s32 $0x4200  }
0xd0: {  	[tilespmem:s28], [sflag:$0x1] =	stream.indirect.gather [hbm4b:s7+s6], $0x10, s2, s6, $0xb8;
	[tilespmem:$0xEA00] =	vst v63  }
0xd1: {  	s4 =	rddreg [dreg:$0xa]  }
0xd2: {  	[tilespmem:s8], [sflag:$0x1] =	stream.indirect.gather [hbm4b:s7+s6], $0x10, s4, s6, $0xb8;
	[tilespmem:$0xEA00] =	vst v63  }
0xd3: {  	s14 =	rddreg [dreg:$0xb]  }
0xd4: {  	[tilespmem:s16], [sflag:$0x1] =	stream.indirect.gather [hbm4b:s7+s6], $0x10, s14, s6, $0xb8;
	[tilespmem:$0xEA00] =	vst v63  }
0xd5: {  	s1 =	rddreg [dreg:$0xc]  }
0xd6: {  	[tilespmem:s23], [sflag:$0x1] =	stream.indirect.gather [hbm4b:s7+s6], $0x10, s1, s6, $0xb8;
	[tilespmem:$0xEA00] =	vst v63  }
0xd7: {  	s2 =	rddreg [dreg:$0xd]  }
0xd8: {  	[tilespmem:s24], [sflag:$0x1] =	stream.indirect.gather [hbm4b:s7+s6], $0x10, s2, s6, $0xb8;
	[tilespmem:$0xEA00] =	vst v63  }
0xd9: {  	s4 =	rddreg [dreg:$0xe]  }
0xda: {  	[tilespmem:s26], [sflag:$0x1] =	stream.indirect.gather [hbm4b:s7+s6], $0x10, s4, s6, $0xb8;
	[tilespmem:$0xEA00] =	vst v63  }
0xdb: {  	s14 =	rddreg [dreg:$0xf];
	s1 =	simm.s32 $0x7200  }
0xdc: {  	[tilespmem:s1], [sflag:$0x1] =	stream.indirect.gather [hbm4b:s7+s6], $0x10, s14, s6, $0xb8;
	[tilespmem:$0xEA00] =	vst v63  }
0xdd: {  	s2 =	rddreg [dreg:$0x10];
	s14 =	simm.s32 $0x7A00  }
0xde: {  	[tilespmem:s14], [sflag:$0x1] =	stream.indirect.gather [hbm4b:s7+s6], $0x10, s2, s6, $0xb8;
	[tilespmem:$0xEA00] =	vst v63  }
0xdf: {  	s4 =	rddreg [dreg:$0x11];
	s1 =	simm.s32 $0x8200  }
0xe0: {  	[tilespmem:s1], [sflag:$0x1] =	stream.indirect.gather [hbm4b:s7+s6], $0x10, s4, s6, $0xb8;
	[tilespmem:$0xEA00] =	vst v63  }
0xe1: {  	s2 =	rddreg [dreg:$0x12]  }
0xe2: {  	[tilespmem:s19], [sflag:$0x1] =	stream.indirect.gather [hbm4b:s7+s6], $0x10, s2, s6, $0xb8;
	[tilespmem:$0xEA00] =	vst v63  }
0xe3: {  	s4 =	rddreg [dreg:$0x13]  }
0xe4: {  	[tilespmem:s17], [sflag:$0x1] =	stream.indirect.gather [hbm4b:s7+s6], $0x10, s4, s6, $0xb8;
	[tilespmem:$0xEA00] =	vst v63  }
0xe5: {  	s14 =	rddreg [dreg:$0x14]  }
0xe6: {  	[tilespmem:s13], [sflag:$0x1] =	stream.indirect.gather [hbm4b:s7+s6], $0x10, s14, s6, $0xb8;
	[tilespmem:$0xEA00] =	vst v63  }
0xe7: {  	s12 =	rddreg [dreg:$0x15];
	s14 =	simm.s32 $0xA200  }
0xe8: {  	[tilespmem:s14], [sflag:$0x1] =	stream.indirect.gather [hbm4b:s7+s6], $0x10, s12, s6, $0xb8;
	[tilespmem:$0xEA00] =	vst v63  }
0xe9: {  	s2 =	rddreg [dreg:$0x16]  }
0xea: {  	[tilespmem:s20], [sflag:$0x1] =	stream.indirect.gather [hbm4b:s7+s6], $0x10, s2, s6, $0xb8;
	[tilespmem:$0xEA00] =	vst v63  }
0xeb: {  	s12 =	rddreg [dreg:$0x17]  }
0xec: {  	[tilespmem:s18], [sflag:$0x1] =	stream.indirect.gather [hbm4b:s7+s6], $0x10, s12, s6, $0xb8;
	[tilespmem:$0xEA00] =	vst v63  }
0xed: {  	s2 =	rddreg [dreg:$0x18]  }
0xee: {  	[tilespmem:s9], [sflag:$0x1] =	stream.indirect.gather [hbm4b:s7+s6], $0x10, s2, s6, $0xb8;
	[tilespmem:$0xEA00] =	vst v63  }
0xef: {  	s12 =	rddreg [dreg:$0x19];
	s2 =	simm.s32 $0xC200  }
0xf0: {  	[tilespmem:s2], [sflag:$0x1] =	stream.indirect.gather [hbm4b:s7+s6], $0x10, s12, s6, $0xb8;
	[tilespmem:$0xEA00] =	vst v63  }
0xf1: {  	s11 =	rddreg [dreg:$0x1a]  }
0xf2: {  	[tilespmem:s15], [sflag:$0x1] =	stream.indirect.gather [hbm4b:s7+s6], $0x10, s11, s6, $0xb8;
	[tilespmem:$0xEA00] =	vst v63  }
0xf3: {  	s12 =	rddreg [dreg:$0x1b]  }
0xf4: {  	[tilespmem:s5], [sflag:$0x1] =	stream.indirect.gather [hbm4b:s7+s6], $0x10, s12, s6, $0xb8;
	[tilespmem:$0xEA00] =	vst v63  }
0xf5: {  	s2 =	rddreg [dreg:$0x1c]  }
0xf6: {  	[tilespmem:s30], [sflag:$0x1] =	stream.indirect.gather [hbm4b:s7+s6], $0x10, s2, s6, $0xb8;
	[tilespmem:$0xEA00] =	vst v63  }
0xf7: {  	s4 =	simm.s32 $0x1;
	s12 =	rddreg [dreg:$0x1d];
	s2 =	simm.s32 $0xE200  }
0xf8: {  	[tilespmem:s2], [sflag:$0x1] =	stream.indirect.gather [hbm4b:s7+s6], $0x10, s12, s6, $0xb8;
	[tilespmem:$0xEA00] =	vst v63  }
0xf9: {  	_ =	swait.ge [sflag:s4], $0xD000  }
0xfa: {  	[sflag:s4] =	ssyncset.done $0x0  }
0xfb: {  	s12 =	rddreg [dreg:$0x4];
	[sflag:s4] =	ssyncadd.s32 $0xFFFF3000;
	s4 =	simm.s32 $0x2  }
0xfc: {  	[hbm4b:s12+s31] =	stream.linear.scatter [tilespmem:s29], [sflag:$0x2], $0xD000, $0x38;
	[tilespmem:$0xEA00] =	vst v63  }
0xfd: {  	_ =	swait.ge [sflag:s4], $0xD000  }
0xfe: {  	[sflag:s4] =	ssyncset.done $0x0  }
0xff: {  	s12 =	simm.s32 $0xD00;
	s11 =	rddreg [dreg:$0x1e];
	[sflag:s4] =	ssyncadd.s32 $0xFFFF3000  }
0x100: {  	[tilespmem:s29], [sflag:$0x1] =	stream.indirect.gather [hbm4b:s3+s6], $0x10, s12, s6, $0xb8;
	[tilespmem:$0xEA00] =	vst v63  }
0x101: {  	s12 =	rddreg [dreg:$0x1f]  }
0x102: {  	[tilespmem:s0], [sflag:$0x1] =	stream.indirect.gather [hbm4b:s3+s6], $0x10, s11, s6, $0xb8;
	[tilespmem:$0xEA00] =	vst v63  }
0x103: {  	s11 =	sld [smem:$0x7E7]  }
0x104: {  	[tilespmem:s21], [sflag:$0x1] =	stream.indirect.gather [hbm4b:s3+s6], $0x10, s12, s6, $0xb8;
	[tilespmem:$0xEA00] =	vst v63  }
0x105: {  	s0 =	sld [smem:$0x7E8]  }
0x106: {  	[tilespmem:s22], [sflag:$0x1] =	stream.indirect.gather [hbm4b:s3+s6], $0x10, s11, s6, $0xb8;
	[tilespmem:$0xEA00] =	vst v63  }
0x107: {  	s11 =	sld [smem:$0x7E9]  }
0x108: {  	[tilespmem:s25], [sflag:$0x1] =	stream.indirect.gather [hbm4b:s3+s6], $0x10, s0, s6, $0xb8;
	[tilespmem:$0xEA00] =	vst v63  }
0x109: {  	s0 =	sld [smem:$0x7EA]  }
0x10a: {  	[tilespmem:s28], [sflag:$0x1] =	stream.indirect.gather [hbm4b:s3+s6], $0x10, s11, s6, $0xb8;
	[tilespmem:$0xEA00] =	vst v63  }
0x10b: {  	s11 =	sld [smem:$0x7EB]  }
0x10c: {  	[tilespmem:s8], [sflag:$0x1] =	stream.indirect.gather [hbm4b:s3+s6], $0x10, s0, s6, $0xb8;
	[tilespmem:$0xEA00] =	vst v63  }
0x10d: {  	s0 =	sld [smem:$0x7EC]  }
0x10e: {  	[tilespmem:s16], [sflag:$0x1] =	stream.indirect.gather [hbm4b:s3+s6], $0x10, s11, s6, $0xb8;
	[tilespmem:$0xEA00] =	vst v63  }
0x10f: {  	s11 =	sld [smem:$0x7ED]  }
0x110: {  	[tilespmem:s23], [sflag:$0x1] =	stream.indirect.gather [hbm4b:s3+s6], $0x10, s0, s6, $0xb8;
	[tilespmem:$0xEA00] =	vst v63  }
0x111: {  	s0 =	sld [smem:$0x7EE]  }
0x112: {  	[tilespmem:s24], [sflag:$0x1] =	stream.indirect.gather [hbm4b:s3+s6], $0x10, s11, s6, $0xb8;
	[tilespmem:$0xEA00] =	vst v63  }
0x113: {  	s11 =	sld [smem:$0x7EF]  }
0x114: {  	[tilespmem:s26], [sflag:$0x1] =	stream.indirect.gather [hbm4b:s3+s6], $0x10, s0, s6, $0xb8;
	[tilespmem:$0xEA00] =	vst v63  }
0x115: {  	s12 =	sld [smem:$0x7F0];
	s0 =	simm.s32 $0x7200  }
0x116: {  	[tilespmem:s0], [sflag:$0x1] =	stream.indirect.gather [hbm4b:s3+s6], $0x10, s11, s6, $0xb8;
	[tilespmem:$0xEA00] =	vst v63  }
0x117: {  	s11 =	sld [smem:$0x7F1];
	s0 =	simm.s32 $0x7A00  }
0x118: {  	[tilespmem:s0], [sflag:$0x1] =	stream.indirect.gather [hbm4b:s3+s6], $0x10, s12, s6, $0xb8;
	[tilespmem:$0xEA00] =	vst v63  }
0x119: {  	s12 =	sld [smem:$0x7F2]  }
0x11a: {  	[tilespmem:s1], [sflag:$0x1] =	stream.indirect.gather [hbm4b:s3+s6], $0x10, s11, s6, $0xb8;
	[tilespmem:$0xEA00] =	vst v63  }
0x11b: {  	s0 =	sld [smem:$0x7F3]  }
0x11c: {  	[tilespmem:s19], [sflag:$0x1] =	stream.indirect.gather [hbm4b:s3+s6], $0x10, s12, s6, $0xb8;
	[tilespmem:$0xEA00] =	vst v63  }
0x11d: {  	s1 =	sld [smem:$0x7F4]  }
0x11e: {  	[tilespmem:s17], [sflag:$0x1] =	stream.indirect.gather [hbm4b:s3+s6], $0x10, s0, s6, $0xb8;
	[tilespmem:$0xEA00] =	vst v63  }
0x11f: {  	s0 =	sld [smem:$0x7F5]  }
0x120: {  	[tilespmem:s13], [sflag:$0x1] =	stream.indirect.gather [hbm4b:s3+s6], $0x10, s1, s6, $0xb8;
	[tilespmem:$0xEA00] =	vst v63  }
0x121: {  	s1 =	sld [smem:$0x7F6]  }
0x122: {  	[tilespmem:s14], [sflag:$0x1] =	stream.indirect.gather [hbm4b:s3+s6], $0x10, s0, s6, $0xb8;
	[tilespmem:$0xEA00] =	vst v63  }
0x123: {  	s0 =	sld [smem:$0x7F7]  }
0x124: {  	[tilespmem:s20], [sflag:$0x1] =	stream.indirect.gather [hbm4b:s3+s6], $0x10, s1, s6, $0xb8;
	[tilespmem:$0xEA00] =	vst v63  }
0x125: {  	s1 =	sld [smem:$0x7F8]  }
0x126: {  	[tilespmem:s18], [sflag:$0x1] =	stream.indirect.gather [hbm4b:s3+s6], $0x10, s0, s6, $0xb8;
	[tilespmem:$0xEA00] =	vst v63  }
0x127: {  	s0 =	sld [smem:$0x7F9]  }
0x128: {  	[tilespmem:s9], [sflag:$0x1] =	stream.indirect.gather [hbm4b:s3+s6], $0x10, s1, s6, $0xb8;
	[tilespmem:$0xEA00] =	vst v63  }
0x129: {  	s12 =	sld [smem:$0x7FA];
	s1 =	simm.s32 $0xC200  }
0x12a: {  	[tilespmem:s1], [sflag:$0x1] =	stream.indirect.gather [hbm4b:s3+s6], $0x10, s0, s6, $0xb8;
	[tilespmem:$0xEA00] =	vst v63  }
0x12b: {  	s1 =	sld [smem:$0x7FB]  }
0x12c: {  	[tilespmem:s15], [sflag:$0x1] =	stream.indirect.gather [hbm4b:s3+s6], $0x10, s12, s6, $0xb8;
	[tilespmem:$0xEA00] =	vst v63  }
0x12d: {  	s0 =	sld [smem:$0x7FC]  }
0x12e: {  	[tilespmem:s5], [sflag:$0x1] =	stream.indirect.gather [hbm4b:s3+s6], $0x10, s1, s6, $0xb8;
	[tilespmem:$0xEA00] =	vst v63  }
0x12f: {  	s1 =	sld [smem:$0x7FD]  }
0x130: {  	[tilespmem:s30], [sflag:$0x1] =	stream.indirect.gather [hbm4b:s3+s6], $0x10, s0, s6, $0xb8;
	[tilespmem:$0xEA00] =	vst v63  }
0x131: {  	s14 =	simm.s32 $0x1  }
0x132: {  	[tilespmem:s2], [sflag:$0x1] =	stream.indirect.gather [hbm4b:s3+s6], $0x10, s1, s6, $0xb8;
	[tilespmem:$0xEA00] =	vst v63  }
0x133: {  	p1 =	sne.s32 s10, $0x1;
	_ =	swait.ge [sflag:s14], $0xD000  }
.Ltmp2:
0x134: {  	s28 =	simm.s32 $0x1A00;
	[sflag:s14] =	ssyncset.done $0x0;
	(pc) =	sbr.rel @p1 .LBB2_3-.Ltmp2, $4  }
0x135: {  	s2 =	simm.s32 $0x0;
	s12 =	rddreg [dreg:$0x5];
	[sflag:s14] =	ssyncadd.s32 $0xFFFF3000  }
0x136: {  	[hbm4b:s12+s2] =	stream.linear.scatter [tilespmem:s28], [sflag:$0x2], $0xD000, $0x38;
	[tilespmem:$0xEA00] =	vst v63  }
0x137: {  	_ =	swait.ge [sflag:s4], $0xD000  }
0x138: {  	s10 =	sadd.s32 $0xFFFFFFFF, s10;
	s11 =	rddreg [dreg:$0x2];
	[sflag:s4] =	ssyncset.done $0x0  }
0x139: {  	s12 =	simm.s32 $0x7200  }
0x13a: {  	s29 =	simm.s32 $0xC200;
	s30 =	simm.s32 $0x7A00;
	s31 =	simm.s32 $0xBA00  }
.LBB2_5:
0x13b: {  	[sflag:s4] =	ssyncadd.s32 @p0 $0xFFFF3000  }
0x13c: {  	[tilespmem:s2], [sflag:$0x2] =	stream.linear.gather [hbm4b:s11+s2], $0xD00, $0x38;
	[tilespmem:$0xEA00] =	vst v63  }
0x13d: {  	_ =	swait.ge [sflag:s4], $0xD00  }
0x13e: {  	[sflag:s4] =	ssyncset.done $0x0  }
0x13f: {  	s0 =	simm.s32 $0xD00;
	s10 =	rddreg [dreg:$0x3];
	[sflag:s4] =	ssyncadd.s32 $0xFFFFF300  }
0x140: {  	[tilespmem:s0], [sflag:$0x2] =	stream.linear.gather [hbm4b:s10+s2], $0xD00, $0x38;
	[tilespmem:$0xEA00] =	vst v63  }
0x141: {  	_ =	swait.ge [sflag:s4], $0xD00  }
0x142: {  	[sflag:s4] =	ssyncset.done $0x0  }
0x143: {  	[sflag:s4] =	ssyncadd.s32 $0xFFFFF300  }
0x144: {  	[tilespmem:s28], [sflag:$0x1] =	stream.indirect.gather [hbm4b:s7+s6], $0x10, s2, s6, $0xb8;
	[tilespmem:$0xEA00] =	vst v63  }
0x145: {  	s15 =	simm.s32 $0x2200  }
0x146: {  	[tilespmem:s15], [sflag:$0x1] =	stream.indirect.gather [hbm4b:s7+s6], $0x10, s6, s6, $0xb8;
	[tilespmem:$0xEA00] =	vst v63  }
0x147: {  	s16 =	simm.s32 $0x2A00;
	s28 =	rddreg [dreg:$0x6]  }
0x148: {  	[tilespmem:s16], [sflag:$0x1] =	stream.indirect.gather [hbm4b:s7+s6], $0x10, s28, s6, $0xb8;
	[tilespmem:$0xEA00] =	vst v63  }
0x149: {  	s17 =	simm.s32 $0x3200;
	s0 =	rddreg [dreg:$0x7]  }
0x14a: {  	[tilespmem:s17], [sflag:$0x1] =	stream.indirect.gather [hbm4b:s7+s6], $0x10, s0, s6, $0xb8;
	[tilespmem:$0xEA00] =	vst v63  }
0x14b: {  	s18 =	simm.s32 $0x3A00;
	s1 =	rddreg [dreg:$0x8]  }
0x14c: {  	[tilespmem:s18], [sflag:$0x1] =	stream.indirect.gather [hbm4b:s7+s6], $0x10, s1, s6, $0xb8;
	[tilespmem:$0xEA00] =	vst v63  }
0x14d: {  	s19 =	simm.s32 $0x4200;
	s5 =	rddreg [dreg:$0x9]  }
0x14e: {  	[tilespmem:s19], [sflag:$0x1] =	stream.indirect.gather [hbm4b:s7+s6], $0x10, s5, s6, $0xb8;
	[tilespmem:$0xEA00] =	vst v63  }
0x14f: {  	s20 =	simm.s32 $0x4A00;
	s8 =	rddreg [dreg:$0xa]  }
0x150: {  	[tilespmem:s20], [sflag:$0x1] =	stream.indirect.gather [hbm4b:s7+s6], $0x10, s8, s6, $0xb8;
	[tilespmem:$0xEA00] =	vst v63  }
0x151: {  	s21 =	simm.s32 $0x5200;
	s9 =	rddreg [dreg:$0xb]  }
0x152: {  	[tilespmem:s21], [sflag:$0x1] =	stream.indirect.gather [hbm4b:s7+s6], $0x10, s9, s6, $0xb8;
	[tilespmem:$0xEA00] =	vst v63  }
0x153: {  	s22 =	simm.s32 $0x5A00;
	s13 =	rddreg [dreg:$0xc]  }
0x154: {  	[tilespmem:s22], [sflag:$0x1] =	stream.indirect.gather [hbm4b:s7+s6], $0x10, s13, s6, $0xb8;
	[tilespmem:$0xEA00] =	vst v63  }
0x155: {  	s25 =	simm.s32 $0x6200;
	s23 =	rddreg [dreg:$0xd]  }
0x156: {  	[tilespmem:s25], [sflag:$0x1] =	stream.indirect.gather [hbm4b:s7+s6], $0x10, s23, s6, $0xb8;
	[tilespmem:$0xEA00] =	vst v63  }
0x157: {  	s24 =	rddreg [dreg:$0xe];
	s28 =	simm.s32 $0x6A00  }
0x158: {  	[tilespmem:s28], [sflag:$0x1] =	stream.indirect.gather [hbm4b:s7+s6], $0x10, s24, s6, $0xb8;
	[tilespmem:$0xEA00] =	vst v63  }
0x159: {  	s26 =	rddreg [dreg:$0xf]  }
0x15a: {  	[tilespmem:s12], [sflag:$0x1] =	stream.indirect.gather [hbm4b:s7+s6], $0x10, s26, s6, $0xb8;
	[tilespmem:$0xEA00] =	vst v63  }
0x15b: {  	s0 =	rddreg [dreg:$0x10]  }
0x15c: {  	[tilespmem:s30], [sflag:$0x1] =	stream.indirect.gather [hbm4b:s7+s6], $0x10, s0, s6, $0xb8;
	[tilespmem:$0xEA00] =	vst v63  }
0x15d: {  	s1 =	rddreg [dreg:$0x11];
	s0 =	simm.s32 $0x8200  }
0x15e: {  	[tilespmem:s0], [sflag:$0x1] =	stream.indirect.gather [hbm4b:s7+s6], $0x10, s1, s6, $0xb8;
	[tilespmem:$0xEA00] =	vst v63  }
0x15f: {  	s8 =	rddreg [dreg:$0x12];
	s13 =	simm.s32 $0x8A00  }
0x160: {  	[tilespmem:s13], [sflag:$0x1] =	stream.indirect.gather [hbm4b:s7+s6], $0x10, s8, s6, $0xb8;
	[tilespmem:$0xEA00] =	vst v63  }
0x161: {  	s9 =	rddreg [dreg:$0x13];
	s8 =	simm.s32 $0x9200  }
0x162: {  	[tilespmem:s8], [sflag:$0x1] =	stream.indirect.gather [hbm4b:s7+s6], $0x10, s9, s6, $0xb8;
	[tilespmem:$0xEA00] =	vst v63  }
0x163: {  	s12 =	rddreg [dreg:$0x14];
	s9 =	simm.s32 $0x9A00  }
0x164: {  	[tilespmem:s9], [sflag:$0x1] =	stream.indirect.gather [hbm4b:s7+s6], $0x10, s12, s6, $0xb8;
	[tilespmem:$0xEA00] =	vst v63  }
0x165: {  	s23 =	rddreg [dreg:$0x15];
	s1 =	simm.s32 $0xA200  }
0x166: {  	[tilespmem:s1], [sflag:$0x1] =	stream.indirect.gather [hbm4b:s7+s6], $0x10, s23, s6, $0xb8;
	[tilespmem:$0xEA00] =	vst v63  }
0x167: {  	s24 =	rddreg [dreg:$0x16];
	s12 =	simm.s32 $0xAA00  }
0x168: {  	[tilespmem:s12], [sflag:$0x1] =	stream.indirect.gather [hbm4b:s7+s6], $0x10, s24, s6, $0xb8;
	[tilespmem:$0xEA00] =	vst v63  }
0x169: {  	s26 =	rddreg [dreg:$0x17];
	s1 =	simm.s32 $0xB200  }
0x16a: {  	[tilespmem:s1], [sflag:$0x1] =	stream.indirect.gather [hbm4b:s7+s6], $0x10, s26, s6, $0xb8;
	[tilespmem:$0xEA00] =	vst v63  }
0x16b: {  	s23 =	rddreg [dreg:$0x18]  }
0x16c: {  	[tilespmem:s31], [sflag:$0x1] =	stream.indirect.gather [hbm4b:s7+s6], $0x10, s23, s6, $0xb8;
	[tilespmem:$0xEA00] =	vst v63  }
0x16d: {  	s24 =	rddreg [dreg:$0x19]  }
0x16e: {  	[tilespmem:s29], [sflag:$0x1] =	stream.indirect.gather [hbm4b:s7+s6], $0x10, s24, s6, $0xb8;
	[tilespmem:$0xEA00] =	vst v63  }
0x16f: {  	s12 =	simm.s32 $0xCA00;
	s26 =	rddreg [dreg:$0x1a]  }
0x170: {  	[tilespmem:s12], [sflag:$0x1] =	stream.indirect.gather [hbm4b:s7+s6], $0x10, s26, s6, $0xb8;
	[tilespmem:$0xEA00] =	vst v63  }
0x171: {  	s23 =	rddreg [dreg:$0x1b];
	s26 =	simm.s32 $0xD200  }
0x172: {  	[tilespmem:s26], [sflag:$0x1] =	stream.indirect.gather [hbm4b:s7+s6], $0x10, s23, s6, $0xb8;
	[tilespmem:$0xEA00] =	vst v63  }
0x173: {  	s24 =	rddreg [dreg:$0x1c];
	s23 =	simm.s32 $0xDA00  }
0x174: {  	[tilespmem:s23], [sflag:$0x1] =	stream.indirect.gather [hbm4b:s7+s6], $0x10, s24, s6, $0xb8;
	[tilespmem:$0xEA00] =	vst v63  }
0x175: {  	s11 =	rddreg [dreg:$0x1d];
	s24 =	simm.s32 $0xE200  }
0x176: {  	[tilespmem:s24], [sflag:$0x1] =	stream.indirect.gather [hbm4b:s7+s6], $0x10, s11, s6, $0xb8;
	[tilespmem:$0xEA00] =	vst v63  }
0x177: {  	_ =	swait.ge [sflag:s14], $0xD000  }
0x178: {  	[sflag:s14] =	ssyncset.done $0x0  }
0x179: {  	s5 =	simm.s32 $0x1A00;
	s10 =	rddreg [dreg:$0x4];
	[sflag:s14] =	ssyncadd.s32 $0xFFFF3000  }
0x17a: {  	[hbm4b:s10+s2] =	stream.linear.scatter [tilespmem:s5], [sflag:$0x2], $0xD000, $0x38;
	[tilespmem:$0xEA00] =	vst v63  }
0x17b: {  	_ =	swait.ge [sflag:s4], $0xD000  }
0x17c: {  	[sflag:s4] =	ssyncset.done $0x0  }
0x17d: {  	s11 =	simm.s32 $0xD00;
	s7 =	rddreg [dreg:$0x1e];
	[sflag:s4] =	ssyncadd.s32 $0xFFFF3000  }
0x17e: {  	[tilespmem:s5], [sflag:$0x1] =	stream.indirect.gather [hbm4b:s3+s6], $0x10, s11, s6, $0xb8;
	[tilespmem:$0xEA00] =	vst v63  }
0x17f: {  	s11 =	rddreg [dreg:$0x1f]  }
0x180: {  	[tilespmem:s15], [sflag:$0x1] =	stream.indirect.gather [hbm4b:s3+s6], $0x10, s7, s6, $0xb8;
	[tilespmem:$0xEA00] =	vst v63  }
0x181: {  	s15 =	sld [smem:$0x7E7]  }
0x182: {  	[tilespmem:s16], [sflag:$0x1] =	stream.indirect.gather [hbm4b:s3+s6], $0x10, s11, s6, $0xb8;
	[tilespmem:$0xEA00] =	vst v63  }
0x183: {  	s11 =	sld [smem:$0x7E8]  }
0x184: {  	[tilespmem:s17], [sflag:$0x1] =	stream.indirect.gather [hbm4b:s3+s6], $0x10, s15, s6, $0xb8;
	[tilespmem:$0xEA00] =	vst v63  }
0x185: {  	s15 =	sld [smem:$0x7E9]  }
0x186: {  	[tilespmem:s18], [sflag:$0x1] =	stream.indirect.gather [hbm4b:s3+s6], $0x10, s11, s6, $0xb8;
	[tilespmem:$0xEA00] =	vst v63  }
0x187: {  	s16 =	sld [smem:$0x7EA]  }
0x188: {  	[tilespmem:s19], [sflag:$0x1] =	stream.indirect.gather [hbm4b:s3+s6], $0x10, s15, s6, $0xb8;
	[tilespmem:$0xEA00] =	vst v63  }
0x189: {  	s17 =	sld [smem:$0x7EB]  }
0x18a: {  	[tilespmem:s20], [sflag:$0x1] =	stream.indirect.gather [hbm4b:s3+s6], $0x10, s16, s6, $0xb8;
	[tilespmem:$0xEA00] =	vst v63  }
0x18b: {  	s18 =	sld [smem:$0x7EC]  }
0x18c: {  	[tilespmem:s21], [sflag:$0x1] =	stream.indirect.gather [hbm4b:s3+s6], $0x10, s17, s6, $0xb8;
	[tilespmem:$0xEA00] =	vst v63  }
0x18d: {  	s19 =	sld [smem:$0x7ED]  }
0x18e: {  	[tilespmem:s22], [sflag:$0x1] =	stream.indirect.gather [hbm4b:s3+s6], $0x10, s18, s6, $0xb8;
	[tilespmem:$0xEA00] =	vst v63  }
0x18f: {  	s20 =	sld [smem:$0x7EE]  }
0x190: {  	[tilespmem:s25], [sflag:$0x1] =	stream.indirect.gather [hbm4b:s3+s6], $0x10, s19, s6, $0xb8;
	[tilespmem:$0xEA00] =	vst v63  }
0x191: {  	s21 =	sld [smem:$0x7EF]  }
0x192: {  	[tilespmem:s28], [sflag:$0x1] =	stream.indirect.gather [hbm4b:s3+s6], $0x10, s20, s6, $0xb8;
	[tilespmem:$0xEA00] =	vst v63  }
0x193: {  	s22 =	sld [smem:$0x7F0];
	s25 =	simm.s32 $0x7200  }
0x194: {  	[tilespmem:s25], [sflag:$0x1] =	stream.indirect.gather [hbm4b:s3+s6], $0x10, s21, s6, $0xb8;
	[tilespmem:$0xEA00] =	vst v63  }
0x195: {  	s28 =	sld [smem:$0x7F1]  }
0x196: {  	[tilespmem:s30], [sflag:$0x1] =	stream.indirect.gather [hbm4b:s3+s6], $0x10, s22, s6, $0xb8;
	[tilespmem:$0xEA00] =	vst v63  }
0x197: {  	s30 =	sld [smem:$0x7F2]  }
0x198: {  	[tilespmem:s0], [sflag:$0x1] =	stream.indirect.gather [hbm4b:s3+s6], $0x10, s28, s6, $0xb8;
	[tilespmem:$0xEA00] =	vst v63  }
0x199: {  	s11 =	sld [smem:$0x7F3]  }
0x19a: {  	[tilespmem:s13], [sflag:$0x1] =	stream.indirect.gather [hbm4b:s3+s6], $0x10, s30, s6, $0xb8;
	[tilespmem:$0xEA00] =	vst v63  }
0x19b: {  	s13 =	sld [smem:$0x7F4]  }
0x19c: {  	[tilespmem:s8], [sflag:$0x1] =	stream.indirect.gather [hbm4b:s3+s6], $0x10, s11, s6, $0xb8;
	[tilespmem:$0xEA00] =	vst v63  }
0x19d: {  	s15 =	sld [smem:$0x7F5]  }
0x19e: {  	[tilespmem:s9], [sflag:$0x1] =	stream.indirect.gather [hbm4b:s3+s6], $0x10, s13, s6, $0xb8;
	[tilespmem:$0xEA00] =	vst v63  }
0x19f: {  	s16 =	sld [smem:$0x7F6];
	s17 =	simm.s32 $0xA200  }
0x1a0: {  	[tilespmem:s17], [sflag:$0x1] =	stream.indirect.gather [hbm4b:s3+s6], $0x10, s15, s6, $0xb8;
	[tilespmem:$0xEA00] =	vst v63  }
0x1a1: {  	s18 =	sld [smem:$0x7F7];
	s19 =	simm.s32 $0xAA00  }
0x1a2: {  	[tilespmem:s19], [sflag:$0x1] =	stream.indirect.gather [hbm4b:s3+s6], $0x10, s16, s6, $0xb8;
	[tilespmem:$0xEA00] =	vst v63  }
0x1a3: {  	s20 =	sld [smem:$0x7F8]  }
0x1a4: {  	[tilespmem:s1], [sflag:$0x1] =	stream.indirect.gather [hbm4b:s3+s6], $0x10, s18, s6, $0xb8;
	[tilespmem:$0xEA00] =	vst v63  }
0x1a5: {  	s21 =	sld [smem:$0x7F9]  }
0x1a6: {  	[tilespmem:s31], [sflag:$0x1] =	stream.indirect.gather [hbm4b:s3+s6], $0x10, s20, s6, $0xb8;
	[tilespmem:$0xEA00] =	vst v63  }
0x1a7: {  	s22 =	sld [smem:$0x7FA]  }
0x1a8: {  	[tilespmem:s29], [sflag:$0x1] =	stream.indirect.gather [hbm4b:s3+s6], $0x10, s21, s6, $0xb8;
	[tilespmem:$0xEA00] =	vst v63  }
0x1a9: {  	s25 =	sld [smem:$0x7FB]  }
0x1aa: {  	[tilespmem:s12], [sflag:$0x1] =	stream.indirect.gather [hbm4b:s3+s6], $0x10, s22, s6, $0xb8;
	[tilespmem:$0xEA00] =	vst v63  }
0x1ab: {  	s28 =	sld [smem:$0x7FC]  }
0x1ac: {  	[tilespmem:s26], [sflag:$0x1] =	stream.indirect.gather [hbm4b:s3+s6], $0x10, s25, s6, $0xb8;
	[tilespmem:$0xEA00] =	vst v63  }
0x1ad: {  	s29 =	sld [smem:$0x7FD]  }
0x1ae: {  	[tilespmem:s23], [sflag:$0x1] =	stream.indirect.gather [hbm4b:s3+s6], $0x10, s28, s6, $0xb8;
	[tilespmem:$0xEA00] =	vst v63  }
0x1af: {  	_ = 	snop  }
0x1b0: {  	[tilespmem:s24], [sflag:$0x1] =	stream.indirect.gather [hbm4b:s3+s6], $0x10, s29, s6, $0xb8;
	[tilespmem:$0xEA00] =	vst v63  }
0x1b1: {  	_ =	swait.ge [sflag:s14], $0xD000  }
0x1b2: {  	[sflag:s14] =	ssyncset.done $0x0  }
0x1b3: {  	s30 =	rddreg [dreg:$0x5];
	[sflag:s14] =	ssyncadd.s32 $0xFFFF3000  }
0x1b4: {  	[hbm4b:s30+s2] =	stream.linear.scatter [tilespmem:s5], [sflag:$0x2], $0xD000, $0x38;
	[tilespmem:$0xEA00] =	vst v63  }
0x1b5: {  	_ =	swait.ge [sflag:s4], $0xD000  }
0x1b6: {  	[sflag:s4] =	ssyncset.done $0x0  }
0x1b7: {  	[sflag:s4] =	ssyncadd.s32 $0xFFFF3000  }
0x1b8: {  	_ =	sfence.sel $0x180000  }
0x1b9: {  	[bflag:$0x0] =	sbarrier.arrive $0xFFFF  }
0x1ba: {  	_ =	strace $0x9000004A  }
0x1bb: {  	s31 =	stileid.u32;
	[bflag:$0x2] =	sbarrier.arrive $0xFFFF  }
0x1bc: {  	p0 =	sne.s32 s31, $0x0;
	s0 =	rddreg [dreg:$0x1]  }
0x1bd: {  	s0 =	sadd.s32 @!p0 $0x100000, s0  }
0x1be: {  	[sflag:s0] =	ssyncadd.tile.s32 @!p0 $0x1;
	_ =	shalt  }
.LBB2_6:
.Ltmp3:
0x1bf: {  	(pc) =	sbr.rel .LBB2_5-.Ltmp3, $3  }
0x1c0: {  	_ =	sdelay $0x1  }
0x1c1: {  	s12 =	simm.s32 $0x7200  }
0x1c2: {  	s29 =	simm.s32 $0xC200;
	s30 =	simm.s32 $0x7A00;
	s31 =	simm.s32 $0xBA00  }
.Lfunc_end2:
_tile_overlayer_lowered:
.L_overlay_start_2:
0x1c3: {  	(tag) =	ssettag $0x2  }
0x1c4: {  	s0 =	rddreg [dreg:$0x0];
	s2 =	stileid.u32  }
0x1c5: {  	s1 =	rddreg [dreg:$0x1];
	p0 =	sne.s32 s2, $0x0  }
0x1c6: {  	s3 =	rddreg [dreg:$0x2];
	[bflag:$0x3] =	sbarrier.arrive $0xFFFF;
	s2 =	simm.s32 @!p0 $0x1C02  }
0x1c7: {  	[timem:s3], [sflag:s2] =	dma.local @!p0 [hbm:s0], s1  }
0x1c8: {  	s0 =	simm.s32 @!p0 $0x2  }
0x1c9: {  	_ =	swait.ge @!p0 [sflag:s0], s1  }
0x1ca: {  	s1 =	ssub.s32 @!p0 $0x0, s1;
	[sflag:s0] =	ssyncset.done @!p0 $0x0  }
0x1cb: {  	[sflag:s0] =	ssyncadd.s32 @!p0 s1  }
0x1cc: {  	[bflag:$0x3] =	sbarrier.arrive $0xFFFF  }
0x1cd: {  	_ =	shalt  }

</sc_bundles>
